<compile_context>
chip_gen: v7x
topology: tpu7x:2x2x1
jax: 0.10.2.dev20260603
libtpu: 0.0.44.dev20260713+nightly
codegen_flags: <defaults>
</compile_context>

<pallas_src>
import functools
import math

import jax
import jax.numpy as jnp
import numpy as np
from jax import lax
from jax.experimental import pallas as pl
from jax.experimental.pallas import tpu as pltpu
from jax.experimental.pallas import tpu_sc as plsc

_NUM_CORES = 2
_NUM_SUBCORES = 16
_NCHUNK = 1


def _positional_encoding(d_model, length):
    position = np.arange(length, dtype=np.float32)[:, None]
    div_term = np.exp(
        np.arange(0, d_model, 2, dtype=np.float32) * (-math.log(10000.0) / d_model))
    pe = np.zeros((length, d_model), dtype=np.float32)
    pe[:, 0::2] = np.sin(position * div_term)
    pe[:, 1::2] = np.cos(position * div_term)
    return jnp.asarray(pe)


def _tc_inds(align2d, alignm1, B, T):
    R = B * 32
    U = jnp.asarray(np.triu(np.ones((128, 128), np.float32)))
    O = jnp.asarray(np.ones((128, 128), np.float32))
    Lb = jnp.asarray(np.kron(np.eye(B, dtype=np.float32),
                             np.tril(np.ones((32, 32), np.float32), -1)))
    base = jnp.asarray(
        np.repeat(np.arange(B, dtype=np.int32) * T, 32)[:, None]
        * np.ones((1, 128), np.int32))

    def body(a_ref, p_ref, u_ref, o_ref, l_ref, b_ref, out_ref):
        flags = jnp.where(a_ref[...] != p_ref[...], 1.0, 0.0)
        s1 = jnp.dot(flags, u_ref[...], preferred_element_type=jnp.float32)
        rs = jnp.dot(flags, o_ref[...], preferred_element_type=jnp.float32)
        off = jnp.dot(l_ref[...], rs, preferred_element_type=jnp.float32)
        out_ref[...] = (s1 + off).astype(jnp.int32) + b_ref[...]

    out = pl.pallas_call(
        body,
        out_shape=jax.ShapeDtypeStruct((R, 128), jnp.int32),
    )(align2d, alignm1, U, O, Lb, base)
    return out.reshape(B * T)


def _sc_gather_chunk(enc_flat, inds, k, B, T, D):
    NW = _NUM_CORES * _NUM_SUBCORES
    rows = (B // _NCHUNK) * T
    span = rows // NW
    CH = 128

    mesh = plsc.VectorSubcoreMesh(core_axis_name="c", subcore_axis_name="s")

    @functools.partial(
        pl.kernel,
        out_type=jax.ShapeDtypeStruct((rows, D), jnp.float32),
        mesh=mesh,
        scratch_types=[
            pltpu.VMEM((span,), jnp.int32),
            pltpu.VMEM((CH, D), jnp.float32),
            pltpu.VMEM((CH, D), jnp.float32),
            pltpu.VMEM((CH, D), jnp.float32),
            pltpu.SemaphoreType.DMA,
            pltpu.SemaphoreType.DMA,
            pltpu.SemaphoreType.DMA,
            pltpu.SemaphoreType.DMA,
            pltpu.SemaphoreType.DMA,
            pltpu.SemaphoreType.DMA,
        ],
        compiler_params=pltpu.CompilerParams(needs_layout_passes=False),
    )
    def sc_kernel(enc_hbm, inds_hbm, out_hbm, idx_v, buf0, buf1, buf2,
                  gs0, gs1, gs2, ss0, ss1, ss2):
        wid = lax.axis_index("s") * _NUM_CORES + lax.axis_index("c")
        local0 = wid * span
        pltpu.sync_copy(inds_hbm.at[pl.ds(k * rows + local0, span)], idx_v)

        bufs = (buf0, buf1, buf2)
        gsems = (gs0, gs1, gs2)
        ssems = (ss0, ss1, ss2)
        n = span // CH
        gd = [None] * n
        sd = [None] * n
        for j in range(n):
            r = j % 3
            if j >= 3:
                sd[j - 3].wait()
            gd[j] = pltpu.async_copy(
                enc_hbm.at[idx_v.at[pl.ds(j * CH, CH)]], bufs[r], gsems[r])
            if j >= 1:
                p = (j - 1) % 3
                gd[j - 1].wait()
                sd[j - 1] = pltpu.async_copy(
                    bufs[p], out_hbm.at[pl.ds(local0 + (j - 1) * CH, CH)],
                    ssems[p])
        gd[n - 1].wait()
        sd[n - 1] = pltpu.async_copy(
            bufs[(n - 1) % 3],
            out_hbm.at[pl.ds(local0 + (n - 1) * CH, CH)], ssems[(n - 1) % 3])
        for j in range(n - 3, n):
            sd[j].wait()

    return sc_kernel(enc_flat, inds)


def _tc_postnet_chunk(gk, pe, pitch_k, beats_k, W2, wp, dvec, cvec,
                      prev, k, B, T, D):
    nb = B // _NCHUNK

    def body(*refs):
        g_ref, pe_ref, p_ref, bt_ref, w2_ref, wp_ref, dv_ref, cv_ref = refs[:8]
        o_ref = refs[-1]
        pe_t = pe_ref[...]
        x = g_ref[0] + pe_t
        acc = jnp.dot(x, w2_ref[...], preferred_element_type=jnp.float32)
        bt = bt_ref[0].astype(jnp.float32)
        o_ref[0] = (acc - pe_t + p_ref[0] * wp_ref[...]
                    + bt * dv_ref[...] + cv_ref[...])

    in_specs = [
        pl.BlockSpec((1, T, D), lambda bb: (bb, 0, 0)),
        pl.BlockSpec((T, D), lambda bb: (0, 0)),
        pl.BlockSpec((1, T, 1), lambda bb: (bb, 0, 0)),
        pl.BlockSpec((1, T, 1), lambda bb: (bb, 0, 0)),
        pl.BlockSpec((D, D), lambda bb: (0, 0)),
        pl.BlockSpec((1, D), lambda bb: (0, 0)),
        pl.BlockSpec((1, D), lambda bb: (0, 0)),
        pl.BlockSpec((1, D), lambda bb: (0, 0)),
    ]
    args = [gk.reshape(nb, T, D), pe, pitch_k, beats_k, W2, wp, dvec, cvec]
    aliases = {}
    if prev is not None:
        in_specs.append(pl.BlockSpec(memory_space=pl.ANY))
        args.append(prev)
        aliases = {8: 0}

    return pl.pallas_call(
        body,
        grid=(nb,),
        in_specs=in_specs,
        out_specs=pl.BlockSpec((1, T, D), lambda bb, _k=k: (_k * nb + bb, 0, 0)),
        out_shape=jax.ShapeDtypeStruct((B, T, D), jnp.float32),
        input_output_aliases=aliases,
    )(*args)


def kernel(encoder_out, align_phone, text_phone, pitch, beats,
           W_pitch, b_pitch, W_pos, b_pos, emb_beats):
    del text_phone
    B, T, D = encoder_out.shape
    enc_flat = encoder_out.reshape(B * T, D)

    align2d = align_phone.reshape(B * 32, 128)
    alignm1 = jnp.concatenate(
        [align_phone[:, :1], align_phone[:, :-1]], axis=1).reshape(B * 32, 128)
    inds = _tc_inds(align2d, alignm1, B, T)

    pe = _positional_encoding(D, T)
    W2 = W_pos.T + jnp.eye(D, dtype=W_pos.dtype)
    wp = W_pitch.reshape(1, D)
    dvec = (emb_beats[1] - emb_beats[0]).reshape(1, D)
    cvec = (b_pos + b_pitch + emb_beats[0]).reshape(1, D)

    nb = B // _NCHUNK
    gs = [_sc_gather_chunk(enc_flat, inds, k, B, T, D)
          for k in range(_NCHUNK)]
    out = None
    for k in range(_NCHUNK):
        pitch_k = lax.slice_in_dim(pitch, k * nb, (k + 1) * nb, axis=0)
        beats_k = lax.slice_in_dim(beats, k * nb, (k + 1) * nb, axis=0)
        out = _tc_postnet_chunk(gs[k], pe, pitch_k, beats_k, W2, wp, dvec,
                                cvec, out, k, B, T, D)
    return out

# --- scband reference (transcript-rebuilt; emitter-appended) ---
"""Pipeline reference for scband-encoder-postnet-12756052869164 (READ-ONLY COPY).

The authoritative reference and input builder live on the scoring server;
editing this copy changes nothing except your own understanding.
"""

import jax, jax.numpy as jnp
import numpy as np
import math


def _make_pe(d_model, max_len=5000):
    position = np.arange(max_len, dtype=np.float32)[:, None]
    div_term = np.exp(np.arange(0, d_model, 2, dtype=np.float32) * (-math.log(10000.0) / d_model))
    pe = np.zeros((max_len, d_model), dtype=np.float32)
    pe[:, 0::2] = np.sin(position * div_term)
    pe[:, 1::2] = np.cos(position * div_term)
    return jnp.asarray(pe)


def _aligner(encoder_out, align_phone, text_phone):
    # Faithful translation of Encoder_Postnet.aligner: a sequential scan per row
    # that advances the encoder index whenever the aligned phone stops matching
    # the current text phone, then gathers encoder states at those indices.
    def row(enc, align, text):
        def step(carry, a):
            enc_ind, before = carry
            adv = a != before
            new_ind = jnp.where(adv, enc_ind + 1, enc_ind)
            new_before = jnp.where(adv, text[new_ind], before)
            return (new_ind, new_before), new_ind
        init = (jnp.array(0, dtype=align.dtype), text[0])
        _, inds = jax.lax.scan(step, init, align[1:])
        inds = jnp.concatenate([jnp.zeros((1,), dtype=inds.dtype), inds])
        return jnp.take(enc, inds, axis=0)
    return jax.vmap(row)(encoder_out, align_phone, text_phone)


def setup_inputs(seed: int = 0) -> dict:
    key = jax.random.key(seed)
    ks = jax.random.split(key, 8)
    B, T, D = 16, 4096, 256
    encoder_out = jax.random.normal(ks[0], (B, T, D), dtype=jnp.float32)
    align_phone = jnp.arange(B * T, dtype=jnp.int32).reshape(B, T)
    text_phone = jnp.arange(B * T, dtype=jnp.int32).reshape(B, T)
    pitch = jax.random.normal(ks[1], (B, T, 1), dtype=jnp.float32)
    beats = jax.random.randint(ks[2], (B, T, 1), 0, 2, dtype=jnp.int32)
    W_pitch = jax.random.normal(ks[3], (D, 1), dtype=jnp.float32) * 0.02
    b_pitch = jnp.zeros((D,), dtype=jnp.float32)
    W_pos = jax.random.normal(ks[4], (D, D), dtype=jnp.float32) * 0.02
    b_pos = jnp.zeros((D,), dtype=jnp.float32)
    emb_beats = jax.random.normal(ks[5], (2, D), dtype=jnp.float32) * 0.02
    return {"encoder_out": encoder_out, "align_phone": align_phone, "text_phone": text_phone,
            "pitch": pitch, "beats": beats, "W_pitch": W_pitch, "b_pitch": b_pitch,
            "W_pos": W_pos, "b_pos": b_pos, "emb_beats": emb_beats}


def reference(encoder_out, align_phone, text_phone, pitch, beats,
              W_pitch, b_pitch, W_pos, b_pos, emb_beats):
    D = encoder_out.shape[-1]
    aligner_out = _aligner(encoder_out, align_phone, text_phone)  # [B, F, D]
    # fc_pitch: Linear(1, D)
    pitch_out = pitch @ W_pitch.T + b_pitch  # [B, F, D]
    out = aligner_out + pitch_out
    # emb_beats: Embedding(2, D)
    beats_emb = jnp.take(emb_beats, beats[..., 0], axis=0)  # [B, F, D]
    out = out + beats_emb
    # PositionalEncoding (eval mode, dropout identity)
    pe = _make_pe(D)
    F = aligner_out.shape[1]
    pos_encode = jnp.transpose(aligner_out, (1, 0, 2)) + pe[:F][:, None, :]
    pos_out = jnp.transpose(pos_encode, (1, 0, 2)) @ W_pos.T + b_pos
    out = out + pos_out
    return out

if __name__ == "__main__":
    import jax
    _d = setup_inputs()
    print(jax.jit(kernel)(*tuple(_d.values())))

</pallas_src>

<mosaic_0001>
#map = affine_map<(d0, d1) -> (0, 0)>
#map1 = affine_map<(d0, d1) -> (0)>
module attributes {stable_mosaic.version = 14 : i64} {
  func.func @sc_kernel(%arg0: i32, %arg1: i32, %arg2: memref<65536x256xf32, #tpu.memory_space<hbm>>, %arg3: memref<65536xi32, #tpu.memory_space<hbm>>, %arg4: memref<65536x256xf32, #tpu.memory_space<hbm>>, %arg5: memref<2048xi32, #tpu.memory_space<vmem>>, %arg6: memref<128x256xf32, #tpu.memory_space<vmem>>, %arg7: memref<128x256xf32, #tpu.memory_space<vmem>>, %arg8: memref<128x256xf32, #tpu.memory_space<vmem>>, %arg9: memref<!tpu.dma_semaphore, #tpu.memory_space<semaphore_mem>>, %arg10: memref<!tpu.dma_semaphore, #tpu.memory_space<semaphore_mem>>, %arg11: memref<!tpu.dma_semaphore, #tpu.memory_space<semaphore_mem>>, %arg12: memref<!tpu.dma_semaphore, #tpu.memory_space<semaphore_mem>>, %arg13: memref<!tpu.dma_semaphore, #tpu.memory_space<semaphore_mem>>, %arg14: memref<!tpu.dma_semaphore, #tpu.memory_space<semaphore_mem>>) attributes {dimension_semantics = [#tpu.dimension_semantics<core_parallel>, #tpu.dimension_semantics<subcore_parallel>], iteration_bounds = array<i64: 2, 16>, scalar_prefetch = 0 : i64, scratch_operands = 10 : i64, tpu.core_type = #tpu.core_type<sc_vector_subcore>, window_params = [{transform_indices = #map}, {transform_indices = #map1}, {transform_indices = #map}]} {
    %mul3A = arith.constant 2 : i32
    %mul3A_0 = arith.muli %arg1, %mul3A : i32
    %add3A = arith.addi %mul3A_0, %arg0 : i32
    %mul3A_1 = arith.constant 2048 : i32
    %mul3A_2 = arith.muli %add3A, %mul3A_1 : i32
    %add3A_3 = arith.constant 0 : i32
    %add3A_4 = arith.addi %add3A_3, %mul3A_2 : i32
    "tpu.region"() ({
      %run_scoped3A = tpu.sem_alloc : memref<!tpu.dma_semaphore, #tpu.memory_space<semaphore_mem>>
      %dma_start3A_323 = tpu.memref_slice %arg3[%add3A_4] : memref<65536xi32, #tpu.memory_space<hbm>> -> memref<2048xi32, #tpu.memory_space<hbm>>
      %dma_start3A_324 = tpu.memref_slice %arg3[%add3A_4] : memref<65536xi32, #tpu.memory_space<hbm>> -> memref<2048xi32, #tpu.memory_space<hbm>>
      tpu.enqueue_dma source(%dma_start3A_324 : memref<2048xi32, #tpu.memory_space<hbm>>) target(%arg5 : memref<2048xi32, #tpu.memory_space<vmem>>) target_semaphore(%run_scoped3A : memref<!tpu.dma_semaphore, #tpu.memory_space<semaphore_mem>>)
      %dma_wait3A_325 = tpu.memref_slice %arg3[%add3A_4] : memref<65536xi32, #tpu.memory_space<hbm>> -> memref<2048xi32, #tpu.memory_space<hbm>>
      %dma_wait3A_326 = tpu.memref_slice %arg3[%add3A_4] : memref<65536xi32, #tpu.memory_space<hbm>> -> memref<2048xi32, #tpu.memory_space<hbm>>
      tpu.wait_dma2 semaphore(%run_scoped3A : memref<!tpu.dma_semaphore, #tpu.memory_space<semaphore_mem>>) src(%dma_wait3A_326 : memref<2048xi32, #tpu.memory_space<hbm>>) dst(%arg5 : memref<2048xi32, #tpu.memory_space<vmem>>)
      tpu.yield
    }) : () -> ()
    %dma_start3A = arith.constant 0 : i32
    %dma_start3A_5 = tpu.memref_slice %arg5[%dma_start3A] : memref<2048xi32, #tpu.memory_space<vmem>> -> memref<128xi32, #tpu.memory_space<vmem>>
    %dma_start3A_6 = arith.constant 0 : i32
    %dma_start3A_7 = arith.constant 0 : i32
    %dma_start3A_8 = tpu.memref_slice %arg2[%dma_start3A_6, %dma_start3A_7] : memref<65536x256xf32, #tpu.memory_space<hbm>> -> memref<65536x256xf32, #tpu.memory_space<hbm>>
    tpu.enqueue_indirect_dma source(%dma_start3A_8 : memref<65536x256xf32, #tpu.memory_space<hbm>>) target(%arg6 : memref<128x256xf32, #tpu.memory_space<vmem>>) offsets(%dma_start3A_5 : memref<128xi32, #tpu.memory_space<vmem>>) semaphore(%arg9 : memref<!tpu.dma_semaphore, #tpu.memory_space<semaphore_mem>>)
    %dma_start3A_9 = arith.constant 128 : i32
    %dma_start3A_10 = tpu.memref_slice %arg5[%dma_start3A_9] : memref<2048xi32, #tpu.memory_space<vmem>> -> memref<128xi32, #tpu.memory_space<vmem>>
    %dma_start3A_11 = arith.constant 0 : i32
    %dma_start3A_12 = arith.constant 0 : i32
    %dma_start3A_13 = tpu.memref_slice %arg2[%dma_start3A_11, %dma_start3A_12] : memref<65536x256xf32, #tpu.memory_space<hbm>> -> memref<65536x256xf32, #tpu.memory_space<hbm>>
    tpu.enqueue_indirect_dma source(%dma_start3A_13 : memref<65536x256xf32, #tpu.memory_space<hbm>>) target(%arg7 : memref<128x256xf32, #tpu.memory_space<vmem>>) offsets(%dma_start3A_10 : memref<128xi32, #tpu.memory_space<vmem>>) semaphore(%arg10 : memref<!tpu.dma_semaphore, #tpu.memory_space<semaphore_mem>>)
    %dma_wait3A = arith.constant 0 : i32
    %dma_wait3A_14 = tpu.memref_slice %arg5[%dma_wait3A] : memref<2048xi32, #tpu.memory_space<vmem>> -> memref<128xi32, #tpu.memory_space<vmem>>
    %dma_wait3A_15 = arith.constant 0 : i32
    %dma_wait3A_16 = arith.constant 0 : i32
    %dma_wait3A_17 = tpu.memref_slice %arg2[%dma_wait3A_15, %dma_wait3A_16] : memref<65536x256xf32, #tpu.memory_space<hbm>> -> memref<65536x256xf32, #tpu.memory_space<hbm>>
    tpu.wait_indirect_dma semaphore(%arg9 : memref<!tpu.dma_semaphore, #tpu.memory_space<semaphore_mem>>) src(%dma_wait3A_17 : memref<65536x256xf32, #tpu.memory_space<hbm>>) dst(%arg6 : memref<128x256xf32, #tpu.memory_space<vmem>>)
    %add3A_18 = arith.constant 0 : i32
    %add3A_19 = arith.addi %mul3A_2, %add3A_18 : i32
    %dma_start3A_20 = arith.constant 0 : i32
    %dma_start3A_21 = tpu.memref_slice %arg4[%add3A_19, %dma_start3A_20] : memref<65536x256xf32, #tpu.memory_space<hbm>> -> memref<128x256xf32, #tpu.memory_space<hbm>>
    %dma_start3A_22 = arith.constant 0 : i32
    %dma_start3A_23 = tpu.memref_slice %arg4[%add3A_19, %dma_start3A_22] : memref<65536x256xf32, #tpu.memory_space<hbm>> -> memref<128x256xf32, #tpu.memory_space<hbm>>
    tpu.enqueue_dma source(%arg6 : memref<128x256xf32, #tpu.memory_space<vmem>>) target(%dma_start3A_23 : memref<128x256xf32, #tpu.memory_space<hbm>>) target_semaphore(%arg12 : memref<!tpu.dma_semaphore, #tpu.memory_space<semaphore_mem>>)
    %dma_start3A_24 = arith.constant 256 : i32
    %dma_start3A_25 = tpu.memref_slice %arg5[%dma_start3A_24] : memref<2048xi32, #tpu.memory_space<vmem>> -> memref<128xi32, #tpu.memory_space<vmem>>
    %dma_start3A_26 = arith.constant 0 : i32
    %dma_start3A_27 = arith.constant 0 : i32
    %dma_start3A_28 = tpu.memref_slice %arg2[%dma_start3A_26, %dma_start3A_27] : memref<65536x256xf32, #tpu.memory_space<hbm>> -> memref<65536x256xf32, #tpu.memory_space<hbm>>
    tpu.enqueue_indirect_dma source(%dma_start3A_28 : memref<65536x256xf32, #tpu.memory_space<hbm>>) target(%arg8 : memref<128x256xf32, #tpu.memory_space<vmem>>) offsets(%dma_start3A_25 : memref<128xi32, #tpu.memory_space<vmem>>) semaphore(%arg11 : memref<!tpu.dma_semaphore, #tpu.memory_space<semaphore_mem>>)
    %dma_wait3A_29 = arith.constant 128 : i32
    %dma_wait3A_30 = tpu.memref_slice %arg5[%dma_wait3A_29] : memref<2048xi32, #tpu.memory_space<vmem>> -> memref<128xi32, #tpu.memory_space<vmem>>
    %dma_wait3A_31 = arith.constant 0 : i32
    %dma_wait3A_32 = arith.constant 0 : i32
    %dma_wait3A_33 = tpu.memref_slice %arg2[%dma_wait3A_31, %dma_wait3A_32] : memref<65536x256xf32, #tpu.memory_space<hbm>> -> memref<65536x256xf32, #tpu.memory_space<hbm>>
    tpu.wait_indirect_dma semaphore(%arg10 : memref<!tpu.dma_semaphore, #tpu.memory_space<semaphore_mem>>) src(%dma_wait3A_33 : memref<65536x256xf32, #tpu.memory_space<hbm>>) dst(%arg7 : memref<128x256xf32, #tpu.memory_space<vmem>>)
    %add3A_34 = arith.constant 128 : i32
    %add3A_35 = arith.addi %mul3A_2, %add3A_34 : i32
    %dma_start3A_36 = arith.constant 0 : i32
    %dma_start3A_37 = tpu.memref_slice %arg4[%add3A_35, %dma_start3A_36] : memref<65536x256xf32, #tpu.memory_space<hbm>> -> memref<128x256xf32, #tpu.memory_space<hbm>>
    %dma_start3A_38 = arith.constant 0 : i32
    %dma_start3A_39 = tpu.memref_slice %arg4[%add3A_35, %dma_start3A_38] : memref<65536x256xf32, #tpu.memory_space<hbm>> -> memref<128x256xf32, #tpu.memory_space<hbm>>
    tpu.enqueue_dma source(%arg7 : memref<128x256xf32, #tpu.memory_space<vmem>>) target(%dma_start3A_39 : memref<128x256xf32, #tpu.memory_space<hbm>>) target_semaphore(%arg13 : memref<!tpu.dma_semaphore, #tpu.memory_space<semaphore_mem>>)
    %dma_wait3A_40 = arith.constant 0 : i32
    %dma_wait3A_41 = tpu.memref_slice %arg4[%add3A_19, %dma_wait3A_40] : memref<65536x256xf32, #tpu.memory_space<hbm>> -> memref<128x256xf32, #tpu.memory_space<hbm>>
    %dma_wait3A_42 = arith.constant 0 : i32
    %dma_wait3A_43 = tpu.memref_slice %arg4[%add3A_19, %dma_wait3A_42] : memref<65536x256xf32, #tpu.memory_space<hbm>> -> memref<128x256xf32, #tpu.memory_space<hbm>>
    tpu.wait_dma2 semaphore(%arg12 : memref<!tpu.dma_semaphore, #tpu.memory_space<semaphore_mem>>) src(%arg6 : memref<128x256xf32, #tpu.memory_space<vmem>>) dst(%dma_wait3A_43 : memref<128x256xf32, #tpu.memory_space<hbm>>)
    %dma_start3A_44 = arith.constant 384 : i32
    %dma_start3A_45 = tpu.memref_slice %arg5[%dma_start3A_44] : memref<2048xi32, #tpu.memory_space<vmem>> -> memref<128xi32, #tpu.memory_space<vmem>>
    %dma_start3A_46 = arith.constant 0 : i32
    %dma_start3A_47 = arith.constant 0 : i32
    %dma_start3A_48 = tpu.memref_slice %arg2[%dma_start3A_46, %dma_start3A_47] : memref<65536x256xf32, #tpu.memory_space<hbm>> -> memref<65536x256xf32, #tpu.memory_space<hbm>>
    tpu.enqueue_indirect_dma source(%dma_start3A_48 : memref<65536x256xf32, #tpu.memory_space<hbm>>) target(%arg6 : memref<128x256xf32, #tpu.memory_space<vmem>>) offsets(%dma_start3A_45 : memref<128xi32, #tpu.memory_space<vmem>>) semaphore(%arg9 : memref<!tpu.dma_semaphore, #tpu.memory_space<semaphore_mem>>)
    %dma_wait3A_49 = arith.constant 256 : i32
    %dma_wait3A_50 = tpu.memref_slice %arg5[%dma_wait3A_49] : memref<2048xi32, #tpu.memory_space<vmem>> -> memref<128xi32, #tpu.memory_space<vmem>>
    %dma_wait3A_51 = arith.constant 0 : i32
    %dma_wait3A_52 = arith.constant 0 : i32
    %dma_wait3A_53 = tpu.memref_slice %arg2[%dma_wait3A_51, %dma_wait3A_52] : memref<65536x256xf32, #tpu.memory_space<hbm>> -> memref<65536x256xf32, #tpu.memory_space<hbm>>
    tpu.wait_indirect_dma semaphore(%arg11 : memref<!tpu.dma_semaphore, #tpu.memory_space<semaphore_mem>>) src(%dma_wait3A_53 : memref<65536x256xf32, #tpu.memory_space<hbm>>) dst(%arg8 : memref<128x256xf32, #tpu.memory_space<vmem>>)
    %add3A_54 = arith.constant 256 : i32
    %add3A_55 = arith.addi %mul3A_2, %add3A_54 : i32
    %dma_start3A_56 = arith.constant 0 : i32
    %dma_start3A_57 = tpu.memref_slice %arg4[%add3A_55, %dma_start3A_56] : memref<65536x256xf32, #tpu.memory_space<hbm>> -> memref<128x256xf32, #tpu.memory_space<hbm>>
    %dma_start3A_58 = arith.constant 0 : i32
    %dma_start3A_59 = tpu.memref_slice %arg4[%add3A_55, %dma_start3A_58] : memref<65536x256xf32, #tpu.memory_space<hbm>> -> memref<128x256xf32, #tpu.memory_space<hbm>>
    tpu.enqueue_dma source(%arg8 : memref<128x256xf32, #tpu.memory_space<vmem>>) target(%dma_start3A_59 : memref<128x256xf32, #tpu.memory_space<hbm>>) target_semaphore(%arg14 : memref<!tpu.dma_semaphore, #tpu.memory_space<semaphore_mem>>)
    %dma_wait3A_60 = arith.constant 0 : i32
    %dma_wait3A_61 = tpu.memref_slice %arg4[%add3A_35, %dma_wait3A_60] : memref<65536x256xf32, #tpu.memory_space<hbm>> -> memref<128x256xf32, #tpu.memory_space<hbm>>
    %dma_wait3A_62 = arith.constant 0 : i32
    %dma_wait3A_63 = tpu.memref_slice %arg4[%add3A_35, %dma_wait3A_62] : memref<65536x256xf32, #tpu.memory_space<hbm>> -> memref<128x256xf32, #tpu.memory_space<hbm>>
    tpu.wait_dma2 semaphore(%arg13 : memref<!tpu.dma_semaphore, #tpu.memory_space<semaphore_mem>>) src(%arg7 : memref<128x256xf32, #tpu.memory_space<vmem>>) dst(%dma_wait3A_63 : memref<128x256xf32, #tpu.memory_space<hbm>>)
    %dma_start3A_64 = arith.constant 512 : i32
    %dma_start3A_65 = tpu.memref_slice %arg5[%dma_start3A_64] : memref<2048xi32, #tpu.memory_space<vmem>> -> memref<128xi32, #tpu.memory_space<vmem>>
    %dma_start3A_66 = arith.constant 0 : i32
    %dma_start3A_67 = arith.constant 0 : i32
    %dma_start3A_68 = tpu.memref_slice %arg2[%dma_start3A_66, %dma_start3A_67] : memref<65536x256xf32, #tpu.memory_space<hbm>> -> memref<65536x256xf32, #tpu.memory_space<hbm>>
    tpu.enqueue_indirect_dma source(%dma_start3A_68 : memref<65536x256xf32, #tpu.memory_space<hbm>>) target(%arg7 : memref<128x256xf32, #tpu.memory_space<vmem>>) offsets(%dma_start3A_65 : memref<128xi32, #tpu.memory_space<vmem>>) semaphore(%arg10 : memref<!tpu.dma_semaphore, #tpu.memory_space<semaphore_mem>>)
    %dma_wait3A_69 = arith.constant 384 : i32
    %dma_wait3A_70 = tpu.memref_slice %arg5[%dma_wait3A_69] : memref<2048xi32, #tpu.memory_space<vmem>> -> memref<128xi32, #tpu.memory_space<vmem>>
    %dma_wait3A_71 = arith.constant 0 : i32
    %dma_wait3A_72 = arith.constant 0 : i32
    %dma_wait3A_73 = tpu.memref_slice %arg2[%dma_wait3A_71, %dma_wait3A_72] : memref<65536x256xf32, #tpu.memory_space<hbm>> -> memref<65536x256xf32, #tpu.memory_space<hbm>>
    tpu.wait_indirect_dma semaphore(%arg9 : memref<!tpu.dma_semaphore, #tpu.memory_space<semaphore_mem>>) src(%dma_wait3A_73 : memref<65536x256xf32, #tpu.memory_space<hbm>>) dst(%arg6 : memref<128x256xf32, #tpu.memory_space<vmem>>)
    %add3A_74 = arith.constant 384 : i32
    %add3A_75 = arith.addi %mul3A_2, %add3A_74 : i32
    %dma_start3A_76 = arith.constant 0 : i32
    %dma_start3A_77 = tpu.memref_slice %arg4[%add3A_75, %dma_start3A_76] : memref<65536x256xf32, #tpu.memory_space<hbm>> -> memref<128x256xf32, #tpu.memory_space<hbm>>
    %dma_start3A_78 = arith.constant 0 : i32
    %dma_start3A_79 = tpu.memref_slice %arg4[%add3A_75, %dma_start3A_78] : memref<65536x256xf32, #tpu.memory_space<hbm>> -> memref<128x256xf32, #tpu.memory_space<hbm>>
    tpu.enqueue_dma source(%arg6 : memref<128x256xf32, #tpu.memory_space<vmem>>) target(%dma_start3A_79 : memref<128x256xf32, #tpu.memory_space<hbm>>) target_semaphore(%arg12 : memref<!tpu.dma_semaphore, #tpu.memory_space<semaphore_mem>>)
    %dma_wait3A_80 = arith.constant 0 : i32
    %dma_wait3A_81 = tpu.memref_slice %arg4[%add3A_55, %dma_wait3A_80] : memref<65536x256xf32, #tpu.memory_space<hbm>> -> memref<128x256xf32, #tpu.memory_space<hbm>>
    %dma_wait3A_82 = arith.constant 0 : i32
    %dma_wait3A_83 = tpu.memref_slice %arg4[%add3A_55, %dma_wait3A_82] : memref<65536x256xf32, #tpu.memory_space<hbm>> -> memref<128x256xf32, #tpu.memory_space<hbm>>
    tpu.wait_dma2 semaphore(%arg14 : memref<!tpu.dma_semaphore, #tpu.memory_space<semaphore_mem>>) src(%arg8 : memref<128x256xf32, #tpu.memory_space<vmem>>) dst(%dma_wait3A_83 : memref<128x256xf32, #tpu.memory_space<hbm>>)
    %dma_start3A_84 = arith.constant 640 : i32
    %dma_start3A_85 = tpu.memref_slice %arg5[%dma_start3A_84] : memref<2048xi32, #tpu.memory_space<vmem>> -> memref<128xi32, #tpu.memory_space<vmem>>
    %dma_start3A_86 = arith.constant 0 : i32
    %dma_start3A_87 = arith.constant 0 : i32
    %dma_start3A_88 = tpu.memref_slice %arg2[%dma_start3A_86, %dma_start3A_87] : memref<65536x256xf32, #tpu.memory_space<hbm>> -> memref<65536x256xf32, #tpu.memory_space<hbm>>
    tpu.enqueue_indirect_dma source(%dma_start3A_88 : memref<65536x256xf32, #tpu.memory_space<hbm>>) target(%arg8 : memref<128x256xf32, #tpu.memory_space<vmem>>) offsets(%dma_start3A_85 : memref<128xi32, #tpu.memory_space<vmem>>) semaphore(%arg11 : memref<!tpu.dma_semaphore, #tpu.memory_space<semaphore_mem>>)
    %dma_wait3A_89 = arith.constant 512 : i32
    %dma_wait3A_90 = tpu.memref_slice %arg5[%dma_wait3A_89] : memref<2048xi32, #tpu.memory_space<vmem>> -> memref<128xi32, #tpu.memory_space<vmem>>
    %dma_wait3A_91 = arith.constant 0 : i32
    %dma_wait3A_92 = arith.constant 0 : i32
    %dma_wait3A_93 = tpu.memref_slice %arg2[%dma_wait3A_91, %dma_wait3A_92] : memref<65536x256xf32, #tpu.memory_space<hbm>> -> memref<65536x256xf32, #tpu.memory_space<hbm>>
    tpu.wait_indirect_dma semaphore(%arg10 : memref<!tpu.dma_semaphore, #tpu.memory_space<semaphore_mem>>) src(%dma_wait3A_93 : memref<65536x256xf32, #tpu.memory_space<hbm>>) dst(%arg7 : memref<128x256xf32, #tpu.memory_space<vmem>>)
    %add3A_94 = arith.constant 512 : i32
    %add3A_95 = arith.addi %mul3A_2, %add3A_94 : i32
    %dma_start3A_96 = arith.constant 0 : i32
    %dma_start3A_97 = tpu.memref_slice %arg4[%add3A_95, %dma_start3A_96] : memref<65536x256xf32, #tpu.memory_space<hbm>> -> memref<128x256xf32, #tpu.memory_space<hbm>>
    %dma_start3A_98 = arith.constant 0 : i32
    %dma_start3A_99 = tpu.memref_slice %arg4[%add3A_95, %dma_start3A_98] : memref<65536x256xf32, #tpu.memory_space<hbm>> -> memref<128x256xf32, #tpu.memory_space<hbm>>
    tpu.enqueue_dma source(%arg7 : memref<128x256xf32, #tpu.memory_space<vmem>>) target(%dma_start3A_99 : memref<128x256xf32, #tpu.memory_space<hbm>>) target_semaphore(%arg13 : memref<!tpu.dma_semaphore, #tpu.memory_space<semaphore_mem>>)
    %dma_wait3A_100 = arith.constant 0 : i32
    %dma_wait3A_101 = tpu.memref_slice %arg4[%add3A_75, %dma_wait3A_100] : memref<65536x256xf32, #tpu.memory_space<hbm>> -> memref<128x256xf32, #tpu.memory_space<hbm>>
    %dma_wait3A_102 = arith.constant 0 : i32
    %dma_wait3A_103 = tpu.memref_slice %arg4[%add3A_75, %dma_wait3A_102] : memref<65536x256xf32, #tpu.memory_space<hbm>> -> memref<128x256xf32, #tpu.memory_space<hbm>>
    tpu.wait_dma2 semaphore(%arg12 : memref<!tpu.dma_semaphore, #tpu.memory_space<semaphore_mem>>) src(%arg6 : memref<128x256xf32, #tpu.memory_space<vmem>>) dst(%dma_wait3A_103 : memref<128x256xf32, #tpu.memory_space<hbm>>)
    %dma_start3A_104 = arith.constant 768 : i32
    %dma_start3A_105 = tpu.memref_slice %arg5[%dma_start3A_104] : memref<2048xi32, #tpu.memory_space<vmem>> -> memref<128xi32, #tpu.memory_space<vmem>>
    %dma_start3A_106 = arith.constant 0 : i32
    %dma_start3A_107 = arith.constant 0 : i32
    %dma_start3A_108 = tpu.memref_slice %arg2[%dma_start3A_106, %dma_start3A_107] : memref<65536x256xf32, #tpu.memory_space<hbm>> -> memref<65536x256xf32, #tpu.memory_space<hbm>>
    tpu.enqueue_indirect_dma source(%dma_start3A_108 : memref<65536x256xf32, #tpu.memory_space<hbm>>) target(%arg6 : memref<128x256xf32, #tpu.memory_space<vmem>>) offsets(%dma_start3A_105 : memref<128xi32, #tpu.memory_space<vmem>>) semaphore(%arg9 : memref<!tpu.dma_semaphore, #tpu.memory_space<semaphore_mem>>)
    %dma_wait3A_109 = arith.constant 640 : i32
    %dma_wait3A_110 = tpu.memref_slice %arg5[%dma_wait3A_109] : memref<2048xi32, #tpu.memory_space<vmem>> -> memref<128xi32, #tpu.memory_space<vmem>>
    %dma_wait3A_111 = arith.constant 0 : i32
    %dma_wait3A_112 = arith.constant 0 : i32
    %dma_wait3A_113 = tpu.memref_slice %arg2[%dma_wait3A_111, %dma_wait3A_112] : memref<65536x256xf32, #tpu.memory_space<hbm>> -> memref<65536x256xf32, #tpu.memory_space<hbm>>
    tpu.wait_indirect_dma semaphore(%arg11 : memref<!tpu.dma_semaphore, #tpu.memory_space<semaphore_mem>>) src(%dma_wait3A_113 : memref<65536x256xf32, #tpu.memory_space<hbm>>) dst(%arg8 : memref<128x256xf32, #tpu.memory_space<vmem>>)
    %add3A_114 = arith.constant 640 : i32
    %add3A_115 = arith.addi %mul3A_2, %add3A_114 : i32
    %dma_start3A_116 = arith.constant 0 : i32
    %dma_start3A_117 = tpu.memref_slice %arg4[%add3A_115, %dma_start3A_116] : memref<65536x256xf32, #tpu.memory_space<hbm>> -> memref<128x256xf32, #tpu.memory_space<hbm>>
    %dma_start3A_118 = arith.constant 0 : i32
    %dma_start3A_119 = tpu.memref_slice %arg4[%add3A_115, %dma_start3A_118] : memref<65536x256xf32, #tpu.memory_space<hbm>> -> memref<128x256xf32, #tpu.memory_space<hbm>>
    tpu.enqueue_dma source(%arg8 : memref<128x256xf32, #tpu.memory_space<vmem>>) target(%dma_start3A_119 : memref<128x256xf32, #tpu.memory_space<hbm>>) target_semaphore(%arg14 : memref<!tpu.dma_semaphore, #tpu.memory_space<semaphore_mem>>)
    %dma_wait3A_120 = arith.constant 0 : i32
    %dma_wait3A_121 = tpu.memref_slice %arg4[%add3A_95, %dma_wait3A_120] : memref<65536x256xf32, #tpu.memory_space<hbm>> -> memref<128x256xf32, #tpu.memory_space<hbm>>
    %dma_wait3A_122 = arith.constant 0 : i32
    %dma_wait3A_123 = tpu.memref_slice %arg4[%add3A_95, %dma_wait3A_122] : memref<65536x256xf32, #tpu.memory_space<hbm>> -> memref<128x256xf32, #tpu.memory_space<hbm>>
    tpu.wait_dma2 semaphore(%arg13 : memref<!tpu.dma_semaphore, #tpu.memory_space<semaphore_mem>>) src(%arg7 : memref<128x256xf32, #tpu.memory_space<vmem>>) dst(%dma_wait3A_123 : memref<128x256xf32, #tpu.memory_space<hbm>>)
    %dma_start3A_124 = arith.constant 896 : i32
    %dma_start3A_125 = tpu.memref_slice %arg5[%dma_start3A_124] : memref<2048xi32, #tpu.memory_space<vmem>> -> memref<128xi32, #tpu.memory_space<vmem>>
    %dma_start3A_126 = arith.constant 0 : i32
    %dma_start3A_127 = arith.constant 0 : i32
    %dma_start3A_128 = tpu.memref_slice %arg2[%dma_start3A_126, %dma_start3A_127] : memref<65536x256xf32, #tpu.memory_space<hbm>> -> memref<65536x256xf32, #tpu.memory_space<hbm>>
    tpu.enqueue_indirect_dma source(%dma_start3A_128 : memref<65536x256xf32, #tpu.memory_space<hbm>>) target(%arg7 : memref<128x256xf32, #tpu.memory_space<vmem>>) offsets(%dma_start3A_125 : memref<128xi32, #tpu.memory_space<vmem>>) semaphore(%arg10 : memref<!tpu.dma_semaphore, #tpu.memory_space<semaphore_mem>>)
    %dma_wait3A_129 = arith.constant 768 : i32
    %dma_wait3A_130 = tpu.memref_slice %arg5[%dma_wait3A_129] : memref<2048xi32, #tpu.memory_space<vmem>> -> memref<128xi32, #tpu.memory_space<vmem>>
    %dma_wait3A_131 = arith.constant 0 : i32
    %dma_wait3A_132 = arith.constant 0 : i32
    %dma_wait3A_133 = tpu.memref_slice %arg2[%dma_wait3A_131, %dma_wait3A_132] : memref<65536x256xf32, #tpu.memory_space<hbm>> -> memref<65536x256xf32, #tpu.memory_space<hbm>>
    tpu.wait_indirect_dma semaphore(%arg9 : memref<!tpu.dma_semaphore, #tpu.memory_space<semaphore_mem>>) src(%dma_wait3A_133 : memref<65536x256xf32, #tpu.memory_space<hbm>>) dst(%arg6 : memref<128x256xf32, #tpu.memory_space<vmem>>)
    %add3A_134 = arith.constant 768 : i32
    %add3A_135 = arith.addi %mul3A_2, %add3A_134 : i32
    %dma_start3A_136 = arith.constant 0 : i32
    %dma_start3A_137 = tpu.memref_slice %arg4[%add3A_135, %dma_start3A_136] : memref<65536x256xf32, #tpu.memory_space<hbm>> -> memref<128x256xf32, #tpu.memory_space<hbm>>
    %dma_start3A_138 = arith.constant 0 : i32
    %dma_start3A_139 = tpu.memref_slice %arg4[%add3A_135, %dma_start3A_138] : memref<65536x256xf32, #tpu.memory_space<hbm>> -> memref<128x256xf32, #tpu.memory_space<hbm>>
    tpu.enqueue_dma source(%arg6 : memref<128x256xf32, #tpu.memory_space<vmem>>) target(%dma_start3A_139 : memref<128x256xf32, #tpu.memory_space<hbm>>) target_semaphore(%arg12 : memref<!tpu.dma_semaphore, #tpu.memory_space<semaphore_mem>>)
    %dma_wait3A_140 = arith.constant 0 : i32
    %dma_wait3A_141 = tpu.memref_slice %arg4[%add3A_115, %dma_wait3A_140] : memref<65536x256xf32, #tpu.memory_space<hbm>> -> memref<128x256xf32, #tpu.memory_space<hbm>>
    %dma_wait3A_142 = arith.constant 0 : i32
    %dma_wait3A_143 = tpu.memref_slice %arg4[%add3A_115, %dma_wait3A_142] : memref<65536x256xf32, #tpu.memory_space<hbm>> -> memref<128x256xf32, #tpu.memory_space<hbm>>
    tpu.wait_dma2 semaphore(%arg14 : memref<!tpu.dma_semaphore, #tpu.memory_space<semaphore_mem>>) src(%arg8 : memref<128x256xf32, #tpu.memory_space<vmem>>) dst(%dma_wait3A_143 : memref<128x256xf32, #tpu.memory_space<hbm>>)
    %dma_start3A_144 = arith.constant 1024 : i32
    %dma_start3A_145 = tpu.memref_slice %arg5[%dma_start3A_144] : memref<2048xi32, #tpu.memory_space<vmem>> -> memref<128xi32, #tpu.memory_space<vmem>>
    %dma_start3A_146 = arith.constant 0 : i32
    %dma_start3A_147 = arith.constant 0 : i32
    %dma_start3A_148 = tpu.memref_slice %arg2[%dma_start3A_146, %dma_start3A_147] : memref<65536x256xf32, #tpu.memory_space<hbm>> -> memref<65536x256xf32, #tpu.memory_space<hbm>>
    tpu.enqueue_indirect_dma source(%dma_start3A_148 : memref<65536x256xf32, #tpu.memory_space<hbm>>) target(%arg8 : memref<128x256xf32, #tpu.memory_space<vmem>>) offsets(%dma_start3A_145 : memref<128xi32, #tpu.memory_space<vmem>>) semaphore(%arg11 : memref<!tpu.dma_semaphore, #tpu.memory_space<semaphore_mem>>)
    %dma_wait3A_149 = arith.constant 896 : i32
    %dma_wait3A_150 = tpu.memref_slice %arg5[%dma_wait3A_149] : memref<2048xi32, #tpu.memory_space<vmem>> -> memref<128xi32, #tpu.memory_space<vmem>>
    %dma_wait3A_151 = arith.constant 0 : i32
    %dma_wait3A_152 = arith.constant 0 : i32
    %dma_wait3A_153 = tpu.memref_slice %arg2[%dma_wait3A_151, %dma_wait3A_152] : memref<65536x256xf32, #tpu.memory_space<hbm>> -> memref<65536x256xf32, #tpu.memory_space<hbm>>
    tpu.wait_indirect_dma semaphore(%arg10 : memref<!tpu.dma_semaphore, #tpu.memory_space<semaphore_mem>>) src(%dma_wait3A_153 : memref<65536x256xf32, #tpu.memory_space<hbm>>) dst(%arg7 : memref<128x256xf32, #tpu.memory_space<vmem>>)
    %add3A_154 = arith.constant 896 : i32
    %add3A_155 = arith.addi %mul3A_2, %add3A_154 : i32
    %dma_start3A_156 = arith.constant 0 : i32
    %dma_start3A_157 = tpu.memref_slice %arg4[%add3A_155, %dma_start3A_156] : memref<65536x256xf32, #tpu.memory_space<hbm>> -> memref<128x256xf32, #tpu.memory_space<hbm>>
    %dma_start3A_158 = arith.constant 0 : i32
    %dma_start3A_159 = tpu.memref_slice %arg4[%add3A_155, %dma_start3A_158] : memref<65536x256xf32, #tpu.memory_space<hbm>> -> memref<128x256xf32, #tpu.memory_space<hbm>>
    tpu.enqueue_dma source(%arg7 : memref<128x256xf32, #tpu.memory_space<vmem>>) target(%dma_start3A_159 : memref<128x256xf32, #tpu.memory_space<hbm>>) target_semaphore(%arg13 : memref<!tpu.dma_semaphore, #tpu.memory_space<semaphore_mem>>)
    %dma_wait3A_160 = arith.constant 0 : i32
    %dma_wait3A_161 = tpu.memref_slice %arg4[%add3A_135, %dma_wait3A_160] : memref<65536x256xf32, #tpu.memory_space<hbm>> -> memref<128x256xf32, #tpu.memory_space<hbm>>
    %dma_wait3A_162 = arith.constant 0 : i32
    %dma_wait3A_163 = tpu.memref_slice %arg4[%add3A_135, %dma_wait3A_162] : memref<65536x256xf32, #tpu.memory_space<hbm>> -> memref<128x256xf32, #tpu.memory_space<hbm>>
    tpu.wait_dma2 semaphore(%arg12 : memref<!tpu.dma_semaphore, #tpu.memory_space<semaphore_mem>>) src(%arg6 : memref<128x256xf32, #tpu.memory_space<vmem>>) dst(%dma_wait3A_163 : memref<128x256xf32, #tpu.memory_space<hbm>>)
    %dma_start3A_164 = arith.constant 1152 : i32
    %dma_start3A_165 = tpu.memref_slice %arg5[%dma_start3A_164] : memref<2048xi32, #tpu.memory_space<vmem>> -> memref<128xi32, #tpu.memory_space<vmem>>
    %dma_start3A_166 = arith.constant 0 : i32
    %dma_start3A_167 = arith.constant 0 : i32
    %dma_start3A_168 = tpu.memref_slice %arg2[%dma_start3A_166, %dma_start3A_167] : memref<65536x256xf32, #tpu.memory_space<hbm>> -> memref<65536x256xf32, #tpu.memory_space<hbm>>
    tpu.enqueue_indirect_dma source(%dma_start3A_168 : memref<65536x256xf32, #tpu.memory_space<hbm>>) target(%arg6 : memref<128x256xf32, #tpu.memory_space<vmem>>) offsets(%dma_start3A_165 : memref<128xi32, #tpu.memory_space<vmem>>) semaphore(%arg9 : memref<!tpu.dma_semaphore, #tpu.memory_space<semaphore_mem>>)
    %dma_wait3A_169 = arith.constant 1024 : i32
    %dma_wait3A_170 = tpu.memref_slice %arg5[%dma_wait3A_169] : memref<2048xi32, #tpu.memory_space<vmem>> -> memref<128xi32, #tpu.memory_space<vmem>>
    %dma_wait3A_171 = arith.constant 0 : i32
    %dma_wait3A_172 = arith.constant 0 : i32
    %dma_wait3A_173 = tpu.memref_slice %arg2[%dma_wait3A_171, %dma_wait3A_172] : memref<65536x256xf32, #tpu.memory_space<hbm>> -> memref<65536x256xf32, #tpu.memory_space<hbm>>
    tpu.wait_indirect_dma semaphore(%arg11 : memref<!tpu.dma_semaphore, #tpu.memory_space<semaphore_mem>>) src(%dma_wait3A_173 : memref<65536x256xf32, #tpu.memory_space<hbm>>) dst(%arg8 : memref<128x256xf32, #tpu.memory_space<vmem>>)
    %add3A_174 = arith.constant 1024 : i32
    %add3A_175 = arith.addi %mul3A_2, %add3A_174 : i32
    %dma_start3A_176 = arith.constant 0 : i32
    %dma_start3A_177 = tpu.memref_slice %arg4[%add3A_175, %dma_start3A_176] : memref<65536x256xf32, #tpu.memory_space<hbm>> -> memref<128x256xf32, #tpu.memory_space<hbm>>
    %dma_start3A_178 = arith.constant 0 : i32
    %dma_start3A_179 = tpu.memref_slice %arg4[%add3A_175, %dma_start3A_178] : memref<65536x256xf32, #tpu.memory_space<hbm>> -> memref<128x256xf32, #tpu.memory_space<hbm>>
    tpu.enqueue_dma source(%arg8 : memref<128x256xf32, #tpu.memory_space<vmem>>) target(%dma_start3A_179 : memref<128x256xf32, #tpu.memory_space<hbm>>) target_semaphore(%arg14 : memref<!tpu.dma_semaphore, #tpu.memory_space<semaphore_mem>>)
    %dma_wait3A_180 = arith.constant 0 : i32
    %dma_wait3A_181 = tpu.memref_slice %arg4[%add3A_155, %dma_wait3A_180] : memref<65536x256xf32, #tpu.memory_space<hbm>> -> memref<128x256xf32, #tpu.memory_space<hbm>>
    %dma_wait3A_182 = arith.constant 0 : i32
    %dma_wait3A_183 = tpu.memref_slice %arg4[%add3A_155, %dma_wait3A_182] : memref<65536x256xf32, #tpu.memory_space<hbm>> -> memref<128x256xf32, #tpu.memory_space<hbm>>
    tpu.wait_dma2 semaphore(%arg13 : memref<!tpu.dma_semaphore, #tpu.memory_space<semaphore_mem>>) src(%arg7 : memref<128x256xf32, #tpu.memory_space<vmem>>) dst(%dma_wait3A_183 : memref<128x256xf32, #tpu.memory_space<hbm>>)
    %dma_start3A_184 = arith.constant 1280 : i32
    %dma_start3A_185 = tpu.memref_slice %arg5[%dma_start3A_184] : memref<2048xi32, #tpu.memory_space<vmem>> -> memref<128xi32, #tpu.memory_space<vmem>>
    %dma_start3A_186 = arith.constant 0 : i32
    %dma_start3A_187 = arith.constant 0 : i32
    %dma_start3A_188 = tpu.memref_slice %arg2[%dma_start3A_186, %dma_start3A_187] : memref<65536x256xf32, #tpu.memory_space<hbm>> -> memref<65536x256xf32, #tpu.memory_space<hbm>>
    tpu.enqueue_indirect_dma source(%dma_start3A_188 : memref<65536x256xf32, #tpu.memory_space<hbm>>) target(%arg7 : memref<128x256xf32, #tpu.memory_space<vmem>>) offsets(%dma_start3A_185 : memref<128xi32, #tpu.memory_space<vmem>>) semaphore(%arg10 : memref<!tpu.dma_semaphore, #tpu.memory_space<semaphore_mem>>)
    %dma_wait3A_189 = arith.constant 1152 : i32
    %dma_wait3A_190 = tpu.memref_slice %arg5[%dma_wait3A_189] : memref<2048xi32, #tpu.memory_space<vmem>> -> memref<128xi32, #tpu.memory_space<vmem>>
    %dma_wait3A_191 = arith.constant 0 : i32
    %dma_wait3A_192 = arith.constant 0 : i32
    %dma_wait3A_193 = tpu.memref_slice %arg2[%dma_wait3A_191, %dma_wait3A_192] : memref<65536x256xf32, #tpu.memory_space<hbm>> -> memref<65536x256xf32, #tpu.memory_space<hbm>>
    tpu.wait_indirect_dma semaphore(%arg9 : memref<!tpu.dma_semaphore, #tpu.memory_space<semaphore_mem>>) src(%dma_wait3A_193 : memref<65536x256xf32, #tpu.memory_space<hbm>>) dst(%arg6 : memref<128x256xf32, #tpu.memory_space<vmem>>)
    %add3A_194 = arith.constant 1152 : i32
    %add3A_195 = arith.addi %mul3A_2, %add3A_194 : i32
    %dma_start3A_196 = arith.constant 0 : i32
    %dma_start3A_197 = tpu.memref_slice %arg4[%add3A_195, %dma_start3A_196] : memref<65536x256xf32, #tpu.memory_space<hbm>> -> memref<128x256xf32, #tpu.memory_space<hbm>>
    %dma_start3A_198 = arith.constant 0 : i32
    %dma_start3A_199 = tpu.memref_slice %arg4[%add3A_195, %dma_start3A_198] : memref<65536x256xf32, #tpu.memory_space<hbm>> -> memref<128x256xf32, #tpu.memory_space<hbm>>
    tpu.enqueue_dma source(%arg6 : memref<128x256xf32, #tpu.memory_space<vmem>>) target(%dma_start3A_199 : memref<128x256xf32, #tpu.memory_space<hbm>>) target_semaphore(%arg12 : memref<!tpu.dma_semaphore, #tpu.memory_space<semaphore_mem>>)
    %dma_wait3A_200 = arith.constant 0 : i32
    %dma_wait3A_201 = tpu.memref_slice %arg4[%add3A_175, %dma_wait3A_200] : memref<65536x256xf32, #tpu.memory_space<hbm>> -> memref<128x256xf32, #tpu.memory_space<hbm>>
    %dma_wait3A_202 = arith.constant 0 : i32
    %dma_wait3A_203 = tpu.memref_slice %arg4[%add3A_175, %dma_wait3A_202] : memref<65536x256xf32, #tpu.memory_space<hbm>> -> memref<128x256xf32, #tpu.memory_space<hbm>>
    tpu.wait_dma2 semaphore(%arg14 : memref<!tpu.dma_semaphore, #tpu.memory_space<semaphore_mem>>) src(%arg8 : memref<128x256xf32, #tpu.memory_space<vmem>>) dst(%dma_wait3A_203 : memref<128x256xf32, #tpu.memory_space<hbm>>)
    %dma_start3A_204 = arith.constant 1408 : i32
    %dma_start3A_205 = tpu.memref_slice %arg5[%dma_start3A_204] : memref<2048xi32, #tpu.memory_space<vmem>> -> memref<128xi32, #tpu.memory_space<vmem>>
    %dma_start3A_206 = arith.constant 0 : i32
    %dma_start3A_207 = arith.constant 0 : i32
    %dma_start3A_208 = tpu.memref_slice %arg2[%dma_start3A_206, %dma_start3A_207] : memref<65536x256xf32, #tpu.memory_space<hbm>> -> memref<65536x256xf32, #tpu.memory_space<hbm>>
    tpu.enqueue_indirect_dma source(%dma_start3A_208 : memref<65536x256xf32, #tpu.memory_space<hbm>>) target(%arg8 : memref<128x256xf32, #tpu.memory_space<vmem>>) offsets(%dma_start3A_205 : memref<128xi32, #tpu.memory_space<vmem>>) semaphore(%arg11 : memref<!tpu.dma_semaphore, #tpu.memory_space<semaphore_mem>>)
    %dma_wait3A_209 = arith.constant 1280 : i32
    %dma_wait3A_210 = tpu.memref_slice %arg5[%dma_wait3A_209] : memref<2048xi32, #tpu.memory_space<vmem>> -> memref<128xi32, #tpu.memory_space<vmem>>
    %dma_wait3A_211 = arith.constant 0 : i32
    %dma_wait3A_212 = arith.constant 0 : i32
    %dma_wait3A_213 = tpu.memref_slice %arg2[%dma_wait3A_211, %dma_wait3A_212] : memref<65536x256xf32, #tpu.memory_space<hbm>> -> memref<65536x256xf32, #tpu.memory_space<hbm>>
    tpu.wait_indirect_dma semaphore(%arg10 : memref<!tpu.dma_semaphore, #tpu.memory_space<semaphore_mem>>) src(%dma_wait3A_213 : memref<65536x256xf32, #tpu.memory_space<hbm>>) dst(%arg7 : memref<128x256xf32, #tpu.memory_space<vmem>>)
    %add3A_214 = arith.constant 1280 : i32
    %add3A_215 = arith.addi %mul3A_2, %add3A_214 : i32
    %dma_start3A_216 = arith.constant 0 : i32
    %dma_start3A_217 = tpu.memref_slice %arg4[%add3A_215, %dma_start3A_216] : memref<65536x256xf32, #tpu.memory_space<hbm>> -> memref<128x256xf32, #tpu.memory_space<hbm>>
    %dma_start3A_218 = arith.constant 0 : i32
    %dma_start3A_219 = tpu.memref_slice %arg4[%add3A_215, %dma_start3A_218] : memref<65536x256xf32, #tpu.memory_space<hbm>> -> memref<128x256xf32, #tpu.memory_space<hbm>>
    tpu.enqueue_dma source(%arg7 : memref<128x256xf32, #tpu.memory_space<vmem>>) target(%dma_start3A_219 : memref<128x256xf32, #tpu.memory_space<hbm>>) target_semaphore(%arg13 : memref<!tpu.dma_semaphore, #tpu.memory_space<semaphore_mem>>)
    %dma_wait3A_220 = arith.constant 0 : i32
    %dma_wait3A_221 = tpu.memref_slice %arg4[%add3A_195, %dma_wait3A_220] : memref<65536x256xf32, #tpu.memory_space<hbm>> -> memref<128x256xf32, #tpu.memory_space<hbm>>
    %dma_wait3A_222 = arith.constant 0 : i32
    %dma_wait3A_223 = tpu.memref_slice %arg4[%add3A_195, %dma_wait3A_222] : memref<65536x256xf32, #tpu.memory_space<hbm>> -> memref<128x256xf32, #tpu.memory_space<hbm>>
    tpu.wait_dma2 semaphore(%arg12 : memref<!tpu.dma_semaphore, #tpu.memory_space<semaphore_mem>>) src(%arg6 : memref<128x256xf32, #tpu.memory_space<vmem>>) dst(%dma_wait3A_223 : memref<128x256xf32, #tpu.memory_space<hbm>>)
    %dma_start3A_224 = arith.constant 1536 : i32
    %dma_start3A_225 = tpu.memref_slice %arg5[%dma_start3A_224] : memref<2048xi32, #tpu.memory_space<vmem>> -> memref<128xi32, #tpu.memory_space<vmem>>
    %dma_start3A_226 = arith.constant 0 : i32
    %dma_start3A_227 = arith.constant 0 : i32
    %dma_start3A_228 = tpu.memref_slice %arg2[%dma_start3A_226, %dma_start3A_227] : memref<65536x256xf32, #tpu.memory_space<hbm>> -> memref<65536x256xf32, #tpu.memory_space<hbm>>
    tpu.enqueue_indirect_dma source(%dma_start3A_228 : memref<65536x256xf32, #tpu.memory_space<hbm>>) target(%arg6 : memref<128x256xf32, #tpu.memory_space<vmem>>) offsets(%dma_start3A_225 : memref<128xi32, #tpu.memory_space<vmem>>) semaphore(%arg9 : memref<!tpu.dma_semaphore, #tpu.memory_space<semaphore_mem>>)
    %dma_wait3A_229 = arith.constant 1408 : i32
    %dma_wait3A_230 = tpu.memref_slice %arg5[%dma_wait3A_229] : memref<2048xi32, #tpu.memory_space<vmem>> -> memref<128xi32, #tpu.memory_space<vmem>>
    %dma_wait3A_231 = arith.constant 0 : i32
    %dma_wait3A_232 = arith.constant 0 : i32
    %dma_wait3A_233 = tpu.memref_slice %arg2[%dma_wait3A_231, %dma_wait3A_232] : memref<65536x256xf32, #tpu.memory_space<hbm>> -> memref<65536x256xf32, #tpu.memory_space<hbm>>
    tpu.wait_indirect_dma semaphore(%arg11 : memref<!tpu.dma_semaphore, #tpu.memory_space<semaphore_mem>>) src(%dma_wait3A_233 : memref<65536x256xf32, #tpu.memory_space<hbm>>) dst(%arg8 : memref<128x256xf32, #tpu.memory_space<vmem>>)
    %add3A_234 = arith.constant 1408 : i32
    %add3A_235 = arith.addi %mul3A_2, %add3A_234 : i32
    %dma_start3A_236 = arith.constant 0 : i32
    %dma_start3A_237 = tpu.memref_slice %arg4[%add3A_235, %dma_start3A_236] : memref<65536x256xf32, #tpu.memory_space<hbm>> -> memref<128x256xf32, #tpu.memory_space<hbm>>
    %dma_start3A_238 = arith.constant 0 : i32
    %dma_start3A_239 = tpu.memref_slice %arg4[%add3A_235, %dma_start3A_238] : memref<65536x256xf32, #tpu.memory_space<hbm>> -> memref<128x256xf32, #tpu.memory_space<hbm>>
    tpu.enqueue_dma source(%arg8 : memref<128x256xf32, #tpu.memory_space<vmem>>) target(%dma_start3A_239 : memref<128x256xf32, #tpu.memory_space<hbm>>) target_semaphore(%arg14 : memref<!tpu.dma_semaphore, #tpu.memory_space<semaphore_mem>>)
    %dma_wait3A_240 = arith.constant 0 : i32
    %dma_wait3A_241 = tpu.memref_slice %arg4[%add3A_215, %dma_wait3A_240] : memref<65536x256xf32, #tpu.memory_space<hbm>> -> memref<128x256xf32, #tpu.memory_space<hbm>>
    %dma_wait3A_242 = arith.constant 0 : i32
    %dma_wait3A_243 = tpu.memref_slice %arg4[%add3A_215, %dma_wait3A_242] : memref<65536x256xf32, #tpu.memory_space<hbm>> -> memref<128x256xf32, #tpu.memory_space<hbm>>
    tpu.wait_dma2 semaphore(%arg13 : memref<!tpu.dma_semaphore, #tpu.memory_space<semaphore_mem>>) src(%arg7 : memref<128x256xf32, #tpu.memory_space<vmem>>) dst(%dma_wait3A_243 : memref<128x256xf32, #tpu.memory_space<hbm>>)
    %dma_start3A_244 = arith.constant 1664 : i32
    %dma_start3A_245 = tpu.memref_slice %arg5[%dma_start3A_244] : memref<2048xi32, #tpu.memory_space<vmem>> -> memref<128xi32, #tpu.memory_space<vmem>>
    %dma_start3A_246 = arith.constant 0 : i32
    %dma_start3A_247 = arith.constant 0 : i32
    %dma_start3A_248 = tpu.memref_slice %arg2[%dma_start3A_246, %dma_start3A_247] : memref<65536x256xf32, #tpu.memory_space<hbm>> -> memref<65536x256xf32, #tpu.memory_space<hbm>>
    tpu.enqueue_indirect_dma source(%dma_start3A_248 : memref<65536x256xf32, #tpu.memory_space<hbm>>) target(%arg7 : memref<128x256xf32, #tpu.memory_space<vmem>>) offsets(%dma_start3A_245 : memref<128xi32, #tpu.memory_space<vmem>>) semaphore(%arg10 : memref<!tpu.dma_semaphore, #tpu.memory_space<semaphore_mem>>)
    %dma_wait3A_249 = arith.constant 1536 : i32
    %dma_wait3A_250 = tpu.memref_slice %arg5[%dma_wait3A_249] : memref<2048xi32, #tpu.memory_space<vmem>> -> memref<128xi32, #tpu.memory_space<vmem>>
    %dma_wait3A_251 = arith.constant 0 : i32
    %dma_wait3A_252 = arith.constant 0 : i32
    %dma_wait3A_253 = tpu.memref_slice %arg2[%dma_wait3A_251, %dma_wait3A_252] : memref<65536x256xf32, #tpu.memory_space<hbm>> -> memref<65536x256xf32, #tpu.memory_space<hbm>>
    tpu.wait_indirect_dma semaphore(%arg9 : memref<!tpu.dma_semaphore, #tpu.memory_space<semaphore_mem>>) src(%dma_wait3A_253 : memref<65536x256xf32, #tpu.memory_space<hbm>>) dst(%arg6 : memref<128x256xf32, #tpu.memory_space<vmem>>)
    %add3A_254 = arith.constant 1536 : i32
    %add3A_255 = arith.addi %mul3A_2, %add3A_254 : i32
    %dma_start3A_256 = arith.constant 0 : i32
    %dma_start3A_257 = tpu.memref_slice %arg4[%add3A_255, %dma_start3A_256] : memref<65536x256xf32, #tpu.memory_space<hbm>> -> memref<128x256xf32, #tpu.memory_space<hbm>>
    %dma_start3A_258 = arith.constant 0 : i32
    %dma_start3A_259 = tpu.memref_slice %arg4[%add3A_255, %dma_start3A_258] : memref<65536x256xf32, #tpu.memory_space<hbm>> -> memref<128x256xf32, #tpu.memory_space<hbm>>
    tpu.enqueue_dma source(%arg6 : memref<128x256xf32, #tpu.memory_space<vmem>>) target(%dma_start3A_259 : memref<128x256xf32, #tpu.memory_space<hbm>>) target_semaphore(%arg12 : memref<!tpu.dma_semaphore, #tpu.memory_space<semaphore_mem>>)
    %dma_wait3A_260 = arith.constant 0 : i32
    %dma_wait3A_261 = tpu.memref_slice %arg4[%add3A_235, %dma_wait3A_260] : memref<65536x256xf32, #tpu.memory_space<hbm>> -> memref<128x256xf32, #tpu.memory_space<hbm>>
    %dma_wait3A_262 = arith.constant 0 : i32
    %dma_wait3A_263 = tpu.memref_slice %arg4[%add3A_235, %dma_wait3A_262] : memref<65536x256xf32, #tpu.memory_space<hbm>> -> memref<128x256xf32, #tpu.memory_space<hbm>>
    tpu.wait_dma2 semaphore(%arg14 : memref<!tpu.dma_semaphore, #tpu.memory_space<semaphore_mem>>) src(%arg8 : memref<128x256xf32, #tpu.memory_space<vmem>>) dst(%dma_wait3A_263 : memref<128x256xf32, #tpu.memory_space<hbm>>)
    %dma_start3A_264 = arith.constant 1792 : i32
    %dma_start3A_265 = tpu.memref_slice %arg5[%dma_start3A_264] : memref<2048xi32, #tpu.memory_space<vmem>> -> memref<128xi32, #tpu.memory_space<vmem>>
    %dma_start3A_266 = arith.constant 0 : i32
    %dma_start3A_267 = arith.constant 0 : i32
    %dma_start3A_268 = tpu.memref_slice %arg2[%dma_start3A_266, %dma_start3A_267] : memref<65536x256xf32, #tpu.memory_space<hbm>> -> memref<65536x256xf32, #tpu.memory_space<hbm>>
    tpu.enqueue_indirect_dma source(%dma_start3A_268 : memref<65536x256xf32, #tpu.memory_space<hbm>>) target(%arg8 : memref<128x256xf32, #tpu.memory_space<vmem>>) offsets(%dma_start3A_265 : memref<128xi32, #tpu.memory_space<vmem>>) semaphore(%arg11 : memref<!tpu.dma_semaphore, #tpu.memory_space<semaphore_mem>>)
    %dma_wait3A_269 = arith.constant 1664 : i32
    %dma_wait3A_270 = tpu.memref_slice %arg5[%dma_wait3A_269] : memref<2048xi32, #tpu.memory_space<vmem>> -> memref<128xi32, #tpu.memory_space<vmem>>
    %dma_wait3A_271 = arith.constant 0 : i32
    %dma_wait3A_272 = arith.constant 0 : i32
    %dma_wait3A_273 = tpu.memref_slice %arg2[%dma_wait3A_271, %dma_wait3A_272] : memref<65536x256xf32, #tpu.memory_space<hbm>> -> memref<65536x256xf32, #tpu.memory_space<hbm>>
    tpu.wait_indirect_dma semaphore(%arg10 : memref<!tpu.dma_semaphore, #tpu.memory_space<semaphore_mem>>) src(%dma_wait3A_273 : memref<65536x256xf32, #tpu.memory_space<hbm>>) dst(%arg7 : memref<128x256xf32, #tpu.memory_space<vmem>>)
    %add3A_274 = arith.constant 1664 : i32
    %add3A_275 = arith.addi %mul3A_2, %add3A_274 : i32
    %dma_start3A_276 = arith.constant 0 : i32
    %dma_start3A_277 = tpu.memref_slice %arg4[%add3A_275, %dma_start3A_276] : memref<65536x256xf32, #tpu.memory_space<hbm>> -> memref<128x256xf32, #tpu.memory_space<hbm>>
    %dma_start3A_278 = arith.constant 0 : i32
    %dma_start3A_279 = tpu.memref_slice %arg4[%add3A_275, %dma_start3A_278] : memref<65536x256xf32, #tpu.memory_space<hbm>> -> memref<128x256xf32, #tpu.memory_space<hbm>>
    tpu.enqueue_dma source(%arg7 : memref<128x256xf32, #tpu.memory_space<vmem>>) target(%dma_start3A_279 : memref<128x256xf32, #tpu.memory_space<hbm>>) target_semaphore(%arg13 : memref<!tpu.dma_semaphore, #tpu.memory_space<semaphore_mem>>)
    %dma_wait3A_280 = arith.constant 0 : i32
    %dma_wait3A_281 = tpu.memref_slice %arg4[%add3A_255, %dma_wait3A_280] : memref<65536x256xf32, #tpu.memory_space<hbm>> -> memref<128x256xf32, #tpu.memory_space<hbm>>
    %dma_wait3A_282 = arith.constant 0 : i32
    %dma_wait3A_283 = tpu.memref_slice %arg4[%add3A_255, %dma_wait3A_282] : memref<65536x256xf32, #tpu.memory_space<hbm>> -> memref<128x256xf32, #tpu.memory_space<hbm>>
    tpu.wait_dma2 semaphore(%arg12 : memref<!tpu.dma_semaphore, #tpu.memory_space<semaphore_mem>>) src(%arg6 : memref<128x256xf32, #tpu.memory_space<vmem>>) dst(%dma_wait3A_283 : memref<128x256xf32, #tpu.memory_space<hbm>>)
    %dma_start3A_284 = arith.constant 1920 : i32
    %dma_start3A_285 = tpu.memref_slice %arg5[%dma_start3A_284] : memref<2048xi32, #tpu.memory_space<vmem>> -> memref<128xi32, #tpu.memory_space<vmem>>
    %dma_start3A_286 = arith.constant 0 : i32
    %dma_start3A_287 = arith.constant 0 : i32
    %dma_start3A_288 = tpu.memref_slice %arg2[%dma_start3A_286, %dma_start3A_287] : memref<65536x256xf32, #tpu.memory_space<hbm>> -> memref<65536x256xf32, #tpu.memory_space<hbm>>
    tpu.enqueue_indirect_dma source(%dma_start3A_288 : memref<65536x256xf32, #tpu.memory_space<hbm>>) target(%arg6 : memref<128x256xf32, #tpu.memory_space<vmem>>) offsets(%dma_start3A_285 : memref<128xi32, #tpu.memory_space<vmem>>) semaphore(%arg9 : memref<!tpu.dma_semaphore, #tpu.memory_space<semaphore_mem>>)
    %dma_wait3A_289 = arith.constant 1792 : i32
    %dma_wait3A_290 = tpu.memref_slice %arg5[%dma_wait3A_289] : memref<2048xi32, #tpu.memory_space<vmem>> -> memref<128xi32, #tpu.memory_space<vmem>>
    %dma_wait3A_291 = arith.constant 0 : i32
    %dma_wait3A_292 = arith.constant 0 : i32
    %dma_wait3A_293 = tpu.memref_slice %arg2[%dma_wait3A_291, %dma_wait3A_292] : memref<65536x256xf32, #tpu.memory_space<hbm>> -> memref<65536x256xf32, #tpu.memory_space<hbm>>
    tpu.wait_indirect_dma semaphore(%arg11 : memref<!tpu.dma_semaphore, #tpu.memory_space<semaphore_mem>>) src(%dma_wait3A_293 : memref<65536x256xf32, #tpu.memory_space<hbm>>) dst(%arg8 : memref<128x256xf32, #tpu.memory_space<vmem>>)
    %add3A_294 = arith.constant 1792 : i32
    %add3A_295 = arith.addi %mul3A_2, %add3A_294 : i32
    %dma_start3A_296 = arith.constant 0 : i32
    %dma_start3A_297 = tpu.memref_slice %arg4[%add3A_295, %dma_start3A_296] : memref<65536x256xf32, #tpu.memory_space<hbm>> -> memref<128x256xf32, #tpu.memory_space<hbm>>
    %dma_start3A_298 = arith.constant 0 : i32
    %dma_start3A_299 = tpu.memref_slice %arg4[%add3A_295, %dma_start3A_298] : memref<65536x256xf32, #tpu.memory_space<hbm>> -> memref<128x256xf32, #tpu.memory_space<hbm>>
    tpu.enqueue_dma source(%arg8 : memref<128x256xf32, #tpu.memory_space<vmem>>) target(%dma_start3A_299 : memref<128x256xf32, #tpu.memory_space<hbm>>) target_semaphore(%arg14 : memref<!tpu.dma_semaphore, #tpu.memory_space<semaphore_mem>>)
    %dma_wait3A_300 = arith.constant 1920 : i32
    %dma_wait3A_301 = tpu.memref_slice %arg5[%dma_wait3A_300] : memref<2048xi32, #tpu.memory_space<vmem>> -> memref<128xi32, #tpu.memory_space<vmem>>
    %dma_wait3A_302 = arith.constant 0 : i32
    %dma_wait3A_303 = arith.constant 0 : i32
    %dma_wait3A_304 = tpu.memref_slice %arg2[%dma_wait3A_302, %dma_wait3A_303] : memref<65536x256xf32, #tpu.memory_space<hbm>> -> memref<65536x256xf32, #tpu.memory_space<hbm>>
    tpu.wait_indirect_dma semaphore(%arg9 : memref<!tpu.dma_semaphore, #tpu.memory_space<semaphore_mem>>) src(%dma_wait3A_304 : memref<65536x256xf32, #tpu.memory_space<hbm>>) dst(%arg6 : memref<128x256xf32, #tpu.memory_space<vmem>>)
    %add3A_305 = arith.constant 1920 : i32
    %add3A_306 = arith.addi %mul3A_2, %add3A_305 : i32
    %dma_start3A_307 = arith.constant 0 : i32
    %dma_start3A_308 = tpu.memref_slice %arg4[%add3A_306, %dma_start3A_307] : memref<65536x256xf32, #tpu.memory_space<hbm>> -> memref<128x256xf32, #tpu.memory_space<hbm>>
    %dma_start3A_309 = arith.constant 0 : i32
    %dma_start3A_310 = tpu.memref_slice %arg4[%add3A_306, %dma_start3A_309] : memref<65536x256xf32, #tpu.memory_space<hbm>> -> memref<128x256xf32, #tpu.memory_space<hbm>>
    tpu.enqueue_dma source(%arg6 : memref<128x256xf32, #tpu.memory_space<vmem>>) target(%dma_start3A_310 : memref<128x256xf32, #tpu.memory_space<hbm>>) target_semaphore(%arg12 : memref<!tpu.dma_semaphore, #tpu.memory_space<semaphore_mem>>)
    %dma_wait3A_311 = arith.constant 0 : i32
    %dma_wait3A_312 = tpu.memref_slice %arg4[%add3A_275, %dma_wait3A_311] : memref<65536x256xf32, #tpu.memory_space<hbm>> -> memref<128x256xf32, #tpu.memory_space<hbm>>
    %dma_wait3A_313 = arith.constant 0 : i32
    %dma_wait3A_314 = tpu.memref_slice %arg4[%add3A_275, %dma_wait3A_313] : memref<65536x256xf32, #tpu.memory_space<hbm>> -> memref<128x256xf32, #tpu.memory_space<hbm>>
    tpu.wait_dma2 semaphore(%arg13 : memref<!tpu.dma_semaphore, #tpu.memory_space<semaphore_mem>>) src(%arg7 : memref<128x256xf32, #tpu.memory_space<vmem>>) dst(%dma_wait3A_314 : memref<128x256xf32, #tpu.memory_space<hbm>>)
    %dma_wait3A_315 = arith.constant 0 : i32
    %dma_wait3A_316 = tpu.memref_slice %arg4[%add3A_295, %dma_wait3A_315] : memref<65536x256xf32, #tpu.memory_space<hbm>> -> memref<128x256xf32, #tpu.memory_space<hbm>>
    %dma_wait3A_317 = arith.constant 0 : i32
    %dma_wait3A_318 = tpu.memref_slice %arg4[%add3A_295, %dma_wait3A_317] : memref<65536x256xf32, #tpu.memory_space<hbm>> -> memref<128x256xf32, #tpu.memory_space<hbm>>
    tpu.wait_dma2 semaphore(%arg14 : memref<!tpu.dma_semaphore, #tpu.memory_space<semaphore_mem>>) src(%arg8 : memref<128x256xf32, #tpu.memory_space<vmem>>) dst(%dma_wait3A_318 : memref<128x256xf32, #tpu.memory_space<hbm>>)
    %dma_wait3A_319 = arith.constant 0 : i32
    %dma_wait3A_320 = tpu.memref_slice %arg4[%add3A_306, %dma_wait3A_319] : memref<65536x256xf32, #tpu.memory_space<hbm>> -> memref<128x256xf32, #tpu.memory_space<hbm>>
    %dma_wait3A_321 = arith.constant 0 : i32
    %dma_wait3A_322 = tpu.memref_slice %arg4[%add3A_306, %dma_wait3A_321] : memref<65536x256xf32, #tpu.memory_space<hbm>> -> memref<128x256xf32, #tpu.memory_space<hbm>>
    tpu.wait_dma2 semaphore(%arg12 : memref<!tpu.dma_semaphore, #tpu.memory_space<semaphore_mem>>) src(%arg6 : memref<128x256xf32, #tpu.memory_space<vmem>>) dst(%dma_wait3A_322 : memref<128x256xf32, #tpu.memory_space<hbm>>)
    return
  }
}

module attributes {stable_mosaic.version = 14 : i64} {
  func.func @body(%arg0: memref<512x128xi32, #tpu.memory_space<vmem>>, %arg1: memref<512x128xi32, #tpu.memory_space<vmem>>, %arg2: memref<128x128xf32, #tpu.memory_space<vmem>>, %arg3: memref<128x128xf32, #tpu.memory_space<vmem>>, %arg4: memref<512x512xf32, #tpu.memory_space<vmem>>, %arg5: memref<512x128xi32, #tpu.memory_space<vmem>>, %arg6: memref<512x128xi32, #tpu.memory_space<vmem>>) attributes {dimension_semantics = [], scalar_prefetch = 0 : i64, scratch_operands = 0 : i64, tpu.core_type = #tpu.core_type<tc>} {
    %get3A = arith.constant 0 : index
    %get3A_0 = arith.constant 0 : index
    %get3A_1 = vector.load %arg0[%get3A, %get3A_0] : memref<512x128xi32, #tpu.memory_space<vmem>>, vector<512x128xi32>
    %get3A_2 = arith.constant 0 : index
    %get3A_3 = arith.constant 0 : index
    %get3A_4 = vector.load %arg1[%get3A_2, %get3A_3] : memref<512x128xi32, #tpu.memory_space<vmem>>, vector<512x128xi32>
    %ne3A = arith.cmpi ne, %get3A_1, %get3A_4 : vector<512x128xi32>
    %jit3A = arith.constant 1.000000e+00 : f32
    %jit3A_5 = arith.constant 0.000000e+00 : f32
    %broadcast_in_dim3A = vector.broadcast %jit3A : f32 to vector<512x128xf32>
    %broadcast_in_dim3A_6 = vector.broadcast %jit3A_5 : f32 to vector<512x128xf32>
    %select_n3A = arith.select %ne3A, %broadcast_in_dim3A, %broadcast_in_dim3A_6 : vector<512x128xi1>, vector<512x128xf32>
    %get3A_7 = arith.constant 0 : index
    %get3A_8 = arith.constant 0 : index
    %get3A_9 = vector.load %arg2[%get3A_7, %get3A_8] : memref<128x128xf32, #tpu.memory_space<vmem>>, vector<128x128xf32>
    %dot_general3A = arith.constant dense<0.000000e+00> : vector<512x128xf32>
    %dot_general3A_10 = tpu.matmul %select_n3A, %get3A_9, %dot_general3A {dimension_numbers = #tpu.dot_dimension_numbers<[1], [0], [0], [1], [0, 0, 1, 1], [], []>, transpose_lhs_hint = false} : vector<512x128xf32>, vector<128x128xf32>, vector<512x128xf32> -> vector<512x128xf32>
    %get3A_11 = arith.constant 0 : index
    %get3A_12 = arith.constant 0 : index
    %get3A_13 = vector.load %arg3[%get3A_11, %get3A_12] : memref<128x128xf32, #tpu.memory_space<vmem>>, vector<128x128xf32>
    %dot_general3A_14 = arith.constant dense<0.000000e+00> : vector<512x128xf32>
    %dot_general3A_15 = tpu.matmul %select_n3A, %get3A_13, %dot_general3A_14 {dimension_numbers = #tpu.dot_dimension_numbers<[1], [0], [0], [1], [0, 0, 1, 1], [], []>, transpose_lhs_hint = false} : vector<512x128xf32>, vector<128x128xf32>, vector<512x128xf32> -> vector<512x128xf32>
    %get3A_16 = arith.constant 0 : index
    %get3A_17 = arith.constant 0 : index
    %get3A_18 = vector.load %arg4[%get3A_16, %get3A_17] : memref<512x512xf32, #tpu.memory_space<vmem>>, vector<512x512xf32>
    %dot_general3A_19 = arith.constant dense<0.000000e+00> : vector<512x128xf32>
    %dot_general3A_20 = tpu.matmul %get3A_18, %dot_general3A_15, %dot_general3A_19 {dimension_numbers = #tpu.dot_dimension_numbers<[1], [0], [0], [1], [0, 0, 1, 1], [], []>, transpose_lhs_hint = false} : vector<512x512xf32>, vector<512x128xf32>, vector<512x128xf32> -> vector<512x128xf32>
    %add3A = arith.addf %dot_general3A_10, %dot_general3A_20 : vector<512x128xf32>
    %convert_element_type3A = arith.fptosi %add3A : vector<512x128xf32> to vector<512x128xi32>
    %get3A_21 = arith.constant 0 : index
    %get3A_22 = arith.constant 0 : index
    %get3A_23 = vector.load %arg5[%get3A_21, %get3A_22] : memref<512x128xi32, #tpu.memory_space<vmem>>, vector<512x128xi32>
    %add3A_24 = arith.addi %convert_element_type3A, %get3A_23 : vector<512x128xi32>
    %swap3A = arith.constant 0 : index
    %swap3A_25 = arith.constant 0 : index
    %swap3A_26 = vector.load %arg6[%swap3A, %swap3A_25] : memref<512x128xi32, #tpu.memory_space<vmem>>, vector<512x128xi32>
    tpu.vector_store %arg6[%swap3A, %swap3A_25], %add3A_24 {strides = array<i32>} : memref<512x128xi32, #tpu.memory_space<vmem>>, vector<512x128xi32>,
    return
  }
}

module attributes {stable_mosaic.version = 14 : i64} {
  func.func @body(%arg0: i32, %arg1: memref<1x4096x256xf32, #tpu.memory_space<vmem>>, %arg2: memref<4096x256xf32, #tpu.memory_space<vmem>>, %arg3: memref<1x4096x1xf32, #tpu.memory_space<vmem>>, %arg4: memref<1x4096x1xi32, #tpu.memory_space<vmem>>, %arg5: memref<256x256xf32, #tpu.memory_space<vmem>>, %arg6: memref<1x256xf32, #tpu.memory_space<vmem>>, %arg7: memref<1x256xf32, #tpu.memory_space<vmem>>, %arg8: memref<1x256xf32, #tpu.memory_space<vmem>>, %arg9: memref<1x4096x256xf32, #tpu.memory_space<vmem>>) attributes {dimension_semantics = [#tpu.dimension_semantics<arbitrary>], iteration_bounds = array<i64: 16>, scalar_prefetch = 0 : i64, scratch_operands = 0 : i64, tpu.core_type = #tpu.core_type<tc>, window_params = [{transform_indices = @transform_0, window_bounds = array<i64: 1, 4096, 256>}, {pipeline_mode = #tpu.pipeline_mode<synchronous>, transform_indices = @transform_1, window_bounds = array<i64: 4096, 256>}, {transform_indices = @transform_2, window_bounds = array<i64: 1, 4096, 1>}, {transform_indices = @transform_3, window_bounds = array<i64: 1, 4096, 1>}, {pipeline_mode = #tpu.pipeline_mode<synchronous>, transform_indices = @transform_4, window_bounds = array<i64: 256, 256>}, {pipeline_mode = #tpu.pipeline_mode<synchronous>, transform_indices = @transform_5, window_bounds = array<i64: 1, 256>}, {pipeline_mode = #tpu.pipeline_mode<synchronous>, transform_indices = @transform_6, window_bounds = array<i64: 1, 256>}, {pipeline_mode = #tpu.pipeline_mode<synchronous>, transform_indices = @transform_7, window_bounds = array<i64: 1, 256>}, {transform_indices = @transform_8, window_bounds = array<i64: 1, 4096, 256>}]} {
    %get3A = arith.constant 0 : index
    %get3A_0 = arith.constant 0 : index
    %get3A_1 = vector.load %arg2[%get3A, %get3A_0] : memref<4096x256xf32, #tpu.memory_space<vmem>>, vector<4096x256xf32>
    %get3A_2 = arith.constant 0 : index
    %get3A_3 = arith.constant 0 : index
    %get3A_4 = arith.constant 0 : index
    %get3A_5 = vector.load %arg1[%get3A_2, %get3A_3, %get3A_4] : memref<1x4096x256xf32, #tpu.memory_space<vmem>>, vector<1x4096x256xf32>
    %get3A_6 = vector.shape_cast %get3A_5 : vector<1x4096x256xf32> to vector<4096x256xf32>
    %add3A = arith.addf %get3A_6, %get3A_1 : vector<4096x256xf32>
    %get3A_7 = arith.constant 0 : index
    %get3A_8 = arith.constant 0 : index
    %get3A_9 = vector.load %arg5[%get3A_7, %get3A_8] : memref<256x256xf32, #tpu.memory_space<vmem>>, vector<256x256xf32>
    %dot_general3A = arith.constant dense<0.000000e+00> : vector<4096x256xf32>
    %dot_general3A_10 = tpu.matmul %add3A, %get3A_9, %dot_general3A {dimension_numbers = #tpu.dot_dimension_numbers<[1], [0], [0], [1], [0, 0, 1, 1], [], []>, transpose_lhs_hint = false} : vector<4096x256xf32>, vector<256x256xf32>, vector<4096x256xf32> -> vector<4096x256xf32>
    %get3A_11 = arith.constant 0 : index
    %get3A_12 = arith.constant 0 : index
    %get3A_13 = arith.constant 0 : index
    %get3A_14 = vector.load %arg4[%get3A_11, %get3A_12, %get3A_13] : memref<1x4096x1xi32, #tpu.memory_space<vmem>>, vector<1x4096x1xi32>
    %get3A_15 = vector.shape_cast %get3A_14 : vector<1x4096x1xi32> to vector<4096x1xi32>
    %convert_element_type3A = arith.sitofp %get3A_15 : vector<4096x1xi32> to vector<4096x1xf32>
    %sub3A = arith.subf %dot_general3A_10, %get3A_1 : vector<4096x256xf32>
    %get3A_16 = arith.constant 0 : index
    %get3A_17 = arith.constant 0 : index
    %get3A_18 = arith.constant 0 : index
    %get3A_19 = vector.load %arg3[%get3A_16, %get3A_17, %get3A_18] : memref<1x4096x1xf32, #tpu.memory_space<vmem>>, vector<1x4096x1xf32>
    %get3A_20 = vector.shape_cast %get3A_19 : vector<1x4096x1xf32> to vector<4096x1xf32>
    %get3A_21 = arith.constant 0 : index
    %get3A_22 = arith.constant 0 : index
    %get3A_23 = vector.load %arg6[%get3A_21, %get3A_22] : memref<1x256xf32, #tpu.memory_space<vmem>>, vector<1x256xf32>
    %mul3A = vector.broadcast %get3A_20 : vector<4096x1xf32> to vector<4096x256xf32>
    %mul3A_24 = vector.broadcast %get3A_23 : vector<1x256xf32> to vector<4096x256xf32>
    %mul3A_25 = arith.mulf %mul3A, %mul3A_24 : vector<4096x256xf32>
    %add3A_26 = arith.addf %sub3A, %mul3A_25 : vector<4096x256xf32>
    %get3A_27 = arith.constant 0 : index
    %get3A_28 = arith.constant 0 : index
    %get3A_29 = vector.load %arg7[%get3A_27, %get3A_28] : memref<1x256xf32, #tpu.memory_space<vmem>>, vector<1x256xf32>
    %mul3A_30 = vector.broadcast %convert_element_type3A : vector<4096x1xf32> to vector<4096x256xf32>
    %mul3A_31 = vector.broadcast %get3A_29 : vector<1x256xf32> to vector<4096x256xf32>
    %mul3A_32 = arith.mulf %mul3A_30, %mul3A_31 : vector<4096x256xf32>
    %add3A_33 = arith.addf %add3A_26, %mul3A_32 : vector<4096x256xf32>
    %get3A_34 = arith.constant 0 : index
    %get3A_35 = arith.constant 0 : index
    %get3A_36 = vector.load %arg8[%get3A_34, %get3A_35] : memref<1x256xf32, #tpu.memory_space<vmem>>, vector<1x256xf32>
    %add3A_37 = vector.broadcast %get3A_36 : vector<1x256xf32> to vector<4096x256xf32>
    %add3A_38 = arith.addf %add3A_33, %add3A_37 : vector<4096x256xf32>
    %swap3A = arith.constant 0 : index
    %swap3A_39 = arith.constant 0 : index
    %swap3A_40 = arith.constant 0 : index
    %swap3A_41 = vector.load %arg9[%swap3A, %swap3A_39, %swap3A_40] : memref<1x4096x256xf32, #tpu.memory_space<vmem>>, vector<1x4096x256xf32>
    %swap3A_42 = vector.shape_cast %swap3A_41 : vector<1x4096x256xf32> to vector<4096x256xf32>
    %swap3A_43 = vector.shape_cast %add3A_38 : vector<4096x256xf32> to vector<1x4096x256xf32>
    tpu.vector_store %arg9[%swap3A, %swap3A_39, %swap3A_40], %swap3A_43 {strides = array<i32>} : memref<1x4096x256xf32, #tpu.memory_space<vmem>>, vector<1x4096x256xf32>,
    return
  }
  func.func @transform_0(%arg0: i32) -> (i32, i32, i32) {
    %c0_i32 = arith.constant 0 : i32
    %c0_i32_0 = arith.constant 0 : i32
    %c0_i32_1 = arith.constant 0 : i32
    return %arg0, %c0_i32, %c0_i32_0 : i32, i32, i32
  }
  func.func @transform_1(%arg0: i32) -> (i32, i32) {
    %c0_i32 = arith.constant 0 : i32
    %c0_i32_0 = arith.constant 0 : i32
    %c0_i32_1 = arith.constant 0 : i32
    return %c0_i32, %c0_i32_0 : i32, i32
  }
  func.func @transform_2(%arg0: i32) -> (i32, i32, i32) {
    %c0_i32 = arith.constant 0 : i32
    %c0_i32_0 = arith.constant 0 : i32
    %c0_i32_1 = arith.constant 0 : i32
    return %arg0, %c0_i32, %c0_i32_0 : i32, i32, i32
  }
  func.func @transform_3(%arg0: i32) -> (i32, i32, i32) {
    %c0_i32 = arith.constant 0 : i32
    %c0_i32_0 = arith.constant 0 : i32
    %c0_i32_1 = arith.constant 0 : i32
    return %arg0, %c0_i32, %c0_i32_0 : i32, i32, i32
  }
  func.func @transform_4(%arg0: i32) -> (i32, i32) {
    %c0_i32 = arith.constant 0 : i32
    %c0_i32_0 = arith.constant 0 : i32
    %c0_i32_1 = arith.constant 0 : i32
    return %c0_i32, %c0_i32_0 : i32, i32
  }
  func.func @transform_5(%arg0: i32) -> (i32, i32) {
    %c0_i32 = arith.constant 0 : i32
    %c0_i32_0 = arith.constant 0 : i32
    %c0_i32_1 = arith.constant 0 : i32
    return %c0_i32, %c0_i32_0 : i32, i32
  }
  func.func @transform_6(%arg0: i32) -> (i32, i32) {
    %c0_i32 = arith.constant 0 : i32
    %c0_i32_0 = arith.constant 0 : i32
    %c0_i32_1 = arith.constant 0 : i32
    return %c0_i32, %c0_i32_0 : i32, i32
  }
  func.func @transform_7(%arg0: i32) -> (i32, i32) {
    %c0_i32 = arith.constant 0 : i32
    %c0_i32_0 = arith.constant 0 : i32
    %c0_i32_1 = arith.constant 0 : i32
    return %c0_i32, %c0_i32_0 : i32, i32
  }
  func.func @transform_8(%arg0: i32) -> (i32, i32, i32) {
    %add3A = arith.constant 0 : i32
    %add3A_0 = arith.addi %add3A, %arg0 : i32
    %c0_i32 = arith.constant 0 : i32
    %c0_i32_1 = arith.constant 0 : i32
    %c0_i32_2 = arith.constant 0 : i32
    return %add3A_0, %c0_i32, %c0_i32_1 : i32, i32, i32
  }
}

</mosaic_0001>

<sc_bundles>
// kernel: kernel.5.cloned.1.call-start
scs
__scs_entry_jumppad:
0x0: {  	(pc) =	sbr.rel $0x88, $3  }
0x1: {  	(tag) =	ssettag $0x0;
	lr =	simm.s32 $0x1  }
0x2: {  	[smem:$0x3F98] =	sst lr;
	_ =	strace $0xD0000000  }
0x3: {  	_ = 	snop  }
0x4: {  	_ = 	snop  }
0x5: {  	_ = 	snop  }
0x6: {  	_ = 	snop  }
0x7: {  	_ = 	snop  }
__scs_overlays_trampoline_lowered:
0x8: {  	[smem:$0x3FA7] =	sst s0  }
0x9: {  	[smem:$0x3FA8] =	sst s1  }
0xa: {  	[smem:$0x3FA9] =	sst s2  }
0xb: {  	[smem:$0x3FAA] =	sst s3  }
0xc: {  	[smem:$0x3FAB] =	sst s4  }
0xd: {  	[smem:$0x3FAC] =	sst s5  }
0xe: {  	[smem:$0x3FAD] =	sst s6  }
0xf: {  	[smem:$0x3FAE] =	sst s7  }
0x10: {  	[smem:$0x3FAF] =	sst s8  }
0x11: {  	[smem:$0x3FB0] =	sst s9;
	s0 =	simm.s32 @!p0 $0x0  }
0x12: {  	s1 =	sld [smem:$0x3F96];
	s0 =	simm.s32 @p0 $0x1  }
0x13: {  	[smem:$0x3FB1] =	sst s0;
	s0 =	simm.s32 @!p1 $0x0  }
0x14: {  	s2 =	sld [smem:$0x3F95];
	s0 =	simm.s32 @p1 $0x1  }
0x15: {  	[smem:$0x3FB2] =	sst s0;
	s0 =	simm.s32 @!p2 $0x0  }
0x16: {  	s3 =	sld [smem:$0x3FDB];
	s0 =	simm.s32 @p2 $0x1  }
0x17: {  	s4 =	simm.s32 $0x1BF5;
	[smem:$0x3FB4] =	sst s0  }
0x18: {  	s0 =	sld [smem:$0x3F97];
	_ =	swait.ge [sflag:s4], $0x0  }
0x19: {  	s7 =	sld [smem:$0x3F98]  }
0x1a: {  	s8 =	sadd.s32 $0xFFFFE003, lr  }
0x1b: {  	s9 =	sadd.s32 $0xFFFFFEF7, lr;
	s5 =	simm.s32 $0xFFFFFFFF;
	p2 =	slt.u32 s8, $0xFFFFF086  }
0x1c: {  	p1 =	slt.u32 s9, $0xF7A;
	s5 =	simm.s32 @!p2 $0x0  }
0x1d: {  	s5 =	simm.s32 @p1 $0x1;
	p0 =	seq.s32 s7, s2  }
0x1e: {  	s7 =	smul.u32 @!p0 $0xF7A, s2;
	p2 =	seq.s32 @!p0 s5, $0x0  }
0x1f: {  	s9 =	smul.u32 $0xF7A, s1;
	s8 =	simm.s32 @!p0 $0x1BF5;
	p2 =	por !p2, p0  }
0x20: {  	[sflag:s8] =	ssyncset.s32 @!p0 $0xFFFFF086;
	s6 =	sadd.s32 @!p0 s3, s7;
	s7 =	simm.s32 @!p0 $0x108  }
0x21: {  	s3 =	sadd.s32 s3, s9;
	s6 =	sadd.s32 @!p0 $0x88, s6;
	s7 =	simm.s32 @p2 $0x1082  }
0x22: {  	[simem:s7], [sflag:s8] =	dma.local @!p0 [hbm:s6], $0xF7A  }
0x23: {  	s9 =	sor.u32 $0xD0000000, s2;
	s6 =	simm.s32 $0x108;
	_ =	swait.ge @!p0 [sflag:s8], $0x0  }
0x24: {  	s3 =	sadd.s32 $0x88, s3;
	s6 =	simm.s32 @!p1 $0x1082;
	[sflag:s4] =	ssyncset.s32 $0xFFFFF086  }
0x25: {  	[simem:s6], [sflag:s4] =	dma.local [hbm:s3], $0xF7A  }
0x26: {  	[smem:$0x3F98] =	sst s1;
	(tag) =	ssettag s2;
	_ =	strace s9  }
0x27: {  	s1 =	sld [smem:$0x3FA8]  }
0x28: {  	s2 =	sld [smem:$0x3FA9]  }
0x29: {  	s4 =	sld [smem:$0x3FAB]  }
0x2a: {  	p0 =	seq.s32 s5, $0x0;
	s5 =	sld [smem:$0x3FAC]  }
0x2b: {  	s6 =	sld [smem:$0x3FAD]  }
0x2c: {  	s7 =	sld [smem:$0x3FAE]  }
0x2d: {  	s3 =	simm.s32 $0x108;
	s8 =	sld [smem:$0x3FAF]  }
0x2e: {  	s3 =	simm.s32 @!p0 $0x1082;
	s9 =	sld [smem:$0x3FB0]  }
0x2f: {  	lr =	sadd.s32 s0, s3;
	s0 =	sld [smem:$0x3FA7]  }
0x30: {  	s3 =	sld [smem:$0x3FAA]  }
0x31: {  	[smem:$0x3FB3] =	sst s10  }
0x32: {  	s10 =	sld [smem:$0x3FB1];
	_ =	sdelay $0x3  }
0x33: {  	p0 =	seq.s32 s10, $0x1;
	s10 =	sld [smem:$0x3FB3];
	_ =	sdelay $0x3  }
0x34: {  	[smem:$0x3FB3] =	sst s10  }
0x35: {  	s10 =	sld [smem:$0x3FB2];
	_ =	sdelay $0x3  }
0x36: {  	p1 =	seq.s32 s10, $0x1;
	s10 =	sld [smem:$0x3FB3];
	_ =	sdelay $0x3  }
0x37: {  	[smem:$0x3FB3] =	sst s10  }
0x38: {  	s10 =	sld [smem:$0x3FB4]  }
0x39: {  	_ = 	snop;
	(pc) =	sbr.ind lr, $3  }
0x3a: {  	_ = 	snop  }
0x3b: {  	_ = 	snop  }
0x3c: {  	p2 =	seq.s32 s10, $0x1;
	s10 =	sld [smem:$0x3FB3]  }
0x3d: {  	_ =	shalt  }
0x3e: {  	_ =	shalt  }
0x3f: {  	_ =	shalt  }
0x40: {  	_ =	shalt  }
0x41: {  	_ =	shalt  }
0x42: {  	_ =	shalt  }
0x43: {  	_ =	shalt  }
0x44: {  	_ =	shalt  }
0x45: {  	_ =	shalt  }
0x46: {  	_ =	shalt  }
0x47: {  	_ =	shalt  }
0x48: {  	_ =	shalt  }
0x49: {  	_ =	shalt  }
0x4a: {  	_ =	shalt  }
0x4b: {  	_ =	shalt  }
0x4c: {  	_ =	shalt  }
0x4d: {  	_ =	shalt  }
0x4e: {  	_ =	shalt  }
0x4f: {  	_ =	shalt  }
0x50: {  	_ =	shalt  }
0x51: {  	_ =	shalt  }
0x52: {  	_ =	shalt  }
0x53: {  	_ =	shalt  }
0x54: {  	_ =	shalt  }
0x55: {  	_ =	shalt  }
0x56: {  	_ =	shalt  }
0x57: {  	_ =	shalt  }
0x58: {  	_ =	shalt  }
0x59: {  	_ =	shalt  }
0x5a: {  	_ =	shalt  }
0x5b: {  	_ =	shalt  }
0x5c: {  	_ =	shalt  }
0x5d: {  	_ =	shalt  }
0x5e: {  	_ =	shalt  }
0x5f: {  	_ =	shalt  }
0x60: {  	_ =	shalt  }
0x61: {  	_ =	shalt  }
0x62: {  	_ =	shalt  }
0x63: {  	_ =	shalt  }
0x64: {  	_ =	shalt  }
0x65: {  	_ =	shalt  }
0x66: {  	_ =	shalt  }
0x67: {  	_ =	shalt  }
0x68: {  	_ =	shalt  }
0x69: {  	_ =	shalt  }
0x6a: {  	_ =	shalt  }
0x6b: {  	_ =	shalt  }
0x6c: {  	_ =	shalt  }
0x6d: {  	_ =	shalt  }
0x6e: {  	_ =	shalt  }
0x6f: {  	_ =	shalt  }
0x70: {  	_ =	shalt  }
0x71: {  	_ =	shalt  }
0x72: {  	_ =	shalt  }
0x73: {  	_ =	shalt  }
0x74: {  	_ =	shalt  }
0x75: {  	_ =	shalt  }
0x76: {  	_ =	shalt  }
0x77: {  	_ =	shalt  }
0x78: {  	_ =	shalt  }
0x79: {  	_ =	shalt  }
0x7a: {  	_ =	shalt  }
0x7b: {  	_ =	shalt  }
0x7c: {  	_ =	shalt  }
0x7d: {  	_ =	shalt  }
0x7e: {  	_ =	shalt  }
0x7f: {  	_ =	shalt  }
0x80: {  	_ =	shalt  }
0x81: {  	_ =	shalt  }
0x82: {  	_ =	shalt  }
0x83: {  	_ =	shalt  }
0x84: {  	_ =	shalt  }
0x85: {  	_ =	shalt  }
0x86: {  	_ =	shalt  }
0x87: {  	_ =	shalt  }
.Lfunc_end0:
.L_simem_size_0:
called_computation_lowered:
.L_overlay_start_0:
0x88: {  	s2 =	sld [smem:$0x3FD9]  }
0x89: {  	s3 =	sld [smem:$0x3FFE];
	_ =	sdelay $0x1  }
0x8a: {  	s1 =	srdreg.scid  }
0x8b: {  	s0 =	sand.u32 $0x1, s1  }
0x8c: {  	s17 =	sshll.u32 s0, $0xA;
	s2 =	sadd.s32 s3, s2  }
0x8d: {  	s2 =	sadd.s32 s2, s17  }
0x8e: {  	[smem:$0x3FBF] =	sst s2  }
0x8f: {  	_ = 	snop  }
0x90: {  	s2 =	sld [smem:$0x3FC9]  }
0x91: {  	s18 =	sld [smem:$0x3FD0];
	(tm) =	ssettm $0x1  }
0x92: {  	s4 =	sld [smem:$0x3FFB];
	_ =	sdelay $0x3  }
0x93: {  	_ =	strace s4  }
0x94: {  	s4 =	sld [smem:$0x3FFC];
	_ =	sdelay $0x3  }
0x95: {  	_ =	strace s4  }
0x96: {  	s4 =	sld [smem:$0x3FFD];
	_ =	sdelay $0x3  }
0x97: {  	_ =	strace s4  }
0x98: {  	_ =	strace $0x8FFFFFFF  }
0x99: {  	s19 =	sld [smem:$0x3FDB];
	_ =	sdelay $0x1  }
0x9a: {  	s5 =	simm.s32 $_scs_section_size  }
0x9b: {  	s6 =	simm.s32 $_size__tile_overlayer_lowered;
	s7 =	simm.s32 $_tile_overlayer_lowered  }
0x9c: {  	s22 =	simm.s32 $0x1BFF;
	s21 =	sshll.u32 s7, $0x1;
	s4 =	sadd.s32 s5, s19  }
0x9d: {  	s8 =	simm.s32 $0x0;
	s20 =	sshll.u32 s6, $0x1;
	s6 =	sadd.s32 s21, s4  }
0x9e: {  	[timem:s8], [sflag:s22] =	dma.local [hbm:s6], s20  }
0x9f: {  	_ =	swait.ge [sflag:s22], s20  }
0xa0: {  	s5 =	ssub.s32 $0x0, s20;
	[sflag:s22] =	ssyncset.done $0x0  }
0xa1: {  	[sflag:s22] =	ssyncadd.s32 s5;
	_ =	sdelay $0x1  }
0xa2: {  	s23 =	simm.s32 $0x1B8B  }
0xa3: {  	_ =	swait.ge [sflag:s23], $0x1  }
0xa4: {  	[sflag:s23] =	ssyncset.done $0x0  }
0xa5: {  	s25 =	simm.s32 $0x1B8E;
	s24 =	sld [smem:$0x3FFE];
	[sflag:s23] =	ssyncadd.s32 $0xFFFFFFFF  }
0xa6: {  	s26 =	simm.s32 $execute0_lowered;
	[smem:$0x3FD2] =	sst s25  }
0xa7: {  	s6 =	sshll.u32 s26, $0x1;
	_ =	strace $0x80000046;
	[dreg:$0x1] =	wrdreg $0xFFFFFFFF  }
0xa8: {  	s28 =	simm.s32 $_size_execute0_lowered;
	s4 =	sadd.s32 s4, s6;
	[dreg:$0x0] =	wrdreg $0x0  }
0xa9: {  	s6 =	sshll.u32 s28, $0x1;
	[dreg:$0x2] =	wrdreg s4  }
0xaa: {  	[dreg:$0x3] =	wrdreg s6  }
0xab: {  	[dreg:$0x4] =	wrdreg $0xC0  }
0xac: {  	_ =	task [dreg:s8], $0x5FFFF  }
0xad: {  	[dreg:$0x1] =	wrdreg $0xFFFFFFFF  }
0xae: {  	[dreg:$0x0] =	wrdreg $0x60  }
0xaf: {  	[dreg:$0x2] =	wrdreg s2  }
0xb0: {  	[dreg:$0x3] =	wrdreg s18  }
0xb1: {  	[dreg:$0x4] =	wrdreg s24  }
0xb2: {  	[dreg:$0x5] =	wrdreg $0x9  }
0xb3: {  	_ =	task.clear_ibuf [dreg:s8], $0x6FFFF;
	_ =	strace $0x90000046  }
0xb4: {  	s29 =	simm.s32 $0x9;
	_ =	strace $0x80000048  }
0xb5: {  	_ =	swait.ge [sflag:s29], $0x1  }
0xb6: {  	[sflag:s29] =	ssyncadd.s32 $0xFFFFFFFF  }
0xb7: {  	_ =	strace $0x90000048  }
0xb8: {  	_ =	sfence  }
0xb9: {  	s30 =	sld [smem:$0x0];
	_ =	sdelay $0x2  }
0xba: {  	s31 =	sshll.u32 s1, $0xD;
	s1 =	sshrl.u32 s1, $0x2  }
0xbb: {  	s3 =	sand.u32 $0x4000, s31;
	s1 =	sadd.s32 s1, s30  }
0xbc: {  	s0 =	sor.u32 s3, s0;
	s1 =	sshll.u32 s1, $0x11  }
0xbd: {  	s0 =	sor.u32 s1, s0  }
0xbe: {  	s0 =	sadd.s32 $0x8F2B, s0  }
0xbf: {  	[sflag:s0] =	ssyncadd.remote.s32 $0x1  }
0xc0: {  	_ =	sfence.sel $0xFFFF  }
0xc1: {  	[dreg:$0x0] =	wrdreg $0xFFFFFFFF;
	(pc) =	sbr.abs _section_cstart, $3  }
0xc2: {  	[dreg:$0x1] =	wrdreg $0xFFFFFFFF  }
0xc3: {  	_ =	task.clear_ibuf [dreg:s8], $0x2FFFF;
	_ =	strace $0x9FFFFFFF  }
0xc4: {  	(tm) =	ssettm $0x7FFFFFFF  }
0xc5: {  	_ =	shalt  }
tec
execute0_lowered:
.L_overlay_start_1:
0x0: {  	(tag) =	ssettag $0x1  }
0x1: {  	s0 =	srdreg.scid  }
0x2: {  	s1 =	rddreg [dreg:$0x0];
	s3 =	stileid.u32;
	s0 =	sand.u32 $0x1, s0  }
0x3: {  	s2 =	rddreg [dreg:$0x1];
	s5 =	sshll.u32 s3, $0xC;
	s6 =	sshll.u32 s0, $0xB  }
0x4: {  	s4 =	rddreg [dreg:$0x2];
	s5 =	sor.u32 s6, s5  }
0x5: {  	s3 =	simm.s32 $0x0;
	s6 =	sshll.u32 s5, $0x5;
	s5 =	sshrl.u32 s5, $0x3  }
0x6: {  	[smem:$0x7FF] =	sst s3;
	s4 =	sadd.s32 s6, s4;
	s2 =	sadd.s32 s2, s5  }
0x7: {  	_ =	strace $0x80000047;
	[dreg:$0x4] =	wrdreg s2;
	s11 =	sadd.s32 $0x1E00, s4  }
0x8: {  	s12 =	sadd.s32 $0x2E00, s4;
	[dreg:$0x5] =	wrdreg s11  }
0x9: {  	s13 =	sadd.s32 $0x3E00, s4;
	[dreg:$0x6] =	wrdreg s12  }
0xa: {  	s14 =	sadd.s32 $0x4E00, s4;
	[dreg:$0x7] =	wrdreg s13  }
0xb: {  	s15 =	sadd.s32 $0x5E00, s4;
	[dreg:$0x8] =	wrdreg s14  }
0xc: {  	s16 =	sadd.s32 $0x6E00, s4;
	[dreg:$0x9] =	wrdreg s15  }
0xd: {  	s17 =	sadd.s32 $0x7E00, s4;
	[dreg:$0xa] =	wrdreg s16  }
0xe: {  	s18 =	sadd.s32 $0x8E00, s4;
	[dreg:$0xb] =	wrdreg s17  }
0xf: {  	s19 =	sadd.s32 $0x9E00, s4;
	[dreg:$0xc] =	wrdreg s18  }
0x10: {  	s28 =	simm.s32 $0x1;
	s20 =	sadd.s32 $0xAE00, s4;
	[dreg:$0xd] =	wrdreg s19  }
0x11: {  	s30 =	simm.s32 $0x3;
	s21 =	sadd.s32 $0xBE00, s4;
	[dreg:$0xe] =	wrdreg s20  }
0x12: {  	s31 =	simm.s32 $0x5;
	s22 =	sadd.s32 $0xCE00, s4;
	[dreg:$0xf] =	wrdreg s21  }
0x13: {  	s0 =	ssub.s32 $0x2, s0;
	s23 =	sadd.s32 $0xDE00, s4;
	[dreg:$0x10] =	wrdreg s22  }
0x14: {  	s25 =	sshrl.u32 s0, $0x1;
	s24 =	sadd.s32 $0xEE00, s4;
	[dreg:$0x11] =	wrdreg s23  }
0x15: {  	v2 =	vlaneseq.u32;
	s0 =	ssub.s32 s0, s25;
	s26 =	sadd.s32 $0xFE00, s4;
	[dreg:$0x12] =	wrdreg s24  }
0x16: {  	vm0 =	vmmov $0xffff;
	v1 =	vshrl.u32 v2, $0x3;
	s25 =	simm.s32 $0x4;
	s29 =	sadd.s32 $0x10E00, s4;
	[dreg:$0x13] =	wrdreg s26  }
0x17: {  	v0 =	vand.u32 $0x7, v2;
	v2 =	vor.u32 $0x8, v2;
	v1 =	vmul.u32 $0x8, v1;
	s0 =	smax.u32 s0, $0x1;
	[dreg:$0x14] =	wrdreg s29;
	s26 =	simm.s32 $0x2  }
.LBB2_1:
0x18: {  	[dreg:$0x15] =	wrdreg s0  }
0x19: {  	s2 =	rddreg [dreg:$0x4];
	s15 =	simm.s32 $0x7  }
0x1a: {  	[tilespmem:s3], [sflag:$0x7] =	stream.linear.gather [hbm4b:s2+s3], $0x800, $0x38;
	[tilespmem:$0x18800] =	vst v63  }
0x1b: {  	_ =	swait.ge [sflag:s15], $0x800  }
0x1c: {  	[sflag:s15] =	ssyncset.done $0x0  }
0x1d: {  	[sflag:s15] =	ssyncadd.s32 $0xFFFFF800  }
0x1e: {  	v3 =	vld [tilespmem:$0x0];
	_ =	sdelay $0x4  }
0x1f: {  	v4 =	vshll.u32 v3, $0x1  }
0x20: {  	v3 =	vand.u32 $0x7, v3;
	v4 =	vand.u32 $0xFFFFFFF0, v4  }
0x21: {  	v3 =	vor.u32 v3, v4  }
0x22: {  	v4 =	vperm.xlane v3, v0;
	_ =	sdelay $0x1  }
0x23: {  	v3 =	vperm.xlane v3, v2;
	v4 =	vadd.s32 v1, v4;
	_ =	sdelay $0x1  }
0x24: {  	v3 =	vadd.s32 v1, v3;
	_ =	sdelay $0x1  }
0x25: {  	s16 =	simm.s32 $0x800  }
0x26: {  	[tilespmem:s16], [sflag:$0x1] =	stream.indirect_vreg.gather [hbm4b:s1+s3], $0x80, v4, vm0, $0xb8;
	[tilespmem:$0x18800] =	vst v63  }
0x27: {  	s17 =	simm.s32 $0x1000  }
0x28: {  	[tilespmem:s17], [sflag:$0x1] =	stream.indirect_vreg.gather [hbm4b:s1+s3], $0x80, v3, vm0, $0xb8;
	[tilespmem:$0x18800] =	vst v63  }
0x29: {  	v3 =	vld [tilespmem:$0x10];
	_ =	sdelay $0x4  }
0x2a: {  	v49 =	vshll.u32 v3, $0x1  }
0x2b: {  	v3 =	vand.u32 $0x7, v3;
	v4 =	vand.u32 $0xFFFFFFF0, v49  }
0x2c: {  	v3 =	vor.u32 v3, v4  }
0x2d: {  	v4 =	vperm.xlane v3, v0;
	_ =	sdelay $0x1  }
0x2e: {  	v3 =	vperm.xlane v3, v2;
	v4 =	vadd.s32 v1, v4;
	_ =	sdelay $0x1  }
0x2f: {  	v3 =	vadd.s32 v1, v3;
	_ =	sdelay $0x1  }
0x30: {  	s18 =	simm.s32 $0x1800  }
0x31: {  	[tilespmem:s18], [sflag:$0x1] =	stream.indirect_vreg.gather [hbm4b:s1+s3], $0x80, v4, vm0, $0xb8;
	[tilespmem:$0x18800] =	vst v63  }
0x32: {  	s19 =	simm.s32 $0x2000  }
0x33: {  	[tilespmem:s19], [sflag:$0x1] =	stream.indirect_vreg.gather [hbm4b:s1+s3], $0x80, v3, vm0, $0xb8;
	[tilespmem:$0x18800] =	vst v63  }
0x34: {  	v3 =	vld [tilespmem:$0x20];
	_ =	sdelay $0x4  }
0x35: {  	v50 =	vshll.u32 v3, $0x1  }
0x36: {  	v3 =	vand.u32 $0x7, v3;
	v4 =	vand.u32 $0xFFFFFFF0, v50  }
0x37: {  	v3 =	vor.u32 v3, v4  }
0x38: {  	v4 =	vperm.xlane v3, v0;
	_ =	sdelay $0x1  }
0x39: {  	v3 =	vperm.xlane v3, v2;
	v4 =	vadd.s32 v1, v4;
	_ =	sdelay $0x1  }
0x3a: {  	v3 =	vadd.s32 v1, v3;
	_ =	sdelay $0x1  }
0x3b: {  	s20 =	simm.s32 $0x2800  }
0x3c: {  	[tilespmem:s20], [sflag:$0x1] =	stream.indirect_vreg.gather [hbm4b:s1+s3], $0x80, v4, vm0, $0xb8;
	[tilespmem:$0x18800] =	vst v63  }
0x3d: {  	s21 =	simm.s32 $0x3000  }
0x3e: {  	[tilespmem:s21], [sflag:$0x1] =	stream.indirect_vreg.gather [hbm4b:s1+s3], $0x80, v3, vm0, $0xb8;
	[tilespmem:$0x18800] =	vst v63  }
0x3f: {  	v3 =	vld [tilespmem:$0x30];
	_ =	sdelay $0x4  }
0x40: {  	v51 =	vshll.u32 v3, $0x1  }
0x41: {  	v3 =	vand.u32 $0x7, v3;
	v4 =	vand.u32 $0xFFFFFFF0, v51  }
0x42: {  	v3 =	vor.u32 v3, v4  }
0x43: {  	v4 =	vperm.xlane v3, v0;
	_ =	sdelay $0x1  }
0x44: {  	v3 =	vperm.xlane v3, v2;
	v4 =	vadd.s32 v1, v4;
	_ =	sdelay $0x1  }
0x45: {  	v3 =	vadd.s32 v1, v3;
	_ =	sdelay $0x1  }
0x46: {  	s22 =	simm.s32 $0x3800  }
0x47: {  	[tilespmem:s22], [sflag:$0x1] =	stream.indirect_vreg.gather [hbm4b:s1+s3], $0x80, v4, vm0, $0xb8;
	[tilespmem:$0x18800] =	vst v63  }
0x48: {  	s23 =	simm.s32 $0x4000  }
0x49: {  	[tilespmem:s23], [sflag:$0x1] =	stream.indirect_vreg.gather [hbm4b:s1+s3], $0x80, v3, vm0, $0xb8;
	[tilespmem:$0x18800] =	vst v63  }
0x4a: {  	v3 =	vld [tilespmem:$0x40];
	_ =	sdelay $0x4  }
0x4b: {  	v52 =	vshll.u32 v3, $0x1  }
0x4c: {  	v3 =	vand.u32 $0x7, v3;
	v4 =	vand.u32 $0xFFFFFFF0, v52  }
0x4d: {  	v3 =	vor.u32 v3, v4  }
0x4e: {  	v4 =	vperm.xlane v3, v0;
	_ =	sdelay $0x1  }
0x4f: {  	v3 =	vperm.xlane v3, v2;
	v4 =	vadd.s32 v1, v4;
	_ =	sdelay $0x1  }
0x50: {  	v3 =	vadd.s32 v1, v3;
	_ =	sdelay $0x1  }
0x51: {  	s24 =	simm.s32 $0x4800  }
0x52: {  	[tilespmem:s24], [sflag:$0x1] =	stream.indirect_vreg.gather [hbm4b:s1+s3], $0x80, v4, vm0, $0xb8;
	[tilespmem:$0x18800] =	vst v63  }
0x53: {  	s29 =	simm.s32 $0x5000  }
0x54: {  	[tilespmem:s29], [sflag:$0x1] =	stream.indirect_vreg.gather [hbm4b:s1+s3], $0x80, v3, vm0, $0xb8;
	[tilespmem:$0x18800] =	vst v63  }
0x55: {  	v3 =	vld [tilespmem:$0x50];
	_ =	sdelay $0x4  }
0x56: {  	v53 =	vshll.u32 v3, $0x1  }
0x57: {  	v3 =	vand.u32 $0x7, v3;
	v4 =	vand.u32 $0xFFFFFFF0, v53  }
0x58: {  	v3 =	vor.u32 v3, v4  }
0x59: {  	v4 =	vperm.xlane v3, v0;
	_ =	sdelay $0x1  }
0x5a: {  	v3 =	vperm.xlane v3, v2;
	v4 =	vadd.s32 v1, v4;
	_ =	sdelay $0x1  }
0x5b: {  	v3 =	vadd.s32 v1, v3;
	_ =	sdelay $0x1  }
0x5c: {  	s2 =	simm.s32 $0x5800  }
0x5d: {  	[tilespmem:s2], [sflag:$0x1] =	stream.indirect_vreg.gather [hbm4b:s1+s3], $0x80, v4, vm0, $0xb8;
	[tilespmem:$0x18800] =	vst v63  }
0x5e: {  	s4 =	simm.s32 $0x6000  }
0x5f: {  	[tilespmem:s4], [sflag:$0x1] =	stream.indirect_vreg.gather [hbm4b:s1+s3], $0x80, v3, vm0, $0xb8;
	[tilespmem:$0x18800] =	vst v63  }
0x60: {  	v3 =	vld [tilespmem:$0x60];
	_ =	sdelay $0x4  }
0x61: {  	v54 =	vshll.u32 v3, $0x1  }
0x62: {  	v3 =	vand.u32 $0x7, v3;
	v4 =	vand.u32 $0xFFFFFFF0, v54  }
0x63: {  	v3 =	vor.u32 v3, v4  }
0x64: {  	v4 =	vperm.xlane v3, v0;
	_ =	sdelay $0x1  }
0x65: {  	v3 =	vperm.xlane v3, v2;
	v4 =	vadd.s32 v1, v4;
	_ =	sdelay $0x1  }
0x66: {  	v3 =	vadd.s32 v1, v3;
	_ =	sdelay $0x1  }
0x67: {  	s9 =	simm.s32 $0x6800  }
0x68: {  	[tilespmem:s9], [sflag:$0x1] =	stream.indirect_vreg.gather [hbm4b:s1+s3], $0x80, v4, vm0, $0xb8;
	[tilespmem:$0x18800] =	vst v63  }
0x69: {  	s10 =	simm.s32 $0x7000  }
0x6a: {  	[tilespmem:s10], [sflag:$0x1] =	stream.indirect_vreg.gather [hbm4b:s1+s3], $0x80, v3, vm0, $0xb8;
	[tilespmem:$0x18800] =	vst v63  }
0x6b: {  	v3 =	vld [tilespmem:$0x70];
	_ =	sdelay $0x4  }
0x6c: {  	v55 =	vshll.u32 v3, $0x1  }
0x6d: {  	v3 =	vand.u32 $0x7, v3;
	v4 =	vand.u32 $0xFFFFFFF0, v55  }
0x6e: {  	v3 =	vor.u32 v3, v4  }
0x6f: {  	v4 =	vperm.xlane v3, v0;
	_ =	sdelay $0x1  }
0x70: {  	v3 =	vperm.xlane v3, v2;
	v4 =	vadd.s32 v1, v4;
	_ =	sdelay $0x1  }
0x71: {  	v3 =	vadd.s32 v1, v3;
	_ =	sdelay $0x1  }
0x72: {  	s11 =	simm.s32 $0x7800  }
0x73: {  	[tilespmem:s11], [sflag:$0x1] =	stream.indirect_vreg.gather [hbm4b:s1+s3], $0x80, v4, vm0, $0xb8;
	[tilespmem:$0x18800] =	vst v63  }
0x74: {  	s12 =	simm.s32 $0x8000  }
0x75: {  	[tilespmem:s12], [sflag:$0x1] =	stream.indirect_vreg.gather [hbm4b:s1+s3], $0x80, v3, vm0, $0xb8;
	[tilespmem:$0x18800] =	vst v63  }
0x76: {  	v3 =	vld [tilespmem:$0x80];
	_ =	sdelay $0x4  }
0x77: {  	v56 =	vshll.u32 v3, $0x1  }
0x78: {  	v3 =	vand.u32 $0x7, v3;
	v4 =	vand.u32 $0xFFFFFFF0, v56  }
0x79: {  	v3 =	vor.u32 v3, v4  }
0x7a: {  	v4 =	vperm.xlane v3, v0;
	_ =	sdelay $0x1  }
0x7b: {  	v3 =	vperm.xlane v3, v2;
	v4 =	vadd.s32 v1, v4;
	_ =	sdelay $0x1  }
0x7c: {  	v3 =	vadd.s32 v1, v3;
	_ =	sdelay $0x1  }
0x7d: {  	s13 =	simm.s32 $0x8800  }
0x7e: {  	[tilespmem:s13], [sflag:$0x2] =	stream.indirect_vreg.gather [hbm4b:s1+s3], $0x80, v4, vm0, $0xb8;
	[tilespmem:$0x18800] =	vst v63  }
0x7f: {  	s14 =	simm.s32 $0x9000  }
0x80: {  	[tilespmem:s14], [sflag:$0x2] =	stream.indirect_vreg.gather [hbm4b:s1+s3], $0x80, v3, vm0, $0xb8;
	[tilespmem:$0x18800] =	vst v63  }
0x81: {  	v3 =	vld [tilespmem:$0x90];
	_ =	sdelay $0x4  }
0x82: {  	v57 =	vshll.u32 v3, $0x1  }
0x83: {  	v3 =	vand.u32 $0x7, v3;
	v4 =	vand.u32 $0xFFFFFFF0, v57  }
0x84: {  	v3 =	vor.u32 v3, v4  }
0x85: {  	v4 =	vperm.xlane v3, v0;
	_ =	sdelay $0x1  }
0x86: {  	v3 =	vperm.xlane v3, v2;
	v4 =	vadd.s32 v1, v4;
	_ =	sdelay $0x1  }
0x87: {  	v3 =	vadd.s32 v1, v3;
	_ =	sdelay $0x1  }
0x88: {  	s15 =	simm.s32 $0x9800  }
0x89: {  	[tilespmem:s15], [sflag:$0x2] =	stream.indirect_vreg.gather [hbm4b:s1+s3], $0x80, v4, vm0, $0xb8;
	[tilespmem:$0x18800] =	vst v63  }
0x8a: {  	s16 =	simm.s32 $0xA000  }
0x8b: {  	[tilespmem:s16], [sflag:$0x2] =	stream.indirect_vreg.gather [hbm4b:s1+s3], $0x80, v3, vm0, $0xb8;
	[tilespmem:$0x18800] =	vst v63  }
0x8c: {  	v3 =	vld [tilespmem:$0xA0];
	_ =	sdelay $0x4  }
0x8d: {  	v58 =	vshll.u32 v3, $0x1  }
0x8e: {  	v3 =	vand.u32 $0x7, v3;
	v4 =	vand.u32 $0xFFFFFFF0, v58  }
0x8f: {  	v3 =	vor.u32 v3, v4  }
0x90: {  	v4 =	vperm.xlane v3, v0;
	_ =	sdelay $0x1  }
0x91: {  	v3 =	vperm.xlane v3, v2;
	v4 =	vadd.s32 v1, v4;
	_ =	sdelay $0x1  }
0x92: {  	v3 =	vadd.s32 v1, v3;
	_ =	sdelay $0x1  }
0x93: {  	s17 =	simm.s32 $0xA800  }
0x94: {  	[tilespmem:s17], [sflag:$0x2] =	stream.indirect_vreg.gather [hbm4b:s1+s3], $0x80, v4, vm0, $0xb8;
	[tilespmem:$0x18800] =	vst v63  }
0x95: {  	s18 =	simm.s32 $0xB000  }
0x96: {  	[tilespmem:s18], [sflag:$0x2] =	stream.indirect_vreg.gather [hbm4b:s1+s3], $0x80, v3, vm0, $0xb8;
	[tilespmem:$0x18800] =	vst v63  }
0x97: {  	v3 =	vld [tilespmem:$0xB0];
	_ =	sdelay $0x4  }
0x98: {  	v59 =	vshll.u32 v3, $0x1  }
0x99: {  	v3 =	vand.u32 $0x7, v3;
	v4 =	vand.u32 $0xFFFFFFF0, v59  }
0x9a: {  	v3 =	vor.u32 v3, v4  }
0x9b: {  	v4 =	vperm.xlane v3, v0;
	_ =	sdelay $0x1  }
0x9c: {  	v3 =	vperm.xlane v3, v2;
	v4 =	vadd.s32 v1, v4;
	_ =	sdelay $0x1  }
0x9d: {  	v3 =	vadd.s32 v1, v3;
	_ =	sdelay $0x1  }
0x9e: {  	s20 =	simm.s32 $0xB800  }
0x9f: {  	[tilespmem:s20], [sflag:$0x2] =	stream.indirect_vreg.gather [hbm4b:s1+s3], $0x80, v4, vm0, $0xb8;
	[tilespmem:$0x18800] =	vst v63  }
0xa0: {  	s22 =	simm.s32 $0xC000  }
0xa1: {  	[tilespmem:s22], [sflag:$0x2] =	stream.indirect_vreg.gather [hbm4b:s1+s3], $0x80, v3, vm0, $0xb8;
	[tilespmem:$0x18800] =	vst v63  }
0xa2: {  	v3 =	vld [tilespmem:$0xC0];
	_ =	sdelay $0x4  }
0xa3: {  	v60 =	vshll.u32 v3, $0x1  }
0xa4: {  	v3 =	vand.u32 $0x7, v3;
	v4 =	vand.u32 $0xFFFFFFF0, v60  }
0xa5: {  	v3 =	vor.u32 v3, v4  }
0xa6: {  	v4 =	vperm.xlane v3, v0;
	_ =	sdelay $0x1  }
0xa7: {  	v3 =	vperm.xlane v3, v2;
	v4 =	vadd.s32 v1, v4;
	_ =	sdelay $0x1  }
0xa8: {  	v3 =	vadd.s32 v1, v3;
	_ =	sdelay $0x1  }
0xa9: {  	s23 =	simm.s32 $0xC800  }
0xaa: {  	[tilespmem:s23], [sflag:$0x2] =	stream.indirect_vreg.gather [hbm4b:s1+s3], $0x80, v4, vm0, $0xb8;
	[tilespmem:$0x18800] =	vst v63  }
0xab: {  	s29 =	simm.s32 $0xD000  }
0xac: {  	[tilespmem:s29], [sflag:$0x2] =	stream.indirect_vreg.gather [hbm4b:s1+s3], $0x80, v3, vm0, $0xb8;
	[tilespmem:$0x18800] =	vst v63  }
0xad: {  	v3 =	vld [tilespmem:$0xD0];
	_ =	sdelay $0x4  }
0xae: {  	v61 =	vshll.u32 v3, $0x1  }
0xaf: {  	v3 =	vand.u32 $0x7, v3;
	v4 =	vand.u32 $0xFFFFFFF0, v61  }
0xb0: {  	v3 =	vor.u32 v3, v4  }
0xb1: {  	v4 =	vperm.xlane v3, v0;
	_ =	sdelay $0x1  }
0xb2: {  	v3 =	vperm.xlane v3, v2;
	v4 =	vadd.s32 v1, v4;
	_ =	sdelay $0x1  }
0xb3: {  	v3 =	vadd.s32 v1, v3;
	_ =	sdelay $0x1  }
0xb4: {  	s2 =	simm.s32 $0xD800  }
0xb5: {  	[tilespmem:s2], [sflag:$0x2] =	stream.indirect_vreg.gather [hbm4b:s1+s3], $0x80, v4, vm0, $0xb8;
	[tilespmem:$0x18800] =	vst v63  }
0xb6: {  	s4 =	simm.s32 $0xE000  }
0xb7: {  	[tilespmem:s4], [sflag:$0x2] =	stream.indirect_vreg.gather [hbm4b:s1+s3], $0x80, v3, vm0, $0xb8;
	[tilespmem:$0x18800] =	vst v63  }
0xb8: {  	v3 =	vld [tilespmem:$0xE0];
	_ =	sdelay $0x4  }
0xb9: {  	v62 =	vshll.u32 v3, $0x1  }
0xba: {  	v3 =	vand.u32 $0x7, v3;
	v4 =	vand.u32 $0xFFFFFFF0, v62  }
0xbb: {  	v3 =	vor.u32 v3, v4  }
0xbc: {  	v4 =	vperm.xlane v3, v0;
	_ =	sdelay $0x1  }
0xbd: {  	v3 =	vperm.xlane v3, v2;
	v4 =	vadd.s32 v1, v4;
	_ =	sdelay $0x1  }
0xbe: {  	v3 =	vadd.s32 v1, v3;
	_ =	sdelay $0x1  }
0xbf: {  	s9 =	simm.s32 $0xE800  }
0xc0: {  	[tilespmem:s9], [sflag:$0x2] =	stream.indirect_vreg.gather [hbm4b:s1+s3], $0x80, v4, vm0, $0xb8;
	[tilespmem:$0x18800] =	vst v63  }
0xc1: {  	s10 =	simm.s32 $0xF000  }
0xc2: {  	[tilespmem:s10], [sflag:$0x2] =	stream.indirect_vreg.gather [hbm4b:s1+s3], $0x80, v3, vm0, $0xb8;
	[tilespmem:$0x18800] =	vst v63  }
0xc3: {  	v3 =	vld [tilespmem:$0xF0];
	_ =	sdelay $0x4  }
0xc4: {  	v63 =	vshll.u32 v3, $0x1  }
0xc5: {  	v3 =	vand.u32 $0x7, v3;
	v4 =	vand.u32 $0xFFFFFFF0, v63  }
0xc6: {  	v3 =	vor.u32 v3, v4  }
0xc7: {  	v4 =	vperm.xlane v3, v0;
	_ =	sdelay $0x1  }
0xc8: {  	v3 =	vperm.xlane v3, v2;
	v4 =	vadd.s32 v1, v4;
	_ =	sdelay $0x1  }
0xc9: {  	v3 =	vadd.s32 v1, v3;
	_ =	sdelay $0x1  }
0xca: {  	s11 =	simm.s32 $0xF800  }
0xcb: {  	[tilespmem:s11], [sflag:$0x2] =	stream.indirect_vreg.gather [hbm4b:s1+s3], $0x80, v4, vm0, $0xb8;
	[tilespmem:$0x18800] =	vst v63  }
0xcc: {  	s16 =	simm.s32 $0x10000  }
0xcd: {  	[tilespmem:s16], [sflag:$0x2] =	stream.indirect_vreg.gather [hbm4b:s1+s3], $0x80, v3, vm0, $0xb8;
	[tilespmem:$0x18800] =	vst v63  }
0xce: {  	_ =	swait.ge [sflag:s28], $0x8000  }
0xcf: {  	[sflag:s28] =	ssyncset.done $0x0  }
0xd0: {  	s6 =	simm.s32 $0x800;
	s17 =	rddreg [dreg:$0x5];
	[sflag:s28] =	ssyncadd.s32 $0xFFFF8000  }
0xd1: {  	[hbm4b:s17+s3] =	stream.linear.scatter [tilespmem:s6], [sflag:$0x4], $0x8000, $0x38;
	[tilespmem:$0x18800] =	vst v63  }
0xd2: {  	v3 =	vld [tilespmem:$0x100];
	_ =	sdelay $0x4  }
0xd3: {  	v8 =	vshll.u32 v3, $0x1  }
0xd4: {  	v3 =	vand.u32 $0x7, v3;
	v4 =	vand.u32 $0xFFFFFFF0, v8  }
0xd5: {  	v3 =	vor.u32 v3, v4  }
0xd6: {  	v4 =	vperm.xlane v3, v0;
	_ =	sdelay $0x1  }
0xd7: {  	v3 =	vperm.xlane v3, v2;
	v4 =	vadd.s32 v1, v4;
	_ =	sdelay $0x1  }
0xd8: {  	v3 =	vadd.s32 v1, v3;
	_ =	sdelay $0x1  }
0xd9: {  	s18 =	simm.s32 $0x10800  }
0xda: {  	[tilespmem:s18], [sflag:$0x3] =	stream.indirect_vreg.gather [hbm4b:s1+s3], $0x80, v4, vm0, $0xb8;
	[tilespmem:$0x18800] =	vst v63  }
0xdb: {  	s20 =	simm.s32 $0x11000  }
0xdc: {  	[tilespmem:s20], [sflag:$0x3] =	stream.indirect_vreg.gather [hbm4b:s1+s3], $0x80, v3, vm0, $0xb8;
	[tilespmem:$0x18800] =	vst v63  }
0xdd: {  	v3 =	vld [tilespmem:$0x110];
	_ =	sdelay $0x4  }
0xde: {  	v9 =	vshll.u32 v3, $0x1  }
0xdf: {  	v3 =	vand.u32 $0x7, v3;
	v4 =	vand.u32 $0xFFFFFFF0, v9  }
0xe0: {  	v3 =	vor.u32 v3, v4  }
0xe1: {  	v4 =	vperm.xlane v3, v0;
	_ =	sdelay $0x1  }
0xe2: {  	v3 =	vperm.xlane v3, v2;
	v4 =	vadd.s32 v1, v4;
	_ =	sdelay $0x1  }
0xe3: {  	v3 =	vadd.s32 v1, v3;
	_ =	sdelay $0x1  }
0xe4: {  	s22 =	simm.s32 $0x11800  }
0xe5: {  	[tilespmem:s22], [sflag:$0x3] =	stream.indirect_vreg.gather [hbm4b:s1+s3], $0x80, v4, vm0, $0xb8;
	[tilespmem:$0x18800] =	vst v63  }
0xe6: {  	s23 =	simm.s32 $0x12000  }
0xe7: {  	[tilespmem:s23], [sflag:$0x3] =	stream.indirect_vreg.gather [hbm4b:s1+s3], $0x80, v3, vm0, $0xb8;
	[tilespmem:$0x18800] =	vst v63  }
0xe8: {  	v3 =	vld [tilespmem:$0x120];
	_ =	sdelay $0x4  }
0xe9: {  	v10 =	vshll.u32 v3, $0x1  }
0xea: {  	v3 =	vand.u32 $0x7, v3;
	v4 =	vand.u32 $0xFFFFFFF0, v10  }
0xeb: {  	v3 =	vor.u32 v3, v4  }
0xec: {  	v4 =	vperm.xlane v3, v0;
	_ =	sdelay $0x1  }
0xed: {  	v3 =	vperm.xlane v3, v2;
	v4 =	vadd.s32 v1, v4;
	_ =	sdelay $0x1  }
0xee: {  	v3 =	vadd.s32 v1, v3;
	_ =	sdelay $0x1  }
0xef: {  	s29 =	simm.s32 $0x12800  }
0xf0: {  	[tilespmem:s29], [sflag:$0x3] =	stream.indirect_vreg.gather [hbm4b:s1+s3], $0x80, v4, vm0, $0xb8;
	[tilespmem:$0x18800] =	vst v63  }
0xf1: {  	s2 =	simm.s32 $0x13000  }
0xf2: {  	[tilespmem:s2], [sflag:$0x3] =	stream.indirect_vreg.gather [hbm4b:s1+s3], $0x80, v3, vm0, $0xb8;
	[tilespmem:$0x18800] =	vst v63  }
0xf3: {  	v3 =	vld [tilespmem:$0x130];
	_ =	sdelay $0x4  }
0xf4: {  	v11 =	vshll.u32 v3, $0x1  }
0xf5: {  	v3 =	vand.u32 $0x7, v3;
	v4 =	vand.u32 $0xFFFFFFF0, v11  }
0xf6: {  	v3 =	vor.u32 v3, v4  }
0xf7: {  	v4 =	vperm.xlane v3, v0;
	_ =	sdelay $0x1  }
0xf8: {  	v3 =	vperm.xlane v3, v2;
	v4 =	vadd.s32 v1, v4;
	_ =	sdelay $0x1  }
0xf9: {  	v3 =	vadd.s32 v1, v3;
	_ =	sdelay $0x1  }
0xfa: {  	s9 =	simm.s32 $0x13800  }
0xfb: {  	[tilespmem:s9], [sflag:$0x3] =	stream.indirect_vreg.gather [hbm4b:s1+s3], $0x80, v4, vm0, $0xb8;
	[tilespmem:$0x18800] =	vst v63  }
0xfc: {  	s10 =	simm.s32 $0x14000  }
0xfd: {  	[tilespmem:s10], [sflag:$0x3] =	stream.indirect_vreg.gather [hbm4b:s1+s3], $0x80, v3, vm0, $0xb8;
	[tilespmem:$0x18800] =	vst v63  }
0xfe: {  	v3 =	vld [tilespmem:$0x140];
	_ =	sdelay $0x4  }
0xff: {  	v12 =	vshll.u32 v3, $0x1  }
0x100: {  	v3 =	vand.u32 $0x7, v3;
	v4 =	vand.u32 $0xFFFFFFF0, v12  }
0x101: {  	v3 =	vor.u32 v3, v4  }
0x102: {  	v4 =	vperm.xlane v3, v0;
	_ =	sdelay $0x1  }
0x103: {  	v3 =	vperm.xlane v3, v2;
	v4 =	vadd.s32 v1, v4;
	_ =	sdelay $0x1  }
0x104: {  	v3 =	vadd.s32 v1, v3;
	_ =	sdelay $0x1  }
0x105: {  	s11 =	simm.s32 $0x14800  }
0x106: {  	[tilespmem:s11], [sflag:$0x3] =	stream.indirect_vreg.gather [hbm4b:s1+s3], $0x80, v4, vm0, $0xb8;
	[tilespmem:$0x18800] =	vst v63  }
0x107: {  	s17 =	simm.s32 $0x15000  }
0x108: {  	[tilespmem:s17], [sflag:$0x3] =	stream.indirect_vreg.gather [hbm4b:s1+s3], $0x80, v3, vm0, $0xb8;
	[tilespmem:$0x18800] =	vst v63  }
0x109: {  	v3 =	vld [tilespmem:$0x150];
	_ =	sdelay $0x4  }
0x10a: {  	v13 =	vshll.u32 v3, $0x1  }
0x10b: {  	v3 =	vand.u32 $0x7, v3;
	v4 =	vand.u32 $0xFFFFFFF0, v13  }
0x10c: {  	v3 =	vor.u32 v3, v4  }
0x10d: {  	v4 =	vperm.xlane v3, v0;
	_ =	sdelay $0x1  }
0x10e: {  	v3 =	vperm.xlane v3, v2;
	v4 =	vadd.s32 v1, v4;
	_ =	sdelay $0x1  }
0x10f: {  	v3 =	vadd.s32 v1, v3;
	_ =	sdelay $0x1  }
0x110: {  	s18 =	simm.s32 $0x15800  }
0x111: {  	[tilespmem:s18], [sflag:$0x3] =	stream.indirect_vreg.gather [hbm4b:s1+s3], $0x80, v4, vm0, $0xb8;
	[tilespmem:$0x18800] =	vst v63  }
0x112: {  	s20 =	simm.s32 $0x16000  }
0x113: {  	[tilespmem:s20], [sflag:$0x3] =	stream.indirect_vreg.gather [hbm4b:s1+s3], $0x80, v3, vm0, $0xb8;
	[tilespmem:$0x18800] =	vst v63  }
0x114: {  	v3 =	vld [tilespmem:$0x160];
	_ =	sdelay $0x4  }
0x115: {  	v14 =	vshll.u32 v3, $0x1  }
0x116: {  	v3 =	vand.u32 $0x7, v3;
	v4 =	vand.u32 $0xFFFFFFF0, v14  }
0x117: {  	v3 =	vor.u32 v3, v4  }
0x118: {  	v4 =	vperm.xlane v3, v0;
	_ =	sdelay $0x1  }
0x119: {  	v3 =	vperm.xlane v3, v2;
	v4 =	vadd.s32 v1, v4;
	_ =	sdelay $0x1  }
0x11a: {  	v3 =	vadd.s32 v1, v3;
	_ =	sdelay $0x1  }
0x11b: {  	s22 =	simm.s32 $0x16800  }
0x11c: {  	[tilespmem:s22], [sflag:$0x3] =	stream.indirect_vreg.gather [hbm4b:s1+s3], $0x80, v4, vm0, $0xb8;
	[tilespmem:$0x18800] =	vst v63  }
0x11d: {  	s23 =	simm.s32 $0x17000  }
0x11e: {  	[tilespmem:s23], [sflag:$0x3] =	stream.indirect_vreg.gather [hbm4b:s1+s3], $0x80, v3, vm0, $0xb8;
	[tilespmem:$0x18800] =	vst v63  }
0x11f: {  	v3 =	vld [tilespmem:$0x170];
	_ =	sdelay $0x4  }
0x120: {  	v15 =	vshll.u32 v3, $0x1  }
0x121: {  	v3 =	vand.u32 $0x7, v3;
	v4 =	vand.u32 $0xFFFFFFF0, v15  }
0x122: {  	v3 =	vor.u32 v3, v4  }
0x123: {  	v4 =	vperm.xlane v3, v0;
	_ =	sdelay $0x1  }
0x124: {  	v3 =	vperm.xlane v3, v2;
	v4 =	vadd.s32 v1, v4;
	_ =	sdelay $0x1  }
0x125: {  	v3 =	vadd.s32 v1, v3;
	_ =	sdelay $0x1  }
0x126: {  	s29 =	simm.s32 $0x17800  }
0x127: {  	[tilespmem:s29], [sflag:$0x3] =	stream.indirect_vreg.gather [hbm4b:s1+s3], $0x80, v4, vm0, $0xb8;
	[tilespmem:$0x18800] =	vst v63  }
0x128: {  	s2 =	simm.s32 $0x18000  }
0x129: {  	[tilespmem:s2], [sflag:$0x3] =	stream.indirect_vreg.gather [hbm4b:s1+s3], $0x80, v3, vm0, $0xb8;
	[tilespmem:$0x18800] =	vst v63  }
0x12a: {  	_ =	swait.ge [sflag:s26], $0x8000  }
0x12b: {  	[sflag:s26] =	ssyncset.done $0x0  }
0x12c: {  	s23 =	simm.s32 $0x8800;
	s9 =	rddreg [dreg:$0x6];
	[sflag:s26] =	ssyncadd.s32 $0xFFFF8000  }
0x12d: {  	[hbm4b:s9+s3] =	stream.linear.scatter [tilespmem:s23], [sflag:$0x5], $0x8000, $0x38;
	[tilespmem:$0x18800] =	vst v63  }
0x12e: {  	_ =	swait.ge [sflag:s25], $0x8000  }
0x12f: {  	[sflag:s25] =	ssyncset.done $0x0  }
0x130: {  	[sflag:s25] =	ssyncadd.s32 $0xFFFF8000  }
0x131: {  	v3 =	vld [tilespmem:$0x180];
	_ =	sdelay $0x4  }
0x132: {  	v16 =	vshll.u32 v3, $0x1  }
0x133: {  	v3 =	vand.u32 $0x7, v3;
	v4 =	vand.u32 $0xFFFFFFF0, v16  }
0x134: {  	v3 =	vor.u32 v3, v4  }
0x135: {  	v4 =	vperm.xlane v3, v0;
	_ =	sdelay $0x1  }
0x136: {  	v3 =	vperm.xlane v3, v2;
	v4 =	vadd.s32 v1, v4;
	_ =	sdelay $0x1  }
0x137: {  	v3 =	vadd.s32 v1, v3;
	_ =	sdelay $0x1  }
0x138: {  	s6 =	simm.s32 $0x800  }
0x139: {  	[tilespmem:s6], [sflag:$0x1] =	stream.indirect_vreg.gather [hbm4b:s1+s3], $0x80, v4, vm0, $0xb8;
	[tilespmem:$0x18800] =	vst v63  }
0x13a: {  	s5 =	simm.s32 $0x1000  }
0x13b: {  	[tilespmem:s5], [sflag:$0x1] =	stream.indirect_vreg.gather [hbm4b:s1+s3], $0x80, v3, vm0, $0xb8;
	[tilespmem:$0x18800] =	vst v63  }
0x13c: {  	v3 =	vld [tilespmem:$0x190];
	_ =	sdelay $0x4  }
0x13d: {  	v17 =	vshll.u32 v3, $0x1  }
0x13e: {  	v3 =	vand.u32 $0x7, v3;
	v4 =	vand.u32 $0xFFFFFFF0, v17  }
0x13f: {  	v3 =	vor.u32 v3, v4  }
0x140: {  	v4 =	vperm.xlane v3, v0;
	_ =	sdelay $0x1  }
0x141: {  	v3 =	vperm.xlane v3, v2;
	v4 =	vadd.s32 v1, v4;
	_ =	sdelay $0x1  }
0x142: {  	v3 =	vadd.s32 v1, v3;
	_ =	sdelay $0x1  }
0x143: {  	s10 =	simm.s32 $0x1800  }
0x144: {  	[tilespmem:s10], [sflag:$0x1] =	stream.indirect_vreg.gather [hbm4b:s1+s3], $0x80, v4, vm0, $0xb8;
	[tilespmem:$0x18800] =	vst v63  }
0x145: {  	s7 =	simm.s32 $0x2000  }
0x146: {  	[tilespmem:s7], [sflag:$0x1] =	stream.indirect_vreg.gather [hbm4b:s1+s3], $0x80, v3, vm0, $0xb8;
	[tilespmem:$0x18800] =	vst v63  }
0x147: {  	v3 =	vld [tilespmem:$0x1A0];
	_ =	sdelay $0x4  }
0x148: {  	v18 =	vshll.u32 v3, $0x1  }
0x149: {  	v3 =	vand.u32 $0x7, v3;
	v4 =	vand.u32 $0xFFFFFFF0, v18  }
0x14a: {  	v3 =	vor.u32 v3, v4  }
0x14b: {  	v4 =	vperm.xlane v3, v0;
	_ =	sdelay $0x1  }
0x14c: {  	v3 =	vperm.xlane v3, v2;
	v4 =	vadd.s32 v1, v4;
	_ =	sdelay $0x1  }
0x14d: {  	v3 =	vadd.s32 v1, v3;
	_ =	sdelay $0x1  }
0x14e: {  	s22 =	simm.s32 $0x2800  }
0x14f: {  	[tilespmem:s22], [sflag:$0x1] =	stream.indirect_vreg.gather [hbm4b:s1+s3], $0x80, v4, vm0, $0xb8;
	[tilespmem:$0x18800] =	vst v63  }
0x150: {  	s8 =	simm.s32 $0x3000  }
0x151: {  	[tilespmem:s8], [sflag:$0x1] =	stream.indirect_vreg.gather [hbm4b:s1+s3], $0x80, v3, vm0, $0xb8;
	[tilespmem:$0x18800] =	vst v63  }
0x152: {  	v3 =	vld [tilespmem:$0x1B0];
	_ =	sdelay $0x4  }
0x153: {  	v19 =	vshll.u32 v3, $0x1  }
0x154: {  	v3 =	vand.u32 $0x7, v3;
	v4 =	vand.u32 $0xFFFFFFF0, v19  }
0x155: {  	v3 =	vor.u32 v3, v4  }
0x156: {  	v4 =	vperm.xlane v3, v0;
	_ =	sdelay $0x1  }
0x157: {  	v3 =	vperm.xlane v3, v2;
	v4 =	vadd.s32 v1, v4;
	_ =	sdelay $0x1  }
0x158: {  	v3 =	vadd.s32 v1, v3;
	_ =	sdelay $0x1  }
0x159: {  	s20 =	simm.s32 $0x3800  }
0x15a: {  	[tilespmem:s20], [sflag:$0x1] =	stream.indirect_vreg.gather [hbm4b:s1+s3], $0x80, v4, vm0, $0xb8;
	[tilespmem:$0x18800] =	vst v63  }
0x15b: {  	s21 =	simm.s32 $0x4000  }
0x15c: {  	[tilespmem:s21], [sflag:$0x1] =	stream.indirect_vreg.gather [hbm4b:s1+s3], $0x80, v3, vm0, $0xb8;
	[tilespmem:$0x18800] =	vst v63  }
0x15d: {  	v3 =	vld [tilespmem:$0x1C0];
	_ =	sdelay $0x4  }
0x15e: {  	v20 =	vshll.u32 v3, $0x1  }
0x15f: {  	v3 =	vand.u32 $0x7, v3;
	v4 =	vand.u32 $0xFFFFFFF0, v20  }
0x160: {  	v3 =	vor.u32 v3, v4  }
0x161: {  	v4 =	vperm.xlane v3, v0;
	_ =	sdelay $0x1  }
0x162: {  	v3 =	vperm.xlane v3, v2;
	v4 =	vadd.s32 v1, v4;
	_ =	sdelay $0x1  }
0x163: {  	v3 =	vadd.s32 v1, v3;
	_ =	sdelay $0x1  }
0x164: {  	s21 =	simm.s32 $0x4800  }
0x165: {  	[tilespmem:s21], [sflag:$0x1] =	stream.indirect_vreg.gather [hbm4b:s1+s3], $0x80, v4, vm0, $0xb8;
	[tilespmem:$0x18800] =	vst v63  }
0x166: {  	s9 =	simm.s32 $0x5000  }
0x167: {  	[tilespmem:s9], [sflag:$0x1] =	stream.indirect_vreg.gather [hbm4b:s1+s3], $0x80, v3, vm0, $0xb8;
	[tilespmem:$0x18800] =	vst v63  }
0x168: {  	v3 =	vld [tilespmem:$0x1D0];
	_ =	sdelay $0x4  }
0x169: {  	v21 =	vshll.u32 v3, $0x1  }
0x16a: {  	v3 =	vand.u32 $0x7, v3;
	v4 =	vand.u32 $0xFFFFFFF0, v21  }
0x16b: {  	v3 =	vor.u32 v3, v4  }
0x16c: {  	v4 =	vperm.xlane v3, v0;
	_ =	sdelay $0x1  }
0x16d: {  	v3 =	vperm.xlane v3, v2;
	v4 =	vadd.s32 v1, v4;
	_ =	sdelay $0x1  }
0x16e: {  	v3 =	vadd.s32 v1, v3;
	_ =	sdelay $0x1  }
0x16f: {  	s11 =	simm.s32 $0x5800  }
0x170: {  	[tilespmem:s11], [sflag:$0x1] =	stream.indirect_vreg.gather [hbm4b:s1+s3], $0x80, v4, vm0, $0xb8;
	[tilespmem:$0x18800] =	vst v63  }
0x171: {  	s10 =	simm.s32 $0x6000  }
0x172: {  	[tilespmem:s10], [sflag:$0x1] =	stream.indirect_vreg.gather [hbm4b:s1+s3], $0x80, v3, vm0, $0xb8;
	[tilespmem:$0x18800] =	vst v63  }
0x173: {  	v3 =	vld [tilespmem:$0x1E0];
	_ =	sdelay $0x4  }
0x174: {  	v22 =	vshll.u32 v3, $0x1  }
0x175: {  	v3 =	vand.u32 $0x7, v3;
	v4 =	vand.u32 $0xFFFFFFF0, v22  }
0x176: {  	v3 =	vor.u32 v3, v4  }
0x177: {  	v4 =	vperm.xlane v3, v0;
	_ =	sdelay $0x1  }
0x178: {  	v3 =	vperm.xlane v3, v2;
	v4 =	vadd.s32 v1, v4;
	_ =	sdelay $0x1  }
0x179: {  	v3 =	vadd.s32 v1, v3;
	_ =	sdelay $0x1  }
0x17a: {  	s7 =	simm.s32 $0x6800  }
0x17b: {  	[tilespmem:s7], [sflag:$0x1] =	stream.indirect_vreg.gather [hbm4b:s1+s3], $0x80, v4, vm0, $0xb8;
	[tilespmem:$0x18800] =	vst v63  }
0x17c: {  	s11 =	simm.s32 $0x7000  }
0x17d: {  	[tilespmem:s11], [sflag:$0x1] =	stream.indirect_vreg.gather [hbm4b:s1+s3], $0x80, v3, vm0, $0xb8;
	[tilespmem:$0x18800] =	vst v63  }
0x17e: {  	v3 =	vld [tilespmem:$0x1F0];
	_ =	sdelay $0x4  }
0x17f: {  	v23 =	vshll.u32 v3, $0x1  }
0x180: {  	v3 =	vand.u32 $0x7, v3;
	v4 =	vand.u32 $0xFFFFFFF0, v23  }
0x181: {  	v3 =	vor.u32 v3, v4  }
0x182: {  	v4 =	vperm.xlane v3, v0;
	_ =	sdelay $0x1  }
0x183: {  	v3 =	vperm.xlane v3, v2;
	v4 =	vadd.s32 v1, v4;
	_ =	sdelay $0x1  }
0x184: {  	v3 =	vadd.s32 v1, v3;
	_ =	sdelay $0x1  }
0x185: {  	s8 =	simm.s32 $0x7800  }
0x186: {  	[tilespmem:s8], [sflag:$0x1] =	stream.indirect_vreg.gather [hbm4b:s1+s3], $0x80, v4, vm0, $0xb8;
	[tilespmem:$0x18800] =	vst v63  }
0x187: {  	s12 =	simm.s32 $0x8000  }
0x188: {  	[tilespmem:s12], [sflag:$0x1] =	stream.indirect_vreg.gather [hbm4b:s1+s3], $0x80, v3, vm0, $0xb8;
	[tilespmem:$0x18800] =	vst v63  }
0x189: {  	_ =	swait.ge [sflag:s30], $0x8000  }
0x18a: {  	[sflag:s30] =	ssyncset.done $0x0  }
0x18b: {  	s12 =	simm.s32 $0x10800;
	s0 =	rddreg [dreg:$0x7];
	[sflag:s30] =	ssyncadd.s32 $0xFFFF8000  }
0x18c: {  	[hbm4b:s0+s3] =	stream.linear.scatter [tilespmem:s12], [sflag:$0x6], $0x8000, $0x38;
	[tilespmem:$0x18800] =	vst v63  }
0x18d: {  	_ =	swait.ge [sflag:s31], $0x8000  }
0x18e: {  	[sflag:s31] =	ssyncset.done $0x0  }
0x18f: {  	[sflag:s31] =	ssyncadd.s32 $0xFFFF8000  }
0x190: {  	v3 =	vld [tilespmem:$0x200];
	_ =	sdelay $0x4  }
0x191: {  	v24 =	vshll.u32 v3, $0x1  }
0x192: {  	v3 =	vand.u32 $0x7, v3;
	v4 =	vand.u32 $0xFFFFFFF0, v24  }
0x193: {  	v3 =	vor.u32 v3, v4  }
0x194: {  	v4 =	vperm.xlane v3, v0;
	_ =	sdelay $0x1  }
0x195: {  	v3 =	vperm.xlane v3, v2;
	v4 =	vadd.s32 v1, v4;
	_ =	sdelay $0x1  }
0x196: {  	v3 =	vadd.s32 v1, v3;
	_ =	sdelay $0x2  }
0x197: {  	[tilespmem:s23], [sflag:$0x2] =	stream.indirect_vreg.gather [hbm4b:s1+s3], $0x80, v4, vm0, $0xb8;
	[tilespmem:$0x18800] =	vst v63  }
0x198: {  	s24 =	simm.s32 $0x9000  }
0x199: {  	[tilespmem:s24], [sflag:$0x2] =	stream.indirect_vreg.gather [hbm4b:s1+s3], $0x80, v3, vm0, $0xb8;
	[tilespmem:$0x18800] =	vst v63  }
0x19a: {  	v3 =	vld [tilespmem:$0x210];
	_ =	sdelay $0x4  }
0x19b: {  	v25 =	vshll.u32 v3, $0x1  }
0x19c: {  	v3 =	vand.u32 $0x7, v3;
	v4 =	vand.u32 $0xFFFFFFF0, v25  }
0x19d: {  	v3 =	vor.u32 v3, v4  }
0x19e: {  	v4 =	vperm.xlane v3, v0;
	_ =	sdelay $0x1  }
0x19f: {  	v3 =	vperm.xlane v3, v2;
	v4 =	vadd.s32 v1, v4;
	_ =	sdelay $0x1  }
0x1a0: {  	v3 =	vadd.s32 v1, v3;
	_ =	sdelay $0x1  }
0x1a1: {  	s19 =	simm.s32 $0x9800  }
0x1a2: {  	[tilespmem:s19], [sflag:$0x2] =	stream.indirect_vreg.gather [hbm4b:s1+s3], $0x80, v4, vm0, $0xb8;
	[tilespmem:$0x18800] =	vst v63  }
0x1a3: {  	s6 =	simm.s32 $0xA000  }
0x1a4: {  	[tilespmem:s6], [sflag:$0x2] =	stream.indirect_vreg.gather [hbm4b:s1+s3], $0x80, v3, vm0, $0xb8;
	[tilespmem:$0x18800] =	vst v63  }
0x1a5: {  	v3 =	vld [tilespmem:$0x220];
	_ =	sdelay $0x4  }
0x1a6: {  	v26 =	vshll.u32 v3, $0x1  }
0x1a7: {  	v3 =	vand.u32 $0x7, v3;
	v4 =	vand.u32 $0xFFFFFFF0, v26  }
0x1a8: {  	v3 =	vor.u32 v3, v4  }
0x1a9: {  	v4 =	vperm.xlane v3, v0;
	_ =	sdelay $0x1  }
0x1aa: {  	v3 =	vperm.xlane v3, v2;
	v4 =	vadd.s32 v1, v4;
	_ =	sdelay $0x1  }
0x1ab: {  	v3 =	vadd.s32 v1, v3;
	_ =	sdelay $0x1  }
0x1ac: {  	s23 =	simm.s32 $0xA800  }
0x1ad: {  	[tilespmem:s23], [sflag:$0x2] =	stream.indirect_vreg.gather [hbm4b:s1+s3], $0x80, v4, vm0, $0xb8;
	[tilespmem:$0x18800] =	vst v63  }
0x1ae: {  	s5 =	simm.s32 $0xB000  }
0x1af: {  	[tilespmem:s5], [sflag:$0x2] =	stream.indirect_vreg.gather [hbm4b:s1+s3], $0x80, v3, vm0, $0xb8;
	[tilespmem:$0x18800] =	vst v63  }
0x1b0: {  	v3 =	vld [tilespmem:$0x230];
	_ =	sdelay $0x4  }
0x1b1: {  	v27 =	vshll.u32 v3, $0x1  }
0x1b2: {  	v3 =	vand.u32 $0x7, v3;
	v4 =	vand.u32 $0xFFFFFFF0, v27  }
0x1b3: {  	v3 =	vor.u32 v3, v4  }
0x1b4: {  	v4 =	vperm.xlane v3, v0;
	_ =	sdelay $0x1  }
0x1b5: {  	v3 =	vperm.xlane v3, v2;
	v4 =	vadd.s32 v1, v4;
	_ =	sdelay $0x1  }
0x1b6: {  	v3 =	vadd.s32 v1, v3;
	_ =	sdelay $0x1  }
0x1b7: {  	s13 =	simm.s32 $0xB800  }
0x1b8: {  	[tilespmem:s13], [sflag:$0x2] =	stream.indirect_vreg.gather [hbm4b:s1+s3], $0x80, v4, vm0, $0xb8;
	[tilespmem:$0x18800] =	vst v63  }
0x1b9: {  	s13 =	simm.s32 $0xC000  }
0x1ba: {  	[tilespmem:s13], [sflag:$0x2] =	stream.indirect_vreg.gather [hbm4b:s1+s3], $0x80, v3, vm0, $0xb8;
	[tilespmem:$0x18800] =	vst v63  }
0x1bb: {  	v3 =	vld [tilespmem:$0x240];
	_ =	sdelay $0x4  }
0x1bc: {  	v28 =	vshll.u32 v3, $0x1  }
0x1bd: {  	v3 =	vand.u32 $0x7, v3;
	v4 =	vand.u32 $0xFFFFFFF0, v28  }
0x1be: {  	v3 =	vor.u32 v3, v4  }
0x1bf: {  	v4 =	vperm.xlane v3, v0;
	_ =	sdelay $0x1  }
0x1c0: {  	v3 =	vperm.xlane v3, v2;
	v4 =	vadd.s32 v1, v4;
	_ =	sdelay $0x1  }
0x1c1: {  	v3 =	vadd.s32 v1, v3;
	_ =	sdelay $0x1  }
0x1c2: {  	s14 =	simm.s32 $0xC800  }
0x1c3: {  	[tilespmem:s14], [sflag:$0x2] =	stream.indirect_vreg.gather [hbm4b:s1+s3], $0x80, v4, vm0, $0xb8;
	[tilespmem:$0x18800] =	vst v63  }
0x1c4: {  	s19 =	simm.s32 $0xD000  }
0x1c5: {  	[tilespmem:s19], [sflag:$0x2] =	stream.indirect_vreg.gather [hbm4b:s1+s3], $0x80, v3, vm0, $0xb8;
	[tilespmem:$0x18800] =	vst v63  }
0x1c6: {  	v3 =	vld [tilespmem:$0x250];
	_ =	sdelay $0x4  }
0x1c7: {  	v29 =	vshll.u32 v3, $0x1  }
0x1c8: {  	v3 =	vand.u32 $0x7, v3;
	v4 =	vand.u32 $0xFFFFFFF0, v29  }
0x1c9: {  	v3 =	vor.u32 v3, v4  }
0x1ca: {  	v4 =	vperm.xlane v3, v0;
	_ =	sdelay $0x1  }
0x1cb: {  	v3 =	vperm.xlane v3, v2;
	v4 =	vadd.s32 v1, v4;
	_ =	sdelay $0x1  }
0x1cc: {  	v3 =	vadd.s32 v1, v3;
	_ =	sdelay $0x1  }
0x1cd: {  	s15 =	simm.s32 $0xD800  }
0x1ce: {  	[tilespmem:s15], [sflag:$0x2] =	stream.indirect_vreg.gather [hbm4b:s1+s3], $0x80, v4, vm0, $0xb8;
	[tilespmem:$0x18800] =	vst v63  }
0x1cf: {  	s24 =	simm.s32 $0xE000  }
0x1d0: {  	[tilespmem:s24], [sflag:$0x2] =	stream.indirect_vreg.gather [hbm4b:s1+s3], $0x80, v3, vm0, $0xb8;
	[tilespmem:$0x18800] =	vst v63  }
0x1d1: {  	v3 =	vld [tilespmem:$0x260];
	_ =	sdelay $0x4  }
0x1d2: {  	v30 =	vshll.u32 v3, $0x1  }
0x1d3: {  	v3 =	vand.u32 $0x7, v3;
	v4 =	vand.u32 $0xFFFFFFF0, v30  }
0x1d4: {  	v3 =	vor.u32 v3, v4  }
0x1d5: {  	v4 =	vperm.xlane v3, v0;
	_ =	sdelay $0x1  }
0x1d6: {  	v3 =	vperm.xlane v3, v2;
	v4 =	vadd.s32 v1, v4;
	_ =	sdelay $0x1  }
0x1d7: {  	v3 =	vadd.s32 v1, v3;
	_ =	sdelay $0x1  }
0x1d8: {  	s2 =	simm.s32 $0xE800  }
0x1d9: {  	[tilespmem:s2], [sflag:$0x2] =	stream.indirect_vreg.gather [hbm4b:s1+s3], $0x80, v4, vm0, $0xb8;
	[tilespmem:$0x18800] =	vst v63  }
0x1da: {  	s5 =	simm.s32 $0xF000  }
0x1db: {  	[tilespmem:s5], [sflag:$0x2] =	stream.indirect_vreg.gather [hbm4b:s1+s3], $0x80, v3, vm0, $0xb8;
	[tilespmem:$0x18800] =	vst v63  }
0x1dc: {  	v3 =	vld [tilespmem:$0x270];
	_ =	sdelay $0x4  }
0x1dd: {  	v31 =	vshll.u32 v3, $0x1  }
0x1de: {  	v3 =	vand.u32 $0x7, v3;
	v4 =	vand.u32 $0xFFFFFFF0, v31  }
0x1df: {  	v3 =	vor.u32 v3, v4  }
0x1e0: {  	v4 =	vperm.xlane v3, v0;
	_ =	sdelay $0x1  }
0x1e1: {  	v3 =	vperm.xlane v3, v2;
	v4 =	vadd.s32 v1, v4;
	_ =	sdelay $0x1  }
0x1e2: {  	v3 =	vadd.s32 v1, v3;
	_ =	sdelay $0x1  }
0x1e3: {  	s24 =	simm.s32 $0xF800  }
0x1e4: {  	[tilespmem:s24], [sflag:$0x2] =	stream.indirect_vreg.gather [hbm4b:s1+s3], $0x80, v4, vm0, $0xb8;
	[tilespmem:$0x18800] =	vst v63  }
0x1e5: {  	s13 =	simm.s32 $0x10000  }
0x1e6: {  	[tilespmem:s13], [sflag:$0x2] =	stream.indirect_vreg.gather [hbm4b:s1+s3], $0x80, v3, vm0, $0xb8;
	[tilespmem:$0x18800] =	vst v63  }
0x1e7: {  	_ =	swait.ge [sflag:s28], $0x8000  }
0x1e8: {  	[sflag:s28] =	ssyncset.done $0x0  }
0x1e9: {  	s29 =	simm.s32 $0x800;
	s14 =	rddreg [dreg:$0x8];
	[sflag:s28] =	ssyncadd.s32 $0xFFFF8000  }
0x1ea: {  	[hbm4b:s14+s3] =	stream.linear.scatter [tilespmem:s29], [sflag:$0x4], $0x8000, $0x38;
	[tilespmem:$0x18800] =	vst v63  }
0x1eb: {  	s29 =	simm.s32 $0x6  }
0x1ec: {  	_ =	swait.ge [sflag:s29], $0x8000  }
0x1ed: {  	[sflag:s29] =	ssyncset.done $0x0  }
0x1ee: {  	[sflag:s29] =	ssyncadd.s32 $0xFFFF8000  }
0x1ef: {  	v3 =	vld [tilespmem:$0x280];
	_ =	sdelay $0x4  }
0x1f0: {  	v32 =	vshll.u32 v3, $0x1  }
0x1f1: {  	v3 =	vand.u32 $0x7, v3;
	v4 =	vand.u32 $0xFFFFFFF0, v32  }
0x1f2: {  	v3 =	vor.u32 v3, v4  }
0x1f3: {  	v4 =	vperm.xlane v3, v0;
	_ =	sdelay $0x1  }
0x1f4: {  	v3 =	vperm.xlane v3, v2;
	v4 =	vadd.s32 v1, v4;
	_ =	sdelay $0x1  }
0x1f5: {  	v3 =	vadd.s32 v1, v3;
	_ =	sdelay $0x2  }
0x1f6: {  	[tilespmem:s12], [sflag:$0x3] =	stream.indirect_vreg.gather [hbm4b:s1+s3], $0x80, v4, vm0, $0xb8;
	[tilespmem:$0x18800] =	vst v63  }
0x1f7: {  	s4 =	simm.s32 $0x11000  }
0x1f8: {  	[tilespmem:s4], [sflag:$0x3] =	stream.indirect_vreg.gather [hbm4b:s1+s3], $0x80, v3, vm0, $0xb8;
	[tilespmem:$0x18800] =	vst v63  }
0x1f9: {  	v3 =	vld [tilespmem:$0x290];
	_ =	sdelay $0x4  }
0x1fa: {  	v33 =	vshll.u32 v3, $0x1  }
0x1fb: {  	v3 =	vand.u32 $0x7, v3;
	v4 =	vand.u32 $0xFFFFFFF0, v33  }
0x1fc: {  	v3 =	vor.u32 v3, v4  }
0x1fd: {  	v4 =	vperm.xlane v3, v0;
	_ =	sdelay $0x1  }
0x1fe: {  	v3 =	vperm.xlane v3, v2;
	v4 =	vadd.s32 v1, v4;
	_ =	sdelay $0x1  }
0x1ff: {  	v3 =	vadd.s32 v1, v3;
	_ =	sdelay $0x1  }
0x200: {  	s12 =	simm.s32 $0x11800  }
0x201: {  	[tilespmem:s12], [sflag:$0x3] =	stream.indirect_vreg.gather [hbm4b:s1+s3], $0x80, v4, vm0, $0xb8;
	[tilespmem:$0x18800] =	vst v63  }
0x202: {  	s15 =	simm.s32 $0x12000  }
0x203: {  	[tilespmem:s15], [sflag:$0x3] =	stream.indirect_vreg.gather [hbm4b:s1+s3], $0x80, v3, vm0, $0xb8;
	[tilespmem:$0x18800] =	vst v63  }
0x204: {  	v3 =	vld [tilespmem:$0x2A0];
	_ =	sdelay $0x4  }
0x205: {  	v34 =	vshll.u32 v3, $0x1  }
0x206: {  	v3 =	vand.u32 $0x7, v3;
	v4 =	vand.u32 $0xFFFFFFF0, v34  }
0x207: {  	v3 =	vor.u32 v3, v4  }
0x208: {  	v4 =	vperm.xlane v3, v0;
	_ =	sdelay $0x1  }
0x209: {  	v3 =	vperm.xlane v3, v2;
	v4 =	vadd.s32 v1, v4;
	_ =	sdelay $0x1  }
0x20a: {  	v3 =	vadd.s32 v1, v3;
	_ =	sdelay $0x1  }
0x20b: {  	s13 =	simm.s32 $0x12800  }
0x20c: {  	[tilespmem:s13], [sflag:$0x3] =	stream.indirect_vreg.gather [hbm4b:s1+s3], $0x80, v4, vm0, $0xb8;
	[tilespmem:$0x18800] =	vst v63  }
0x20d: {  	s19 =	simm.s32 $0x13000  }
0x20e: {  	[tilespmem:s19], [sflag:$0x3] =	stream.indirect_vreg.gather [hbm4b:s1+s3], $0x80, v3, vm0, $0xb8;
	[tilespmem:$0x18800] =	vst v63  }
0x20f: {  	v3 =	vld [tilespmem:$0x2B0];
	_ =	sdelay $0x4  }
0x210: {  	v35 =	vshll.u32 v3, $0x1  }
0x211: {  	v3 =	vand.u32 $0x7, v3;
	v4 =	vand.u32 $0xFFFFFFF0, v35  }
0x212: {  	v3 =	vor.u32 v3, v4  }
0x213: {  	v4 =	vperm.xlane v3, v0;
	_ =	sdelay $0x1  }
0x214: {  	v3 =	vperm.xlane v3, v2;
	v4 =	vadd.s32 v1, v4;
	_ =	sdelay $0x1  }
0x215: {  	v3 =	vadd.s32 v1, v3;
	_ =	sdelay $0x1  }
0x216: {  	s14 =	simm.s32 $0x13800  }
0x217: {  	[tilespmem:s14], [sflag:$0x3] =	stream.indirect_vreg.gather [hbm4b:s1+s3], $0x80, v4, vm0, $0xb8;
	[tilespmem:$0x18800] =	vst v63  }
0x218: {  	s16 =	simm.s32 $0x14000  }
0x219: {  	[tilespmem:s16], [sflag:$0x3] =	stream.indirect_vreg.gather [hbm4b:s1+s3], $0x80, v3, vm0, $0xb8;
	[tilespmem:$0x18800] =	vst v63  }
0x21a: {  	v3 =	vld [tilespmem:$0x2C0];
	_ =	sdelay $0x4  }
0x21b: {  	v36 =	vshll.u32 v3, $0x1  }
0x21c: {  	v3 =	vand.u32 $0x7, v3;
	v4 =	vand.u32 $0xFFFFFFF0, v36  }
0x21d: {  	v3 =	vor.u32 v3, v4  }
0x21e: {  	v4 =	vperm.xlane v3, v0;
	_ =	sdelay $0x1  }
0x21f: {  	v3 =	vperm.xlane v3, v2;
	v4 =	vadd.s32 v1, v4;
	_ =	sdelay $0x1  }
0x220: {  	v3 =	vadd.s32 v1, v3;
	_ =	sdelay $0x1  }
0x221: {  	s15 =	simm.s32 $0x14800  }
0x222: {  	[tilespmem:s15], [sflag:$0x3] =	stream.indirect_vreg.gather [hbm4b:s1+s3], $0x80, v4, vm0, $0xb8;
	[tilespmem:$0x18800] =	vst v63  }
0x223: {  	s17 =	simm.s32 $0x15000  }
0x224: {  	[tilespmem:s17], [sflag:$0x3] =	stream.indirect_vreg.gather [hbm4b:s1+s3], $0x80, v3, vm0, $0xb8;
	[tilespmem:$0x18800] =	vst v63  }
0x225: {  	v3 =	vld [tilespmem:$0x2D0];
	_ =	sdelay $0x4  }
0x226: {  	v37 =	vshll.u32 v3, $0x1  }
0x227: {  	v3 =	vand.u32 $0x7, v3;
	v4 =	vand.u32 $0xFFFFFFF0, v37  }
0x228: {  	v3 =	vor.u32 v3, v4  }
0x229: {  	v4 =	vperm.xlane v3, v0;
	_ =	sdelay $0x1  }
0x22a: {  	v3 =	vperm.xlane v3, v2;
	v4 =	vadd.s32 v1, v4;
	_ =	sdelay $0x1  }
0x22b: {  	v3 =	vadd.s32 v1, v3;
	_ =	sdelay $0x1  }
0x22c: {  	s16 =	simm.s32 $0x15800  }
0x22d: {  	[tilespmem:s16], [sflag:$0x3] =	stream.indirect_vreg.gather [hbm4b:s1+s3], $0x80, v4, vm0, $0xb8;
	[tilespmem:$0x18800] =	vst v63  }
0x22e: {  	s18 =	simm.s32 $0x16000  }
0x22f: {  	[tilespmem:s18], [sflag:$0x3] =	stream.indirect_vreg.gather [hbm4b:s1+s3], $0x80, v3, vm0, $0xb8;
	[tilespmem:$0x18800] =	vst v63  }
0x230: {  	v3 =	vld [tilespmem:$0x2E0];
	_ =	sdelay $0x4  }
0x231: {  	v38 =	vshll.u32 v3, $0x1  }
0x232: {  	v3 =	vand.u32 $0x7, v3;
	v4 =	vand.u32 $0xFFFFFFF0, v38  }
0x233: {  	v3 =	vor.u32 v3, v4  }
0x234: {  	v4 =	vperm.xlane v3, v0;
	_ =	sdelay $0x1  }
0x235: {  	v3 =	vperm.xlane v3, v2;
	v4 =	vadd.s32 v1, v4;
	_ =	sdelay $0x1  }
0x236: {  	v3 =	vadd.s32 v1, v3;
	_ =	sdelay $0x1  }
0x237: {  	s17 =	simm.s32 $0x16800  }
0x238: {  	[tilespmem:s17], [sflag:$0x3] =	stream.indirect_vreg.gather [hbm4b:s1+s3], $0x80, v4, vm0, $0xb8;
	[tilespmem:$0x18800] =	vst v63  }
0x239: {  	s19 =	simm.s32 $0x17000  }
0x23a: {  	[tilespmem:s19], [sflag:$0x3] =	stream.indirect_vreg.gather [hbm4b:s1+s3], $0x80, v3, vm0, $0xb8;
	[tilespmem:$0x18800] =	vst v63  }
0x23b: {  	v3 =	vld [tilespmem:$0x2F0];
	_ =	sdelay $0x4  }
0x23c: {  	v39 =	vshll.u32 v3, $0x1  }
0x23d: {  	v3 =	vand.u32 $0x7, v3;
	v4 =	vand.u32 $0xFFFFFFF0, v39  }
0x23e: {  	v3 =	vor.u32 v3, v4  }
0x23f: {  	v4 =	vperm.xlane v3, v0;
	_ =	sdelay $0x1  }
0x240: {  	v3 =	vperm.xlane v3, v2;
	v4 =	vadd.s32 v1, v4;
	_ =	sdelay $0x1  }
0x241: {  	v3 =	vadd.s32 v1, v3;
	_ =	sdelay $0x1  }
0x242: {  	s18 =	simm.s32 $0x17800  }
0x243: {  	[tilespmem:s18], [sflag:$0x3] =	stream.indirect_vreg.gather [hbm4b:s1+s3], $0x80, v4, vm0, $0xb8;
	[tilespmem:$0x18800] =	vst v63  }
0x244: {  	s4 =	simm.s32 $0x18000  }
0x245: {  	[tilespmem:s4], [sflag:$0x3] =	stream.indirect_vreg.gather [hbm4b:s1+s3], $0x80, v3, vm0, $0xb8;
	[tilespmem:$0x18800] =	vst v63  }
0x246: {  	_ =	swait.ge [sflag:s26], $0x8000  }
0x247: {  	[sflag:s26] =	ssyncset.done $0x0  }
0x248: {  	s4 =	simm.s32 $0x8800;
	s2 =	rddreg [dreg:$0x9];
	[sflag:s26] =	ssyncadd.s32 $0xFFFF8000  }
0x249: {  	[hbm4b:s2+s3] =	stream.linear.scatter [tilespmem:s4], [sflag:$0x5], $0x8000, $0x38;
	[tilespmem:$0x18800] =	vst v63  }
0x24a: {  	_ =	swait.ge [sflag:s25], $0x8000  }
0x24b: {  	[sflag:s25] =	ssyncset.done $0x0  }
0x24c: {  	[sflag:s25] =	ssyncadd.s32 $0xFFFF8000  }
0x24d: {  	v3 =	vld [tilespmem:$0x300];
	_ =	sdelay $0x4  }
0x24e: {  	v40 =	vshll.u32 v3, $0x1  }
0x24f: {  	v3 =	vand.u32 $0x7, v3;
	v4 =	vand.u32 $0xFFFFFFF0, v40  }
0x250: {  	v3 =	vor.u32 v3, v4  }
0x251: {  	v4 =	vperm.xlane v3, v0;
	_ =	sdelay $0x1  }
0x252: {  	v3 =	vperm.xlane v3, v2;
	v4 =	vadd.s32 v1, v4;
	_ =	sdelay $0x1  }
0x253: {  	v3 =	vadd.s32 v1, v3;
	_ =	sdelay $0x1  }
0x254: {  	s0 =	simm.s32 $0x800  }
0x255: {  	[tilespmem:s0], [sflag:$0x1] =	stream.indirect_vreg.gather [hbm4b:s1+s3], $0x80, v4, vm0, $0xb8;
	[tilespmem:$0x18800] =	vst v63  }
0x256: {  	s2 =	simm.s32 $0x1000  }
0x257: {  	[tilespmem:s2], [sflag:$0x1] =	stream.indirect_vreg.gather [hbm4b:s1+s3], $0x80, v3, vm0, $0xb8;
	[tilespmem:$0x18800] =	vst v63  }
0x258: {  	v3 =	vld [tilespmem:$0x310];
	_ =	sdelay $0x4  }
0x259: {  	v41 =	vshll.u32 v3, $0x1  }
0x25a: {  	v3 =	vand.u32 $0x7, v3;
	v4 =	vand.u32 $0xFFFFFFF0, v41  }
0x25b: {  	v3 =	vor.u32 v3, v4  }
0x25c: {  	v4 =	vperm.xlane v3, v0;
	_ =	sdelay $0x1  }
0x25d: {  	v3 =	vperm.xlane v3, v2;
	v4 =	vadd.s32 v1, v4;
	_ =	sdelay $0x1  }
0x25e: {  	v3 =	vadd.s32 v1, v3;
	_ =	sdelay $0x1  }
0x25f: {  	s2 =	simm.s32 $0x1800  }
0x260: {  	[tilespmem:s2], [sflag:$0x1] =	stream.indirect_vreg.gather [hbm4b:s1+s3], $0x80, v4, vm0, $0xb8;
	[tilespmem:$0x18800] =	vst v63  }
0x261: {  	s2 =	simm.s32 $0x2000  }
0x262: {  	[tilespmem:s2], [sflag:$0x1] =	stream.indirect_vreg.gather [hbm4b:s1+s3], $0x80, v3, vm0, $0xb8;
	[tilespmem:$0x18800] =	vst v63  }
0x263: {  	v3 =	vld [tilespmem:$0x320];
	_ =	sdelay $0x4  }
0x264: {  	v42 =	vshll.u32 v3, $0x1  }
0x265: {  	v3 =	vand.u32 $0x7, v3;
	v4 =	vand.u32 $0xFFFFFFF0, v42  }
0x266: {  	v3 =	vor.u32 v3, v4  }
0x267: {  	v4 =	vperm.xlane v3, v0;
	_ =	sdelay $0x1  }
0x268: {  	v3 =	vperm.xlane v3, v2;
	v4 =	vadd.s32 v1, v4;
	_ =	sdelay $0x1  }
0x269: {  	v3 =	vadd.s32 v1, v3;
	_ =	sdelay $0x2  }
0x26a: {  	[tilespmem:s22], [sflag:$0x1] =	stream.indirect_vreg.gather [hbm4b:s1+s3], $0x80, v4, vm0, $0xb8;
	[tilespmem:$0x18800] =	vst v63  }
0x26b: {  	s22 =	simm.s32 $0x3000  }
0x26c: {  	[tilespmem:s22], [sflag:$0x1] =	stream.indirect_vreg.gather [hbm4b:s1+s3], $0x80, v3, vm0, $0xb8;
	[tilespmem:$0x18800] =	vst v63  }
0x26d: {  	v3 =	vld [tilespmem:$0x330];
	_ =	sdelay $0x4  }
0x26e: {  	v43 =	vshll.u32 v3, $0x1  }
0x26f: {  	v3 =	vand.u32 $0x7, v3;
	v4 =	vand.u32 $0xFFFFFFF0, v43  }
0x270: {  	v3 =	vor.u32 v3, v4  }
0x271: {  	v4 =	vperm.xlane v3, v0;
	_ =	sdelay $0x1  }
0x272: {  	v3 =	vperm.xlane v3, v2;
	v4 =	vadd.s32 v1, v4;
	_ =	sdelay $0x1  }
0x273: {  	v3 =	vadd.s32 v1, v3;
	_ =	sdelay $0x2  }
0x274: {  	[tilespmem:s20], [sflag:$0x1] =	stream.indirect_vreg.gather [hbm4b:s1+s3], $0x80, v4, vm0, $0xb8;
	[tilespmem:$0x18800] =	vst v63  }
0x275: {  	s20 =	simm.s32 $0x4000  }
0x276: {  	[tilespmem:s20], [sflag:$0x1] =	stream.indirect_vreg.gather [hbm4b:s1+s3], $0x80, v3, vm0, $0xb8;
	[tilespmem:$0x18800] =	vst v63  }
0x277: {  	v3 =	vld [tilespmem:$0x340];
	_ =	sdelay $0x4  }
0x278: {  	v44 =	vshll.u32 v3, $0x1  }
0x279: {  	v3 =	vand.u32 $0x7, v3;
	v4 =	vand.u32 $0xFFFFFFF0, v44  }
0x27a: {  	v3 =	vor.u32 v3, v4  }
0x27b: {  	v4 =	vperm.xlane v3, v0;
	_ =	sdelay $0x1  }
0x27c: {  	v3 =	vperm.xlane v3, v2;
	v4 =	vadd.s32 v1, v4;
	_ =	sdelay $0x1  }
0x27d: {  	v3 =	vadd.s32 v1, v3;
	_ =	sdelay $0x2  }
0x27e: {  	[tilespmem:s21], [sflag:$0x1] =	stream.indirect_vreg.gather [hbm4b:s1+s3], $0x80, v4, vm0, $0xb8;
	[tilespmem:$0x18800] =	vst v63  }
0x27f: {  	_ = 	snop  }
0x280: {  	[tilespmem:s9], [sflag:$0x1] =	stream.indirect_vreg.gather [hbm4b:s1+s3], $0x80, v3, vm0, $0xb8;
	[tilespmem:$0x18800] =	vst v63  }
0x281: {  	v3 =	vld [tilespmem:$0x350];
	_ =	sdelay $0x4  }
0x282: {  	v45 =	vshll.u32 v3, $0x1  }
0x283: {  	v3 =	vand.u32 $0x7, v3;
	v4 =	vand.u32 $0xFFFFFFF0, v45  }
0x284: {  	v3 =	vor.u32 v3, v4  }
0x285: {  	v4 =	vperm.xlane v3, v0;
	_ =	sdelay $0x1  }
0x286: {  	v3 =	vperm.xlane v3, v2;
	v4 =	vadd.s32 v1, v4;
	_ =	sdelay $0x1  }
0x287: {  	v3 =	vadd.s32 v1, v3;
	_ =	sdelay $0x1  }
0x288: {  	s22 =	simm.s32 $0x5800  }
0x289: {  	[tilespmem:s22], [sflag:$0x1] =	stream.indirect_vreg.gather [hbm4b:s1+s3], $0x80, v4, vm0, $0xb8;
	[tilespmem:$0x18800] =	vst v63  }
0x28a: {  	_ = 	snop  }
0x28b: {  	[tilespmem:s10], [sflag:$0x1] =	stream.indirect_vreg.gather [hbm4b:s1+s3], $0x80, v3, vm0, $0xb8;
	[tilespmem:$0x18800] =	vst v63  }
0x28c: {  	v3 =	vld [tilespmem:$0x360];
	_ =	sdelay $0x4  }
0x28d: {  	v46 =	vshll.u32 v3, $0x1  }
0x28e: {  	v3 =	vand.u32 $0x7, v3;
	v4 =	vand.u32 $0xFFFFFFF0, v46  }
0x28f: {  	v3 =	vor.u32 v3, v4  }
0x290: {  	v4 =	vperm.xlane v3, v0;
	_ =	sdelay $0x1  }
0x291: {  	v3 =	vperm.xlane v3, v2;
	v4 =	vadd.s32 v1, v4;
	_ =	sdelay $0x1  }
0x292: {  	v3 =	vadd.s32 v1, v3;
	_ =	sdelay $0x2  }
0x293: {  	[tilespmem:s7], [sflag:$0x1] =	stream.indirect_vreg.gather [hbm4b:s1+s3], $0x80, v4, vm0, $0xb8;
	[tilespmem:$0x18800] =	vst v63  }
0x294: {  	_ = 	snop  }
0x295: {  	[tilespmem:s11], [sflag:$0x1] =	stream.indirect_vreg.gather [hbm4b:s1+s3], $0x80, v3, vm0, $0xb8;
	[tilespmem:$0x18800] =	vst v63  }
0x296: {  	v3 =	vld [tilespmem:$0x370];
	_ =	sdelay $0x4  }
0x297: {  	v47 =	vshll.u32 v3, $0x1  }
0x298: {  	v3 =	vand.u32 $0x7, v3;
	v4 =	vand.u32 $0xFFFFFFF0, v47  }
0x299: {  	v3 =	vor.u32 v3, v4  }
0x29a: {  	v4 =	vperm.xlane v3, v0;
	_ =	sdelay $0x1  }
0x29b: {  	v3 =	vperm.xlane v3, v2;
	v4 =	vadd.s32 v1, v4;
	_ =	sdelay $0x1  }
0x29c: {  	v3 =	vadd.s32 v1, v3;
	_ =	sdelay $0x2  }
0x29d: {  	[tilespmem:s8], [sflag:$0x1] =	stream.indirect_vreg.gather [hbm4b:s1+s3], $0x80, v4, vm0, $0xb8;
	[tilespmem:$0x18800] =	vst v63  }
0x29e: {  	s8 =	simm.s32 $0x8000  }
0x29f: {  	[tilespmem:s8], [sflag:$0x1] =	stream.indirect_vreg.gather [hbm4b:s1+s3], $0x80, v3, vm0, $0xb8;
	[tilespmem:$0x18800] =	vst v63  }
0x2a0: {  	_ =	swait.ge [sflag:s30], $0x8000  }
0x2a1: {  	[sflag:s30] =	ssyncset.done $0x0  }
0x2a2: {  	s5 =	simm.s32 $0x10800;
	s9 =	rddreg [dreg:$0xa];
	[sflag:s30] =	ssyncadd.s32 $0xFFFF8000  }
0x2a3: {  	[hbm4b:s9+s3] =	stream.linear.scatter [tilespmem:s5], [sflag:$0x6], $0x8000, $0x38;
	[tilespmem:$0x18800] =	vst v63  }
0x2a4: {  	_ =	swait.ge [sflag:s31], $0x8000  }
0x2a5: {  	[sflag:s31] =	ssyncset.done $0x0  }
0x2a6: {  	[sflag:s31] =	ssyncadd.s32 $0xFFFF8000  }
0x2a7: {  	v3 =	vld [tilespmem:$0x380];
	_ =	sdelay $0x4  }
0x2a8: {  	v48 =	vshll.u32 v3, $0x1  }
0x2a9: {  	v3 =	vand.u32 $0x7, v3;
	v4 =	vand.u32 $0xFFFFFFF0, v48  }
0x2aa: {  	v3 =	vor.u32 v3, v4  }
0x2ab: {  	v4 =	vperm.xlane v3, v0;
	_ =	sdelay $0x1  }
0x2ac: {  	v3 =	vperm.xlane v3, v2;
	v4 =	vadd.s32 v1, v4;
	_ =	sdelay $0x1  }
0x2ad: {  	v3 =	vadd.s32 v1, v3;
	_ =	sdelay $0x2  }
0x2ae: {  	[tilespmem:s4], [sflag:$0x2] =	stream.indirect_vreg.gather [hbm4b:s1+s3], $0x80, v4, vm0, $0xb8;
	[tilespmem:$0x18800] =	vst v63  }
0x2af: {  	s22 =	simm.s32 $0x9000  }
0x2b0: {  	[tilespmem:s22], [sflag:$0x2] =	stream.indirect_vreg.gather [hbm4b:s1+s3], $0x80, v3, vm0, $0xb8;
	[tilespmem:$0x18800] =	vst v63  }
0x2b1: {  	v3 =	vld [tilespmem:$0x390];
	_ =	sdelay $0x4  }
0x2b2: {  	v49 =	vshll.u32 v3, $0x1  }
0x2b3: {  	v3 =	vand.u32 $0x7, v3;
	v4 =	vand.u32 $0xFFFFFFF0, v49  }
0x2b4: {  	v3 =	vor.u32 v3, v4  }
0x2b5: {  	v4 =	vperm.xlane v3, v0;
	_ =	sdelay $0x1  }
0x2b6: {  	v3 =	vperm.xlane v3, v2;
	v4 =	vadd.s32 v1, v4;
	_ =	sdelay $0x1  }
0x2b7: {  	v3 =	vadd.s32 v1, v3;
	_ =	sdelay $0x1  }
0x2b8: {  	s21 =	simm.s32 $0x9800  }
0x2b9: {  	[tilespmem:s21], [sflag:$0x2] =	stream.indirect_vreg.gather [hbm4b:s1+s3], $0x80, v4, vm0, $0xb8;
	[tilespmem:$0x18800] =	vst v63  }
0x2ba: {  	_ = 	snop  }
0x2bb: {  	[tilespmem:s6], [sflag:$0x2] =	stream.indirect_vreg.gather [hbm4b:s1+s3], $0x80, v3, vm0, $0xb8;
	[tilespmem:$0x18800] =	vst v63  }
0x2bc: {  	v3 =	vld [tilespmem:$0x3A0];
	_ =	sdelay $0x4  }
0x2bd: {  	v50 =	vshll.u32 v3, $0x1  }
0x2be: {  	v3 =	vand.u32 $0x7, v3;
	v4 =	vand.u32 $0xFFFFFFF0, v50  }
0x2bf: {  	v3 =	vor.u32 v3, v4  }
0x2c0: {  	v4 =	vperm.xlane v3, v0;
	_ =	sdelay $0x1  }
0x2c1: {  	v3 =	vperm.xlane v3, v2;
	v4 =	vadd.s32 v1, v4;
	_ =	sdelay $0x1  }
0x2c2: {  	v3 =	vadd.s32 v1, v3;
	_ =	sdelay $0x2  }
0x2c3: {  	[tilespmem:s23], [sflag:$0x2] =	stream.indirect_vreg.gather [hbm4b:s1+s3], $0x80, v4, vm0, $0xb8;
	[tilespmem:$0x18800] =	vst v63  }
0x2c4: {  	s10 =	simm.s32 $0xB000  }
0x2c5: {  	[tilespmem:s10], [sflag:$0x2] =	stream.indirect_vreg.gather [hbm4b:s1+s3], $0x80, v3, vm0, $0xb8;
	[tilespmem:$0x18800] =	vst v63  }
0x2c6: {  	v3 =	vld [tilespmem:$0x3B0];
	_ =	sdelay $0x4  }
0x2c7: {  	v51 =	vshll.u32 v3, $0x1  }
0x2c8: {  	v3 =	vand.u32 $0x7, v3;
	v4 =	vand.u32 $0xFFFFFFF0, v51  }
0x2c9: {  	v3 =	vor.u32 v3, v4  }
0x2ca: {  	v4 =	vperm.xlane v3, v0;
	_ =	sdelay $0x1  }
0x2cb: {  	v3 =	vperm.xlane v3, v2;
	v4 =	vadd.s32 v1, v4;
	_ =	sdelay $0x1  }
0x2cc: {  	v3 =	vadd.s32 v1, v3;
	_ =	sdelay $0x1  }
0x2cd: {  	s23 =	simm.s32 $0xB800  }
0x2ce: {  	[tilespmem:s23], [sflag:$0x2] =	stream.indirect_vreg.gather [hbm4b:s1+s3], $0x80, v4, vm0, $0xb8;
	[tilespmem:$0x18800] =	vst v63  }
0x2cf: {  	s11 =	simm.s32 $0xC000  }
0x2d0: {  	[tilespmem:s11], [sflag:$0x2] =	stream.indirect_vreg.gather [hbm4b:s1+s3], $0x80, v3, vm0, $0xb8;
	[tilespmem:$0x18800] =	vst v63  }
0x2d1: {  	v3 =	vld [tilespmem:$0x3C0];
	_ =	sdelay $0x4  }
0x2d2: {  	v52 =	vshll.u32 v3, $0x1  }
0x2d3: {  	v3 =	vand.u32 $0x7, v3;
	v4 =	vand.u32 $0xFFFFFFF0, v52  }
0x2d4: {  	v3 =	vor.u32 v3, v4  }
0x2d5: {  	v4 =	vperm.xlane v3, v0;
	_ =	sdelay $0x1  }
0x2d6: {  	v3 =	vperm.xlane v3, v2;
	v4 =	vadd.s32 v1, v4;
	_ =	sdelay $0x1  }
0x2d7: {  	v3 =	vadd.s32 v1, v3;
	_ =	sdelay $0x1  }
0x2d8: {  	s20 =	simm.s32 $0xC800  }
0x2d9: {  	[tilespmem:s20], [sflag:$0x2] =	stream.indirect_vreg.gather [hbm4b:s1+s3], $0x80, v4, vm0, $0xb8;
	[tilespmem:$0x18800] =	vst v63  }
0x2da: {  	s6 =	simm.s32 $0xD000  }
0x2db: {  	[tilespmem:s6], [sflag:$0x2] =	stream.indirect_vreg.gather [hbm4b:s1+s3], $0x80, v3, vm0, $0xb8;
	[tilespmem:$0x18800] =	vst v63  }
0x2dc: {  	v3 =	vld [tilespmem:$0x3D0];
	_ =	sdelay $0x4  }
0x2dd: {  	v53 =	vshll.u32 v3, $0x1  }
0x2de: {  	v3 =	vand.u32 $0x7, v3;
	v4 =	vand.u32 $0xFFFFFFF0, v53  }
0x2df: {  	v3 =	vor.u32 v3, v4  }
0x2e0: {  	v4 =	vperm.xlane v3, v0;
	_ =	sdelay $0x1  }
0x2e1: {  	v3 =	vperm.xlane v3, v2;
	v4 =	vadd.s32 v1, v4;
	_ =	sdelay $0x1  }
0x2e2: {  	v3 =	vadd.s32 v1, v3;
	_ =	sdelay $0x1  }
0x2e3: {  	s20 =	simm.s32 $0xD800  }
0x2e4: {  	[tilespmem:s20], [sflag:$0x2] =	stream.indirect_vreg.gather [hbm4b:s1+s3], $0x80, v4, vm0, $0xb8;
	[tilespmem:$0x18800] =	vst v63  }
0x2e5: {  	s7 =	simm.s32 $0xE000  }
0x2e6: {  	[tilespmem:s7], [sflag:$0x2] =	stream.indirect_vreg.gather [hbm4b:s1+s3], $0x80, v3, vm0, $0xb8;
	[tilespmem:$0x18800] =	vst v63  }
0x2e7: {  	v3 =	vld [tilespmem:$0x3E0];
	_ =	sdelay $0x4  }
0x2e8: {  	v54 =	vshll.u32 v3, $0x1  }
0x2e9: {  	v3 =	vand.u32 $0x7, v3;
	v4 =	vand.u32 $0xFFFFFFF0, v54  }
0x2ea: {  	v3 =	vor.u32 v3, v4  }
0x2eb: {  	v4 =	vperm.xlane v3, v0;
	_ =	sdelay $0x1  }
0x2ec: {  	v3 =	vperm.xlane v3, v2;
	v4 =	vadd.s32 v1, v4;
	_ =	sdelay $0x1  }
0x2ed: {  	v3 =	vadd.s32 v1, v3;
	_ =	sdelay $0x1  }
0x2ee: {  	s8 =	simm.s32 $0xE800  }
0x2ef: {  	[tilespmem:s8], [sflag:$0x2] =	stream.indirect_vreg.gather [hbm4b:s1+s3], $0x80, v4, vm0, $0xb8;
	[tilespmem:$0x18800] =	vst v63  }
0x2f0: {  	s9 =	simm.s32 $0xF000  }
0x2f1: {  	[tilespmem:s9], [sflag:$0x2] =	stream.indirect_vreg.gather [hbm4b:s1+s3], $0x80, v3, vm0, $0xb8;
	[tilespmem:$0x18800] =	vst v63  }
0x2f2: {  	v3 =	vld [tilespmem:$0x3F0];
	_ =	sdelay $0x4  }
0x2f3: {  	v55 =	vshll.u32 v3, $0x1  }
0x2f4: {  	v3 =	vand.u32 $0x7, v3;
	v4 =	vand.u32 $0xFFFFFFF0, v55  }
0x2f5: {  	v3 =	vor.u32 v3, v4  }
0x2f6: {  	v4 =	vperm.xlane v3, v0;
	_ =	sdelay $0x1  }
0x2f7: {  	v3 =	vperm.xlane v3, v2;
	v4 =	vadd.s32 v1, v4;
	_ =	sdelay $0x1  }
0x2f8: {  	v3 =	vadd.s32 v1, v3;
	_ =	sdelay $0x2  }
0x2f9: {  	[tilespmem:s24], [sflag:$0x2] =	stream.indirect_vreg.gather [hbm4b:s1+s3], $0x80, v4, vm0, $0xb8;
	[tilespmem:$0x18800] =	vst v63  }
0x2fa: {  	s10 =	simm.s32 $0x10000  }
0x2fb: {  	[tilespmem:s10], [sflag:$0x2] =	stream.indirect_vreg.gather [hbm4b:s1+s3], $0x80, v3, vm0, $0xb8;
	[tilespmem:$0x18800] =	vst v63  }
0x2fc: {  	_ =	swait.ge [sflag:s28], $0x8000  }
0x2fd: {  	[sflag:s28] =	ssyncset.done $0x0  }
0x2fe: {  	s0 =	simm.s32 $0x800;
	s11 =	rddreg [dreg:$0xb];
	[sflag:s28] =	ssyncadd.s32 $0xFFFF8000  }
0x2ff: {  	[hbm4b:s11+s3] =	stream.linear.scatter [tilespmem:s0], [sflag:$0x4], $0x8000, $0x38;
	[tilespmem:$0x18800] =	vst v63  }
0x300: {  	_ =	swait.ge [sflag:s29], $0x8000  }
0x301: {  	[sflag:s29] =	ssyncset.done $0x0  }
0x302: {  	[sflag:s29] =	ssyncadd.s32 $0xFFFF8000  }
0x303: {  	v3 =	vld [tilespmem:$0x400];
	_ =	sdelay $0x4  }
0x304: {  	v56 =	vshll.u32 v3, $0x1  }
0x305: {  	v3 =	vand.u32 $0x7, v3;
	v4 =	vand.u32 $0xFFFFFFF0, v56  }
0x306: {  	v3 =	vor.u32 v3, v4  }
0x307: {  	v4 =	vperm.xlane v3, v0;
	_ =	sdelay $0x1  }
0x308: {  	v3 =	vperm.xlane v3, v2;
	v4 =	vadd.s32 v1, v4;
	_ =	sdelay $0x1  }
0x309: {  	v3 =	vadd.s32 v1, v3;
	_ =	sdelay $0x1  }
0x30a: {  	s5 =	simm.s32 $0x10800  }
0x30b: {  	[tilespmem:s5], [sflag:$0x3] =	stream.indirect_vreg.gather [hbm4b:s1+s3], $0x80, v4, vm0, $0xb8;
	[tilespmem:$0x18800] =	vst v63  }
0x30c: {  	s11 =	simm.s32 $0x11000  }
0x30d: {  	[tilespmem:s11], [sflag:$0x3] =	stream.indirect_vreg.gather [hbm4b:s1+s3], $0x80, v3, vm0, $0xb8;
	[tilespmem:$0x18800] =	vst v63  }
0x30e: {  	v3 =	vld [tilespmem:$0x410];
	_ =	sdelay $0x4  }
0x30f: {  	v57 =	vshll.u32 v3, $0x1  }
0x310: {  	v3 =	vand.u32 $0x7, v3;
	v4 =	vand.u32 $0xFFFFFFF0, v57  }
0x311: {  	v3 =	vor.u32 v3, v4  }
0x312: {  	v4 =	vperm.xlane v3, v0;
	_ =	sdelay $0x1  }
0x313: {  	v3 =	vperm.xlane v3, v2;
	v4 =	vadd.s32 v1, v4;
	_ =	sdelay $0x1  }
0x314: {  	v3 =	vadd.s32 v1, v3;
	_ =	sdelay $0x2  }
0x315: {  	[tilespmem:s12], [sflag:$0x3] =	stream.indirect_vreg.gather [hbm4b:s1+s3], $0x80, v4, vm0, $0xb8;
	[tilespmem:$0x18800] =	vst v63  }
0x316: {  	s10 =	simm.s32 $0x12000  }
0x317: {  	[tilespmem:s10], [sflag:$0x3] =	stream.indirect_vreg.gather [hbm4b:s1+s3], $0x80, v3, vm0, $0xb8;
	[tilespmem:$0x18800] =	vst v63  }
0x318: {  	v3 =	vld [tilespmem:$0x420];
	_ =	sdelay $0x4  }
0x319: {  	v58 =	vshll.u32 v3, $0x1  }
0x31a: {  	v3 =	vand.u32 $0x7, v3;
	v4 =	vand.u32 $0xFFFFFFF0, v58  }
0x31b: {  	v3 =	vor.u32 v3, v4  }
0x31c: {  	v4 =	vperm.xlane v3, v0;
	_ =	sdelay $0x1  }
0x31d: {  	v3 =	vperm.xlane v3, v2;
	v4 =	vadd.s32 v1, v4;
	_ =	sdelay $0x1  }
0x31e: {  	v3 =	vadd.s32 v1, v3;
	_ =	sdelay $0x2  }
0x31f: {  	[tilespmem:s13], [sflag:$0x3] =	stream.indirect_vreg.gather [hbm4b:s1+s3], $0x80, v4, vm0, $0xb8;
	[tilespmem:$0x18800] =	vst v63  }
0x320: {  	s5 =	simm.s32 $0x13000  }
0x321: {  	[tilespmem:s5], [sflag:$0x3] =	stream.indirect_vreg.gather [hbm4b:s1+s3], $0x80, v3, vm0, $0xb8;
	[tilespmem:$0x18800] =	vst v63  }
0x322: {  	v3 =	vld [tilespmem:$0x430];
	_ =	sdelay $0x4  }
0x323: {  	v59 =	vshll.u32 v3, $0x1  }
0x324: {  	v3 =	vand.u32 $0x7, v3;
	v4 =	vand.u32 $0xFFFFFFF0, v59  }
0x325: {  	v3 =	vor.u32 v3, v4  }
0x326: {  	v4 =	vperm.xlane v3, v0;
	_ =	sdelay $0x1  }
0x327: {  	v3 =	vperm.xlane v3, v2;
	v4 =	vadd.s32 v1, v4;
	_ =	sdelay $0x1  }
0x328: {  	v3 =	vadd.s32 v1, v3;
	_ =	sdelay $0x2  }
0x329: {  	[tilespmem:s14], [sflag:$0x3] =	stream.indirect_vreg.gather [hbm4b:s1+s3], $0x80, v4, vm0, $0xb8;
	[tilespmem:$0x18800] =	vst v63  }
0x32a: {  	s6 =	simm.s32 $0x14000  }
0x32b: {  	[tilespmem:s6], [sflag:$0x3] =	stream.indirect_vreg.gather [hbm4b:s1+s3], $0x80, v3, vm0, $0xb8;
	[tilespmem:$0x18800] =	vst v63  }
0x32c: {  	v3 =	vld [tilespmem:$0x440];
	_ =	sdelay $0x4  }
0x32d: {  	v60 =	vshll.u32 v3, $0x1  }
0x32e: {  	v3 =	vand.u32 $0x7, v3;
	v4 =	vand.u32 $0xFFFFFFF0, v60  }
0x32f: {  	v3 =	vor.u32 v3, v4  }
0x330: {  	v4 =	vperm.xlane v3, v0;
	_ =	sdelay $0x1  }
0x331: {  	v3 =	vperm.xlane v3, v2;
	v4 =	vadd.s32 v1, v4;
	_ =	sdelay $0x1  }
0x332: {  	v3 =	vadd.s32 v1, v3;
	_ =	sdelay $0x2  }
0x333: {  	[tilespmem:s15], [sflag:$0x3] =	stream.indirect_vreg.gather [hbm4b:s1+s3], $0x80, v4, vm0, $0xb8;
	[tilespmem:$0x18800] =	vst v63  }
0x334: {  	s7 =	simm.s32 $0x15000  }
0x335: {  	[tilespmem:s7], [sflag:$0x3] =	stream.indirect_vreg.gather [hbm4b:s1+s3], $0x80, v3, vm0, $0xb8;
	[tilespmem:$0x18800] =	vst v63  }
0x336: {  	v3 =	vld [tilespmem:$0x450];
	_ =	sdelay $0x4  }
0x337: {  	v61 =	vshll.u32 v3, $0x1  }
0x338: {  	v3 =	vand.u32 $0x7, v3;
	v4 =	vand.u32 $0xFFFFFFF0, v61  }
0x339: {  	v3 =	vor.u32 v3, v4  }
0x33a: {  	v4 =	vperm.xlane v3, v0;
	_ =	sdelay $0x1  }
0x33b: {  	v3 =	vperm.xlane v3, v2;
	v4 =	vadd.s32 v1, v4;
	_ =	sdelay $0x1  }
0x33c: {  	v3 =	vadd.s32 v1, v3;
	_ =	sdelay $0x2  }
0x33d: {  	[tilespmem:s16], [sflag:$0x3] =	stream.indirect_vreg.gather [hbm4b:s1+s3], $0x80, v4, vm0, $0xb8;
	[tilespmem:$0x18800] =	vst v63  }
0x33e: {  	s8 =	simm.s32 $0x16000  }
0x33f: {  	[tilespmem:s8], [sflag:$0x3] =	stream.indirect_vreg.gather [hbm4b:s1+s3], $0x80, v3, vm0, $0xb8;
	[tilespmem:$0x18800] =	vst v63  }
0x340: {  	v3 =	vld [tilespmem:$0x460];
	_ =	sdelay $0x4  }
0x341: {  	v62 =	vshll.u32 v3, $0x1  }
0x342: {  	v3 =	vand.u32 $0x7, v3;
	v4 =	vand.u32 $0xFFFFFFF0, v62  }
0x343: {  	v3 =	vor.u32 v3, v4  }
0x344: {  	v4 =	vperm.xlane v3, v0;
	_ =	sdelay $0x1  }
0x345: {  	v3 =	vperm.xlane v3, v2;
	v4 =	vadd.s32 v1, v4;
	_ =	sdelay $0x1  }
0x346: {  	v3 =	vadd.s32 v1, v3;
	_ =	sdelay $0x2  }
0x347: {  	[tilespmem:s17], [sflag:$0x3] =	stream.indirect_vreg.gather [hbm4b:s1+s3], $0x80, v4, vm0, $0xb8;
	[tilespmem:$0x18800] =	vst v63  }
0x348: {  	_ = 	snop  }
0x349: {  	[tilespmem:s19], [sflag:$0x3] =	stream.indirect_vreg.gather [hbm4b:s1+s3], $0x80, v3, vm0, $0xb8;
	[tilespmem:$0x18800] =	vst v63  }
0x34a: {  	v3 =	vld [tilespmem:$0x470];
	_ =	sdelay $0x4  }
0x34b: {  	v63 =	vshll.u32 v3, $0x1  }
0x34c: {  	v3 =	vand.u32 $0x7, v3;
	v4 =	vand.u32 $0xFFFFFFF0, v63  }
0x34d: {  	v3 =	vor.u32 v3, v4  }
0x34e: {  	v4 =	vperm.xlane v3, v0;
	_ =	sdelay $0x1  }
0x34f: {  	v3 =	vperm.xlane v3, v2;
	v4 =	vadd.s32 v1, v4;
	_ =	sdelay $0x1  }
0x350: {  	v3 =	vadd.s32 v1, v3;
	_ =	sdelay $0x2  }
0x351: {  	[tilespmem:s18], [sflag:$0x3] =	stream.indirect_vreg.gather [hbm4b:s1+s3], $0x80, v4, vm0, $0xb8;
	[tilespmem:$0x18800] =	vst v63  }
0x352: {  	s9 =	simm.s32 $0x18000  }
0x353: {  	[tilespmem:s9], [sflag:$0x3] =	stream.indirect_vreg.gather [hbm4b:s1+s3], $0x80, v3, vm0, $0xb8;
	[tilespmem:$0x18800] =	vst v63  }
0x354: {  	_ =	swait.ge [sflag:s26], $0x8000  }
0x355: {  	[sflag:s26] =	ssyncset.done $0x0  }
0x356: {  	s16 =	rddreg [dreg:$0xc];
	[sflag:s26] =	ssyncadd.s32 $0xFFFF8000  }
0x357: {  	[hbm4b:s16+s3] =	stream.linear.scatter [tilespmem:s4], [sflag:$0x5], $0x8000, $0x38;
	[tilespmem:$0x18800] =	vst v63  }
0x358: {  	_ =	swait.ge [sflag:s25], $0x8000  }
0x359: {  	[sflag:s25] =	ssyncset.done $0x0  }
0x35a: {  	[sflag:s25] =	ssyncadd.s32 $0xFFFF8000  }
0x35b: {  	v3 =	vld [tilespmem:$0x480];
	_ =	sdelay $0x4  }
0x35c: {  	v8 =	vshll.u32 v3, $0x1  }
0x35d: {  	v3 =	vand.u32 $0x7, v3;
	v4 =	vand.u32 $0xFFFFFFF0, v8  }
0x35e: {  	v3 =	vor.u32 v3, v4  }
0x35f: {  	v4 =	vperm.xlane v3, v0;
	_ =	sdelay $0x1  }
0x360: {  	v3 =	vperm.xlane v3, v2;
	v4 =	vadd.s32 v1, v4;
	_ =	sdelay $0x1  }
0x361: {  	v3 =	vadd.s32 v1, v3;
	_ =	sdelay $0x1  }
0x362: {  	s24 =	simm.s32 $0x800  }
0x363: {  	[tilespmem:s24], [sflag:$0x1] =	stream.indirect_vreg.gather [hbm4b:s1+s3], $0x80, v4, vm0, $0xb8;
	[tilespmem:$0x18800] =	vst v63  }
0x364: {  	s4 =	simm.s32 $0x1000  }
0x365: {  	[tilespmem:s4], [sflag:$0x1] =	stream.indirect_vreg.gather [hbm4b:s1+s3], $0x80, v3, vm0, $0xb8;
	[tilespmem:$0x18800] =	vst v63  }
0x366: {  	v3 =	vld [tilespmem:$0x490];
	_ =	sdelay $0x4  }
0x367: {  	v9 =	vshll.u32 v3, $0x1  }
0x368: {  	v3 =	vand.u32 $0x7, v3;
	v4 =	vand.u32 $0xFFFFFFF0, v9  }
0x369: {  	v3 =	vor.u32 v3, v4  }
0x36a: {  	v4 =	vperm.xlane v3, v0;
	_ =	sdelay $0x1  }
0x36b: {  	v3 =	vperm.xlane v3, v2;
	v4 =	vadd.s32 v1, v4;
	_ =	sdelay $0x1  }
0x36c: {  	v3 =	vadd.s32 v1, v3;
	_ =	sdelay $0x1  }
0x36d: {  	s12 =	simm.s32 $0x1800  }
0x36e: {  	[tilespmem:s12], [sflag:$0x1] =	stream.indirect_vreg.gather [hbm4b:s1+s3], $0x80, v4, vm0, $0xb8;
	[tilespmem:$0x18800] =	vst v63  }
0x36f: {  	s18 =	simm.s32 $0x2000  }
0x370: {  	[tilespmem:s18], [sflag:$0x1] =	stream.indirect_vreg.gather [hbm4b:s1+s3], $0x80, v3, vm0, $0xb8;
	[tilespmem:$0x18800] =	vst v63  }
0x371: {  	v3 =	vld [tilespmem:$0x4A0];
	_ =	sdelay $0x4  }
0x372: {  	v10 =	vshll.u32 v3, $0x1  }
0x373: {  	v3 =	vand.u32 $0x7, v3;
	v4 =	vand.u32 $0xFFFFFFF0, v10  }
0x374: {  	v3 =	vor.u32 v3, v4  }
0x375: {  	v4 =	vperm.xlane v3, v0;
	_ =	sdelay $0x1  }
0x376: {  	v3 =	vperm.xlane v3, v2;
	v4 =	vadd.s32 v1, v4;
	_ =	sdelay $0x1  }
0x377: {  	v3 =	vadd.s32 v1, v3;
	_ =	sdelay $0x1  }
0x378: {  	s17 =	simm.s32 $0x2800  }
0x379: {  	[tilespmem:s17], [sflag:$0x1] =	stream.indirect_vreg.gather [hbm4b:s1+s3], $0x80, v4, vm0, $0xb8;
	[tilespmem:$0x18800] =	vst v63  }
0x37a: {  	s13 =	simm.s32 $0x3000  }
0x37b: {  	[tilespmem:s13], [sflag:$0x1] =	stream.indirect_vreg.gather [hbm4b:s1+s3], $0x80, v3, vm0, $0xb8;
	[tilespmem:$0x18800] =	vst v63  }
0x37c: {  	v3 =	vld [tilespmem:$0x4B0];
	_ =	sdelay $0x4  }
0x37d: {  	v11 =	vshll.u32 v3, $0x1  }
0x37e: {  	v3 =	vand.u32 $0x7, v3;
	v4 =	vand.u32 $0xFFFFFFF0, v11  }
0x37f: {  	v3 =	vor.u32 v3, v4  }
0x380: {  	v4 =	vperm.xlane v3, v0;
	_ =	sdelay $0x1  }
0x381: {  	v3 =	vperm.xlane v3, v2;
	v4 =	vadd.s32 v1, v4;
	_ =	sdelay $0x1  }
0x382: {  	v3 =	vadd.s32 v1, v3;
	_ =	sdelay $0x1  }
0x383: {  	s14 =	simm.s32 $0x3800  }
0x384: {  	[tilespmem:s14], [sflag:$0x1] =	stream.indirect_vreg.gather [hbm4b:s1+s3], $0x80, v4, vm0, $0xb8;
	[tilespmem:$0x18800] =	vst v63  }
0x385: {  	s15 =	simm.s32 $0x4000  }
0x386: {  	[tilespmem:s15], [sflag:$0x1] =	stream.indirect_vreg.gather [hbm4b:s1+s3], $0x80, v3, vm0, $0xb8;
	[tilespmem:$0x18800] =	vst v63  }
0x387: {  	v3 =	vld [tilespmem:$0x4C0];
	_ =	sdelay $0x4  }
0x388: {  	v12 =	vshll.u32 v3, $0x1  }
0x389: {  	v3 =	vand.u32 $0x7, v3;
	v4 =	vand.u32 $0xFFFFFFF0, v12  }
0x38a: {  	v3 =	vor.u32 v3, v4  }
0x38b: {  	v4 =	vperm.xlane v3, v0;
	_ =	sdelay $0x1  }
0x38c: {  	v3 =	vperm.xlane v3, v2;
	v4 =	vadd.s32 v1, v4;
	_ =	sdelay $0x1  }
0x38d: {  	v3 =	vadd.s32 v1, v3;
	_ =	sdelay $0x1  }
0x38e: {  	s16 =	simm.s32 $0x4800  }
0x38f: {  	[tilespmem:s16], [sflag:$0x1] =	stream.indirect_vreg.gather [hbm4b:s1+s3], $0x80, v4, vm0, $0xb8;
	[tilespmem:$0x18800] =	vst v63  }
0x390: {  	s17 =	simm.s32 $0x5000  }
0x391: {  	[tilespmem:s17], [sflag:$0x1] =	stream.indirect_vreg.gather [hbm4b:s1+s3], $0x80, v3, vm0, $0xb8;
	[tilespmem:$0x18800] =	vst v63  }
0x392: {  	v3 =	vld [tilespmem:$0x4D0];
	_ =	sdelay $0x4  }
0x393: {  	v13 =	vshll.u32 v3, $0x1  }
0x394: {  	v3 =	vand.u32 $0x7, v3;
	v4 =	vand.u32 $0xFFFFFFF0, v13  }
0x395: {  	v3 =	vor.u32 v3, v4  }
0x396: {  	v4 =	vperm.xlane v3, v0;
	_ =	sdelay $0x1  }
0x397: {  	v3 =	vperm.xlane v3, v2;
	v4 =	vadd.s32 v1, v4;
	_ =	sdelay $0x1  }
0x398: {  	v3 =	vadd.s32 v1, v3;
	_ =	sdelay $0x1  }
0x399: {  	s13 =	simm.s32 $0x5800  }
0x39a: {  	[tilespmem:s13], [sflag:$0x1] =	stream.indirect_vreg.gather [hbm4b:s1+s3], $0x80, v4, vm0, $0xb8;
	[tilespmem:$0x18800] =	vst v63  }
0x39b: {  	s14 =	simm.s32 $0x6000  }
0x39c: {  	[tilespmem:s14], [sflag:$0x1] =	stream.indirect_vreg.gather [hbm4b:s1+s3], $0x80, v3, vm0, $0xb8;
	[tilespmem:$0x18800] =	vst v63  }
0x39d: {  	v3 =	vld [tilespmem:$0x4E0];
	_ =	sdelay $0x4  }
0x39e: {  	v14 =	vshll.u32 v3, $0x1  }
0x39f: {  	v3 =	vand.u32 $0x7, v3;
	v4 =	vand.u32 $0xFFFFFFF0, v14  }
0x3a0: {  	v3 =	vor.u32 v3, v4  }
0x3a1: {  	v4 =	vperm.xlane v3, v0;
	_ =	sdelay $0x1  }
0x3a2: {  	v3 =	vperm.xlane v3, v2;
	v4 =	vadd.s32 v1, v4;
	_ =	sdelay $0x1  }
0x3a3: {  	v3 =	vadd.s32 v1, v3;
	_ =	sdelay $0x1  }
0x3a4: {  	s15 =	simm.s32 $0x6800  }
0x3a5: {  	[tilespmem:s15], [sflag:$0x1] =	stream.indirect_vreg.gather [hbm4b:s1+s3], $0x80, v4, vm0, $0xb8;
	[tilespmem:$0x18800] =	vst v63  }
0x3a6: {  	s16 =	simm.s32 $0x7000  }
0x3a7: {  	[tilespmem:s16], [sflag:$0x1] =	stream.indirect_vreg.gather [hbm4b:s1+s3], $0x80, v3, vm0, $0xb8;
	[tilespmem:$0x18800] =	vst v63  }
0x3a8: {  	v3 =	vld [tilespmem:$0x4F0];
	_ =	sdelay $0x4  }
0x3a9: {  	v15 =	vshll.u32 v3, $0x1  }
0x3aa: {  	v3 =	vand.u32 $0x7, v3;
	v4 =	vand.u32 $0xFFFFFFF0, v15  }
0x3ab: {  	v3 =	vor.u32 v3, v4  }
0x3ac: {  	v4 =	vperm.xlane v3, v0;
	_ =	sdelay $0x1  }
0x3ad: {  	v3 =	vperm.xlane v3, v2;
	v4 =	vadd.s32 v1, v4;
	_ =	sdelay $0x1  }
0x3ae: {  	v3 =	vadd.s32 v1, v3;
	_ =	sdelay $0x1  }
0x3af: {  	s17 =	simm.s32 $0x7800  }
0x3b0: {  	[tilespmem:s17], [sflag:$0x1] =	stream.indirect_vreg.gather [hbm4b:s1+s3], $0x80, v4, vm0, $0xb8;
	[tilespmem:$0x18800] =	vst v63  }
0x3b1: {  	s13 =	simm.s32 $0x8000  }
0x3b2: {  	[tilespmem:s13], [sflag:$0x1] =	stream.indirect_vreg.gather [hbm4b:s1+s3], $0x80, v3, vm0, $0xb8;
	[tilespmem:$0x18800] =	vst v63  }
0x3b3: {  	_ =	swait.ge [sflag:s30], $0x8000  }
0x3b4: {  	[sflag:s30] =	ssyncset.done $0x0  }
0x3b5: {  	s0 =	simm.s32 $0x10800;
	s14 =	rddreg [dreg:$0xd];
	[sflag:s30] =	ssyncadd.s32 $0xFFFF8000  }
0x3b6: {  	[hbm4b:s14+s3] =	stream.linear.scatter [tilespmem:s0], [sflag:$0x6], $0x8000, $0x38;
	[tilespmem:$0x18800] =	vst v63  }
0x3b7: {  	_ =	swait.ge [sflag:s31], $0x8000  }
0x3b8: {  	[sflag:s31] =	ssyncset.done $0x0  }
0x3b9: {  	[sflag:s31] =	ssyncadd.s32 $0xFFFF8000  }
0x3ba: {  	v3 =	vld [tilespmem:$0x500];
	_ =	sdelay $0x4  }
0x3bb: {  	v16 =	vshll.u32 v3, $0x1  }
0x3bc: {  	v3 =	vand.u32 $0x7, v3;
	v4 =	vand.u32 $0xFFFFFFF0, v16  }
0x3bd: {  	v3 =	vor.u32 v3, v4  }
0x3be: {  	v4 =	vperm.xlane v3, v0;
	_ =	sdelay $0x1  }
0x3bf: {  	v3 =	vperm.xlane v3, v2;
	v4 =	vadd.s32 v1, v4;
	_ =	sdelay $0x1  }
0x3c0: {  	v3 =	vadd.s32 v1, v3;
	_ =	sdelay $0x1  }
0x3c1: {  	s19 =	simm.s32 $0x8800  }
0x3c2: {  	[tilespmem:s19], [sflag:$0x2] =	stream.indirect_vreg.gather [hbm4b:s1+s3], $0x80, v4, vm0, $0xb8;
	[tilespmem:$0x18800] =	vst v63  }
0x3c3: {  	_ = 	snop  }
0x3c4: {  	[tilespmem:s22], [sflag:$0x2] =	stream.indirect_vreg.gather [hbm4b:s1+s3], $0x80, v3, vm0, $0xb8;
	[tilespmem:$0x18800] =	vst v63  }
0x3c5: {  	v3 =	vld [tilespmem:$0x510];
	_ =	sdelay $0x4  }
0x3c6: {  	v17 =	vshll.u32 v3, $0x1  }
0x3c7: {  	v3 =	vand.u32 $0x7, v3;
	v4 =	vand.u32 $0xFFFFFFF0, v17  }
0x3c8: {  	v3 =	vor.u32 v3, v4  }
0x3c9: {  	v4 =	vperm.xlane v3, v0;
	_ =	sdelay $0x1  }
0x3ca: {  	v3 =	vperm.xlane v3, v2;
	v4 =	vadd.s32 v1, v4;
	_ =	sdelay $0x1  }
0x3cb: {  	v3 =	vadd.s32 v1, v3;
	_ =	sdelay $0x2  }
0x3cc: {  	[tilespmem:s21], [sflag:$0x2] =	stream.indirect_vreg.gather [hbm4b:s1+s3], $0x80, v4, vm0, $0xb8;
	[tilespmem:$0x18800] =	vst v63  }
0x3cd: {  	s15 =	simm.s32 $0xA000  }
0x3ce: {  	[tilespmem:s15], [sflag:$0x2] =	stream.indirect_vreg.gather [hbm4b:s1+s3], $0x80, v3, vm0, $0xb8;
	[tilespmem:$0x18800] =	vst v63  }
0x3cf: {  	v3 =	vld [tilespmem:$0x520];
	_ =	sdelay $0x4  }
0x3d0: {  	v18 =	vshll.u32 v3, $0x1  }
0x3d1: {  	v3 =	vand.u32 $0x7, v3;
	v4 =	vand.u32 $0xFFFFFFF0, v18  }
0x3d2: {  	v3 =	vor.u32 v3, v4  }
0x3d3: {  	v4 =	vperm.xlane v3, v0;
	_ =	sdelay $0x1  }
0x3d4: {  	v3 =	vperm.xlane v3, v2;
	v4 =	vadd.s32 v1, v4;
	_ =	sdelay $0x1  }
0x3d5: {  	v3 =	vadd.s32 v1, v3;
	_ =	sdelay $0x1  }
0x3d6: {  	s16 =	simm.s32 $0xA800  }
0x3d7: {  	[tilespmem:s16], [sflag:$0x2] =	stream.indirect_vreg.gather [hbm4b:s1+s3], $0x80, v4, vm0, $0xb8;
	[tilespmem:$0x18800] =	vst v63  }
0x3d8: {  	s0 =	simm.s32 $0xB000  }
0x3d9: {  	[tilespmem:s0], [sflag:$0x2] =	stream.indirect_vreg.gather [hbm4b:s1+s3], $0x80, v3, vm0, $0xb8;
	[tilespmem:$0x18800] =	vst v63  }
0x3da: {  	v3 =	vld [tilespmem:$0x530];
	_ =	sdelay $0x4  }
0x3db: {  	v19 =	vshll.u32 v3, $0x1  }
0x3dc: {  	v3 =	vand.u32 $0x7, v3;
	v4 =	vand.u32 $0xFFFFFFF0, v19  }
0x3dd: {  	v3 =	vor.u32 v3, v4  }
0x3de: {  	v4 =	vperm.xlane v3, v0;
	_ =	sdelay $0x1  }
0x3df: {  	v3 =	vperm.xlane v3, v2;
	v4 =	vadd.s32 v1, v4;
	_ =	sdelay $0x1  }
0x3e0: {  	v3 =	vadd.s32 v1, v3;
	_ =	sdelay $0x2  }
0x3e1: {  	[tilespmem:s23], [sflag:$0x2] =	stream.indirect_vreg.gather [hbm4b:s1+s3], $0x80, v4, vm0, $0xb8;
	[tilespmem:$0x18800] =	vst v63  }
0x3e2: {  	s17 =	simm.s32 $0xC000  }
0x3e3: {  	[tilespmem:s17], [sflag:$0x2] =	stream.indirect_vreg.gather [hbm4b:s1+s3], $0x80, v3, vm0, $0xb8;
	[tilespmem:$0x18800] =	vst v63  }
0x3e4: {  	v3 =	vld [tilespmem:$0x540];
	_ =	sdelay $0x4  }
0x3e5: {  	v20 =	vshll.u32 v3, $0x1  }
0x3e6: {  	v3 =	vand.u32 $0x7, v3;
	v4 =	vand.u32 $0xFFFFFFF0, v20  }
0x3e7: {  	v3 =	vor.u32 v3, v4  }
0x3e8: {  	v4 =	vperm.xlane v3, v0;
	_ =	sdelay $0x1  }
0x3e9: {  	v3 =	vperm.xlane v3, v2;
	v4 =	vadd.s32 v1, v4;
	_ =	sdelay $0x1  }
0x3ea: {  	v3 =	vadd.s32 v1, v3;
	_ =	sdelay $0x1  }
0x3eb: {  	s14 =	simm.s32 $0xC800  }
0x3ec: {  	[tilespmem:s14], [sflag:$0x2] =	stream.indirect_vreg.gather [hbm4b:s1+s3], $0x80, v4, vm0, $0xb8;
	[tilespmem:$0x18800] =	vst v63  }
0x3ed: {  	s15 =	simm.s32 $0xD000  }
0x3ee: {  	[tilespmem:s15], [sflag:$0x2] =	stream.indirect_vreg.gather [hbm4b:s1+s3], $0x80, v3, vm0, $0xb8;
	[tilespmem:$0x18800] =	vst v63  }
0x3ef: {  	v3 =	vld [tilespmem:$0x550];
	_ =	sdelay $0x4  }
0x3f0: {  	v21 =	vshll.u32 v3, $0x1  }
0x3f1: {  	v3 =	vand.u32 $0x7, v3;
	v4 =	vand.u32 $0xFFFFFFF0, v21  }
0x3f2: {  	v3 =	vor.u32 v3, v4  }
0x3f3: {  	v4 =	vperm.xlane v3, v0;
	_ =	sdelay $0x1  }
0x3f4: {  	v3 =	vperm.xlane v3, v2;
	v4 =	vadd.s32 v1, v4;
	_ =	sdelay $0x1  }
0x3f5: {  	v3 =	vadd.s32 v1, v3;
	_ =	sdelay $0x2  }
0x3f6: {  	[tilespmem:s20], [sflag:$0x2] =	stream.indirect_vreg.gather [hbm4b:s1+s3], $0x80, v4, vm0, $0xb8;
	[tilespmem:$0x18800] =	vst v63  }
0x3f7: {  	s16 =	simm.s32 $0xE000  }
0x3f8: {  	[tilespmem:s16], [sflag:$0x2] =	stream.indirect_vreg.gather [hbm4b:s1+s3], $0x80, v3, vm0, $0xb8;
	[tilespmem:$0x18800] =	vst v63  }
0x3f9: {  	v3 =	vld [tilespmem:$0x560];
	_ =	sdelay $0x4  }
0x3fa: {  	v22 =	vshll.u32 v3, $0x1  }
0x3fb: {  	v3 =	vand.u32 $0x7, v3;
	v4 =	vand.u32 $0xFFFFFFF0, v22  }
0x3fc: {  	v3 =	vor.u32 v3, v4  }
0x3fd: {  	v4 =	vperm.xlane v3, v0;
	_ =	sdelay $0x1  }
0x3fe: {  	v3 =	vperm.xlane v3, v2;
	v4 =	vadd.s32 v1, v4;
	_ =	sdelay $0x1  }
0x3ff: {  	v3 =	vadd.s32 v1, v3;
	_ =	sdelay $0x1  }
0x400: {  	s17 =	simm.s32 $0xE800  }
0x401: {  	[tilespmem:s17], [sflag:$0x2] =	stream.indirect_vreg.gather [hbm4b:s1+s3], $0x80, v4, vm0, $0xb8;
	[tilespmem:$0x18800] =	vst v63  }
0x402: {  	s14 =	simm.s32 $0xF000  }
0x403: {  	[tilespmem:s14], [sflag:$0x2] =	stream.indirect_vreg.gather [hbm4b:s1+s3], $0x80, v3, vm0, $0xb8;
	[tilespmem:$0x18800] =	vst v63  }
0x404: {  	v3 =	vld [tilespmem:$0x570];
	_ =	sdelay $0x4  }
0x405: {  	v23 =	vshll.u32 v3, $0x1  }
0x406: {  	v3 =	vand.u32 $0x7, v3;
	v4 =	vand.u32 $0xFFFFFFF0, v23  }
0x407: {  	v3 =	vor.u32 v3, v4  }
0x408: {  	v4 =	vperm.xlane v3, v0;
	_ =	sdelay $0x1  }
0x409: {  	v3 =	vperm.xlane v3, v2;
	v4 =	vadd.s32 v1, v4;
	_ =	sdelay $0x1  }
0x40a: {  	v3 =	vadd.s32 v1, v3;
	_ =	sdelay $0x1  }
0x40b: {  	s15 =	simm.s32 $0xF800  }
0x40c: {  	[tilespmem:s15], [sflag:$0x2] =	stream.indirect_vreg.gather [hbm4b:s1+s3], $0x80, v4, vm0, $0xb8;
	[tilespmem:$0x18800] =	vst v63  }
0x40d: {  	s16 =	simm.s32 $0x10000  }
0x40e: {  	[tilespmem:s16], [sflag:$0x2] =	stream.indirect_vreg.gather [hbm4b:s1+s3], $0x80, v3, vm0, $0xb8;
	[tilespmem:$0x18800] =	vst v63  }
0x40f: {  	_ =	swait.ge [sflag:s28], $0x8000  }
0x410: {  	[sflag:s28] =	ssyncset.done $0x0  }
0x411: {  	s17 =	rddreg [dreg:$0xe];
	[sflag:s28] =	ssyncadd.s32 $0xFFFF8000  }
0x412: {  	[hbm4b:s17+s3] =	stream.linear.scatter [tilespmem:s24], [sflag:$0x4], $0x8000, $0x38;
	[tilespmem:$0x18800] =	vst v63  }
0x413: {  	_ =	swait.ge [sflag:s29], $0x8000  }
0x414: {  	[sflag:s29] =	ssyncset.done $0x0  }
0x415: {  	[sflag:s29] =	ssyncadd.s32 $0xFFFF8000  }
0x416: {  	v3 =	vld [tilespmem:$0x580];
	_ =	sdelay $0x4  }
0x417: {  	v24 =	vshll.u32 v3, $0x1  }
0x418: {  	v3 =	vand.u32 $0x7, v3;
	v4 =	vand.u32 $0xFFFFFFF0, v24  }
0x419: {  	v3 =	vor.u32 v3, v4  }
0x41a: {  	v4 =	vperm.xlane v3, v0;
	_ =	sdelay $0x1  }
0x41b: {  	v3 =	vperm.xlane v3, v2;
	v4 =	vadd.s32 v1, v4;
	_ =	sdelay $0x1  }
0x41c: {  	v3 =	vadd.s32 v1, v3;
	_ =	sdelay $0x1  }
0x41d: {  	s13 =	simm.s32 $0x10800  }
0x41e: {  	[tilespmem:s13], [sflag:$0x3] =	stream.indirect_vreg.gather [hbm4b:s1+s3], $0x80, v4, vm0, $0xb8;
	[tilespmem:$0x18800] =	vst v63  }
0x41f: {  	_ = 	snop  }
0x420: {  	[tilespmem:s11], [sflag:$0x3] =	stream.indirect_vreg.gather [hbm4b:s1+s3], $0x80, v3, vm0, $0xb8;
	[tilespmem:$0x18800] =	vst v63  }
0x421: {  	v3 =	vld [tilespmem:$0x590];
	_ =	sdelay $0x4  }
0x422: {  	v25 =	vshll.u32 v3, $0x1  }
0x423: {  	v3 =	vand.u32 $0x7, v3;
	v4 =	vand.u32 $0xFFFFFFF0, v25  }
0x424: {  	v3 =	vor.u32 v3, v4  }
0x425: {  	v4 =	vperm.xlane v3, v0;
	_ =	sdelay $0x1  }
0x426: {  	v3 =	vperm.xlane v3, v2;
	v4 =	vadd.s32 v1, v4;
	_ =	sdelay $0x1  }
0x427: {  	v3 =	vadd.s32 v1, v3;
	_ =	sdelay $0x1  }
0x428: {  	s14 =	simm.s32 $0x11800  }
0x429: {  	[tilespmem:s14], [sflag:$0x3] =	stream.indirect_vreg.gather [hbm4b:s1+s3], $0x80, v4, vm0, $0xb8;
	[tilespmem:$0x18800] =	vst v63  }
0x42a: {  	_ = 	snop  }
0x42b: {  	[tilespmem:s10], [sflag:$0x3] =	stream.indirect_vreg.gather [hbm4b:s1+s3], $0x80, v3, vm0, $0xb8;
	[tilespmem:$0x18800] =	vst v63  }
0x42c: {  	v3 =	vld [tilespmem:$0x5A0];
	_ =	sdelay $0x4  }
0x42d: {  	v26 =	vshll.u32 v3, $0x1  }
0x42e: {  	v3 =	vand.u32 $0x7, v3;
	v4 =	vand.u32 $0xFFFFFFF0, v26  }
0x42f: {  	v3 =	vor.u32 v3, v4  }
0x430: {  	v4 =	vperm.xlane v3, v0;
	_ =	sdelay $0x1  }
0x431: {  	v3 =	vperm.xlane v3, v2;
	v4 =	vadd.s32 v1, v4;
	_ =	sdelay $0x1  }
0x432: {  	v3 =	vadd.s32 v1, v3;
	_ =	sdelay $0x1  }
0x433: {  	s15 =	simm.s32 $0x12800  }
0x434: {  	[tilespmem:s15], [sflag:$0x3] =	stream.indirect_vreg.gather [hbm4b:s1+s3], $0x80, v4, vm0, $0xb8;
	[tilespmem:$0x18800] =	vst v63  }
0x435: {  	_ = 	snop  }
0x436: {  	[tilespmem:s5], [sflag:$0x3] =	stream.indirect_vreg.gather [hbm4b:s1+s3], $0x80, v3, vm0, $0xb8;
	[tilespmem:$0x18800] =	vst v63  }
0x437: {  	v3 =	vld [tilespmem:$0x5B0];
	_ =	sdelay $0x4  }
0x438: {  	v27 =	vshll.u32 v3, $0x1  }
0x439: {  	v3 =	vand.u32 $0x7, v3;
	v4 =	vand.u32 $0xFFFFFFF0, v27  }
0x43a: {  	v3 =	vor.u32 v3, v4  }
0x43b: {  	v4 =	vperm.xlane v3, v0;
	_ =	sdelay $0x1  }
0x43c: {  	v3 =	vperm.xlane v3, v2;
	v4 =	vadd.s32 v1, v4;
	_ =	sdelay $0x1  }
0x43d: {  	v3 =	vadd.s32 v1, v3;
	_ =	sdelay $0x1  }
0x43e: {  	s17 =	simm.s32 $0x13800  }
0x43f: {  	[tilespmem:s17], [sflag:$0x3] =	stream.indirect_vreg.gather [hbm4b:s1+s3], $0x80, v4, vm0, $0xb8;
	[tilespmem:$0x18800] =	vst v63  }
0x440: {  	_ = 	snop  }
0x441: {  	[tilespmem:s6], [sflag:$0x3] =	stream.indirect_vreg.gather [hbm4b:s1+s3], $0x80, v3, vm0, $0xb8;
	[tilespmem:$0x18800] =	vst v63  }
0x442: {  	v3 =	vld [tilespmem:$0x5C0];
	_ =	sdelay $0x4  }
0x443: {  	v28 =	vshll.u32 v3, $0x1  }
0x444: {  	v3 =	vand.u32 $0x7, v3;
	v4 =	vand.u32 $0xFFFFFFF0, v28  }
0x445: {  	v3 =	vor.u32 v3, v4  }
0x446: {  	v4 =	vperm.xlane v3, v0;
	_ =	sdelay $0x1  }
0x447: {  	v3 =	vperm.xlane v3, v2;
	v4 =	vadd.s32 v1, v4;
	_ =	sdelay $0x1  }
0x448: {  	v3 =	vadd.s32 v1, v3;
	_ =	sdelay $0x1  }
0x449: {  	s5 =	simm.s32 $0x14800  }
0x44a: {  	[tilespmem:s5], [sflag:$0x3] =	stream.indirect_vreg.gather [hbm4b:s1+s3], $0x80, v4, vm0, $0xb8;
	[tilespmem:$0x18800] =	vst v63  }
0x44b: {  	_ = 	snop  }
0x44c: {  	[tilespmem:s7], [sflag:$0x3] =	stream.indirect_vreg.gather [hbm4b:s1+s3], $0x80, v3, vm0, $0xb8;
	[tilespmem:$0x18800] =	vst v63  }
0x44d: {  	v3 =	vld [tilespmem:$0x5D0];
	_ =	sdelay $0x4  }
0x44e: {  	v29 =	vshll.u32 v3, $0x1  }
0x44f: {  	v3 =	vand.u32 $0x7, v3;
	v4 =	vand.u32 $0xFFFFFFF0, v29  }
0x450: {  	v3 =	vor.u32 v3, v4  }
0x451: {  	v4 =	vperm.xlane v3, v0;
	_ =	sdelay $0x1  }
0x452: {  	v3 =	vperm.xlane v3, v2;
	v4 =	vadd.s32 v1, v4;
	_ =	sdelay $0x1  }
0x453: {  	v3 =	vadd.s32 v1, v3;
	_ =	sdelay $0x1  }
0x454: {  	s5 =	simm.s32 $0x15800  }
0x455: {  	[tilespmem:s5], [sflag:$0x3] =	stream.indirect_vreg.gather [hbm4b:s1+s3], $0x80, v4, vm0, $0xb8;
	[tilespmem:$0x18800] =	vst v63  }
0x456: {  	_ = 	snop  }
0x457: {  	[tilespmem:s8], [sflag:$0x3] =	stream.indirect_vreg.gather [hbm4b:s1+s3], $0x80, v3, vm0, $0xb8;
	[tilespmem:$0x18800] =	vst v63  }
0x458: {  	v3 =	vld [tilespmem:$0x5E0];
	_ =	sdelay $0x4  }
0x459: {  	v30 =	vshll.u32 v3, $0x1  }
0x45a: {  	v3 =	vand.u32 $0x7, v3;
	v4 =	vand.u32 $0xFFFFFFF0, v30  }
0x45b: {  	v3 =	vor.u32 v3, v4  }
0x45c: {  	v4 =	vperm.xlane v3, v0;
	_ =	sdelay $0x1  }
0x45d: {  	v3 =	vperm.xlane v3, v2;
	v4 =	vadd.s32 v1, v4;
	_ =	sdelay $0x1  }
0x45e: {  	v3 =	vadd.s32 v1, v3;
	_ =	sdelay $0x1  }
0x45f: {  	s5 =	simm.s32 $0x16800  }
0x460: {  	[tilespmem:s5], [sflag:$0x3] =	stream.indirect_vreg.gather [hbm4b:s1+s3], $0x80, v4, vm0, $0xb8;
	[tilespmem:$0x18800] =	vst v63  }
0x461: {  	s5 =	simm.s32 $0x17000  }
0x462: {  	[tilespmem:s5], [sflag:$0x3] =	stream.indirect_vreg.gather [hbm4b:s1+s3], $0x80, v3, vm0, $0xb8;
	[tilespmem:$0x18800] =	vst v63  }
0x463: {  	v3 =	vld [tilespmem:$0x5F0];
	_ =	sdelay $0x4  }
0x464: {  	v31 =	vshll.u32 v3, $0x1  }
0x465: {  	v3 =	vand.u32 $0x7, v3;
	v4 =	vand.u32 $0xFFFFFFF0, v31  }
0x466: {  	v3 =	vor.u32 v3, v4  }
0x467: {  	v4 =	vperm.xlane v3, v0;
	_ =	sdelay $0x1  }
0x468: {  	v3 =	vperm.xlane v3, v2;
	v4 =	vadd.s32 v1, v4;
	_ =	sdelay $0x1  }
0x469: {  	v3 =	vadd.s32 v1, v3;
	_ =	sdelay $0x1  }
0x46a: {  	s5 =	simm.s32 $0x17800  }
0x46b: {  	[tilespmem:s5], [sflag:$0x3] =	stream.indirect_vreg.gather [hbm4b:s1+s3], $0x80, v4, vm0, $0xb8;
	[tilespmem:$0x18800] =	vst v63  }
0x46c: {  	_ = 	snop  }
0x46d: {  	[tilespmem:s9], [sflag:$0x3] =	stream.indirect_vreg.gather [hbm4b:s1+s3], $0x80, v3, vm0, $0xb8;
	[tilespmem:$0x18800] =	vst v63  }
0x46e: {  	_ =	swait.ge [sflag:s26], $0x8000  }
0x46f: {  	[sflag:s26] =	ssyncset.done $0x0  }
0x470: {  	s5 =	rddreg [dreg:$0xf];
	[sflag:s26] =	ssyncadd.s32 $0xFFFF8000  }
0x471: {  	[hbm4b:s5+s3] =	stream.linear.scatter [tilespmem:s19], [sflag:$0x5], $0x8000, $0x38;
	[tilespmem:$0x18800] =	vst v63  }
0x472: {  	_ =	swait.ge [sflag:s25], $0x8000  }
0x473: {  	[sflag:s25] =	ssyncset.done $0x0  }
0x474: {  	[sflag:s25] =	ssyncadd.s32 $0xFFFF8000  }
0x475: {  	v3 =	vld [tilespmem:$0x600];
	_ =	sdelay $0x4  }
0x476: {  	v32 =	vshll.u32 v3, $0x1  }
0x477: {  	v3 =	vand.u32 $0x7, v3;
	v4 =	vand.u32 $0xFFFFFFF0, v32  }
0x478: {  	v3 =	vor.u32 v3, v4  }
0x479: {  	v4 =	vperm.xlane v3, v0;
	_ =	sdelay $0x1  }
0x47a: {  	v3 =	vperm.xlane v3, v2;
	v4 =	vadd.s32 v1, v4;
	_ =	sdelay $0x1  }
0x47b: {  	v3 =	vadd.s32 v1, v3;
	_ =	sdelay $0x2  }
0x47c: {  	[tilespmem:s24], [sflag:$0x1] =	stream.indirect_vreg.gather [hbm4b:s1+s3], $0x80, v4, vm0, $0xb8;
	[tilespmem:$0x18800] =	vst v63  }
0x47d: {  	_ = 	snop  }
0x47e: {  	[tilespmem:s4], [sflag:$0x1] =	stream.indirect_vreg.gather [hbm4b:s1+s3], $0x80, v3, vm0, $0xb8;
	[tilespmem:$0x18800] =	vst v63  }
0x47f: {  	v3 =	vld [tilespmem:$0x610];
	_ =	sdelay $0x4  }
0x480: {  	v33 =	vshll.u32 v3, $0x1  }
0x481: {  	v3 =	vand.u32 $0x7, v3;
	v4 =	vand.u32 $0xFFFFFFF0, v33  }
0x482: {  	v3 =	vor.u32 v3, v4  }
0x483: {  	v4 =	vperm.xlane v3, v0;
	_ =	sdelay $0x1  }
0x484: {  	v3 =	vperm.xlane v3, v2;
	v4 =	vadd.s32 v1, v4;
	_ =	sdelay $0x1  }
0x485: {  	v3 =	vadd.s32 v1, v3;
	_ =	sdelay $0x2  }
0x486: {  	[tilespmem:s12], [sflag:$0x1] =	stream.indirect_vreg.gather [hbm4b:s1+s3], $0x80, v4, vm0, $0xb8;
	[tilespmem:$0x18800] =	vst v63  }
0x487: {  	_ = 	snop  }
0x488: {  	[tilespmem:s18], [sflag:$0x1] =	stream.indirect_vreg.gather [hbm4b:s1+s3], $0x80, v3, vm0, $0xb8;
	[tilespmem:$0x18800] =	vst v63  }
0x489: {  	v3 =	vld [tilespmem:$0x620];
	_ =	sdelay $0x4  }
0x48a: {  	v34 =	vshll.u32 v3, $0x1  }
0x48b: {  	v3 =	vand.u32 $0x7, v3;
	v4 =	vand.u32 $0xFFFFFFF0, v34  }
0x48c: {  	v3 =	vor.u32 v3, v4  }
0x48d: {  	v4 =	vperm.xlane v3, v0;
	_ =	sdelay $0x1  }
0x48e: {  	v3 =	vperm.xlane v3, v2;
	v4 =	vadd.s32 v1, v4;
	_ =	sdelay $0x1  }
0x48f: {  	v3 =	vadd.s32 v1, v3;
	_ =	sdelay $0x1  }
0x490: {  	s12 =	simm.s32 $0x2800  }
0x491: {  	[tilespmem:s12], [sflag:$0x1] =	stream.indirect_vreg.gather [hbm4b:s1+s3], $0x80, v4, vm0, $0xb8;
	[tilespmem:$0x18800] =	vst v63  }
0x492: {  	s2 =	simm.s32 $0x3000  }
0x493: {  	[tilespmem:s2], [sflag:$0x1] =	stream.indirect_vreg.gather [hbm4b:s1+s3], $0x80, v3, vm0, $0xb8;
	[tilespmem:$0x18800] =	vst v63  }
0x494: {  	v3 =	vld [tilespmem:$0x630];
	_ =	sdelay $0x4  }
0x495: {  	v35 =	vshll.u32 v3, $0x1  }
0x496: {  	v3 =	vand.u32 $0x7, v3;
	v4 =	vand.u32 $0xFFFFFFF0, v35  }
0x497: {  	v3 =	vor.u32 v3, v4  }
0x498: {  	v4 =	vperm.xlane v3, v0;
	_ =	sdelay $0x1  }
0x499: {  	v3 =	vperm.xlane v3, v2;
	v4 =	vadd.s32 v1, v4;
	_ =	sdelay $0x1  }
0x49a: {  	v3 =	vadd.s32 v1, v3;
	_ =	sdelay $0x1  }
0x49b: {  	s2 =	simm.s32 $0x3800  }
0x49c: {  	[tilespmem:s2], [sflag:$0x1] =	stream.indirect_vreg.gather [hbm4b:s1+s3], $0x80, v4, vm0, $0xb8;
	[tilespmem:$0x18800] =	vst v63  }
0x49d: {  	s2 =	simm.s32 $0x4000  }
0x49e: {  	[tilespmem:s2], [sflag:$0x1] =	stream.indirect_vreg.gather [hbm4b:s1+s3], $0x80, v3, vm0, $0xb8;
	[tilespmem:$0x18800] =	vst v63  }
0x49f: {  	v3 =	vld [tilespmem:$0x640];
	_ =	sdelay $0x4  }
0x4a0: {  	v36 =	vshll.u32 v3, $0x1  }
0x4a1: {  	v3 =	vand.u32 $0x7, v3;
	v4 =	vand.u32 $0xFFFFFFF0, v36  }
0x4a2: {  	v3 =	vor.u32 v3, v4  }
0x4a3: {  	v4 =	vperm.xlane v3, v0;
	_ =	sdelay $0x1  }
0x4a4: {  	v3 =	vperm.xlane v3, v2;
	v4 =	vadd.s32 v1, v4;
	_ =	sdelay $0x1  }
0x4a5: {  	v3 =	vadd.s32 v1, v3;
	_ =	sdelay $0x1  }
0x4a6: {  	s2 =	simm.s32 $0x4800  }
0x4a7: {  	[tilespmem:s2], [sflag:$0x1] =	stream.indirect_vreg.gather [hbm4b:s1+s3], $0x80, v4, vm0, $0xb8;
	[tilespmem:$0x18800] =	vst v63  }
0x4a8: {  	s2 =	simm.s32 $0x5000  }
0x4a9: {  	[tilespmem:s2], [sflag:$0x1] =	stream.indirect_vreg.gather [hbm4b:s1+s3], $0x80, v3, vm0, $0xb8;
	[tilespmem:$0x18800] =	vst v63  }
0x4aa: {  	v3 =	vld [tilespmem:$0x650];
	_ =	sdelay $0x4  }
0x4ab: {  	v37 =	vshll.u32 v3, $0x1  }
0x4ac: {  	v3 =	vand.u32 $0x7, v3;
	v4 =	vand.u32 $0xFFFFFFF0, v37  }
0x4ad: {  	v3 =	vor.u32 v3, v4  }
0x4ae: {  	v4 =	vperm.xlane v3, v0;
	_ =	sdelay $0x1  }
0x4af: {  	v3 =	vperm.xlane v3, v2;
	v4 =	vadd.s32 v1, v4;
	_ =	sdelay $0x1  }
0x4b0: {  	v3 =	vadd.s32 v1, v3;
	_ =	sdelay $0x1  }
0x4b1: {  	s2 =	simm.s32 $0x5800  }
0x4b2: {  	[tilespmem:s2], [sflag:$0x1] =	stream.indirect_vreg.gather [hbm4b:s1+s3], $0x80, v4, vm0, $0xb8;
	[tilespmem:$0x18800] =	vst v63  }
0x4b3: {  	s2 =	simm.s32 $0x6000  }
0x4b4: {  	[tilespmem:s2], [sflag:$0x1] =	stream.indirect_vreg.gather [hbm4b:s1+s3], $0x80, v3, vm0, $0xb8;
	[tilespmem:$0x18800] =	vst v63  }
0x4b5: {  	v3 =	vld [tilespmem:$0x660];
	_ =	sdelay $0x4  }
0x4b6: {  	v38 =	vshll.u32 v3, $0x1  }
0x4b7: {  	v3 =	vand.u32 $0x7, v3;
	v4 =	vand.u32 $0xFFFFFFF0, v38  }
0x4b8: {  	v3 =	vor.u32 v3, v4  }
0x4b9: {  	v4 =	vperm.xlane v3, v0;
	_ =	sdelay $0x1  }
0x4ba: {  	v3 =	vperm.xlane v3, v2;
	v4 =	vadd.s32 v1, v4;
	_ =	sdelay $0x1  }
0x4bb: {  	v3 =	vadd.s32 v1, v3;
	_ =	sdelay $0x1  }
0x4bc: {  	s2 =	simm.s32 $0x6800  }
0x4bd: {  	[tilespmem:s2], [sflag:$0x1] =	stream.indirect_vreg.gather [hbm4b:s1+s3], $0x80, v4, vm0, $0xb8;
	[tilespmem:$0x18800] =	vst v63  }
0x4be: {  	s2 =	simm.s32 $0x7000  }
0x4bf: {  	[tilespmem:s2], [sflag:$0x1] =	stream.indirect_vreg.gather [hbm4b:s1+s3], $0x80, v3, vm0, $0xb8;
	[tilespmem:$0x18800] =	vst v63  }
0x4c0: {  	v3 =	vld [tilespmem:$0x670];
	_ =	sdelay $0x4  }
0x4c1: {  	v39 =	vshll.u32 v3, $0x1  }
0x4c2: {  	v3 =	vand.u32 $0x7, v3;
	v4 =	vand.u32 $0xFFFFFFF0, v39  }
0x4c3: {  	v3 =	vor.u32 v3, v4  }
0x4c4: {  	v4 =	vperm.xlane v3, v0;
	_ =	sdelay $0x1  }
0x4c5: {  	v3 =	vperm.xlane v3, v2;
	v4 =	vadd.s32 v1, v4;
	_ =	sdelay $0x1  }
0x4c6: {  	v3 =	vadd.s32 v1, v3;
	_ =	sdelay $0x1  }
0x4c7: {  	s2 =	simm.s32 $0x7800  }
0x4c8: {  	[tilespmem:s2], [sflag:$0x1] =	stream.indirect_vreg.gather [hbm4b:s1+s3], $0x80, v4, vm0, $0xb8;
	[tilespmem:$0x18800] =	vst v63  }
0x4c9: {  	s2 =	simm.s32 $0x8000  }
0x4ca: {  	[tilespmem:s2], [sflag:$0x1] =	stream.indirect_vreg.gather [hbm4b:s1+s3], $0x80, v3, vm0, $0xb8;
	[tilespmem:$0x18800] =	vst v63  }
0x4cb: {  	_ =	swait.ge [sflag:s30], $0x8000  }
0x4cc: {  	[sflag:s30] =	ssyncset.done $0x0  }
0x4cd: {  	s2 =	rddreg [dreg:$0x10];
	[sflag:s30] =	ssyncadd.s32 $0xFFFF8000  }
0x4ce: {  	[hbm4b:s2+s3] =	stream.linear.scatter [tilespmem:s13], [sflag:$0x6], $0x8000, $0x38;
	[tilespmem:$0x18800] =	vst v63  }
0x4cf: {  	_ =	swait.ge [sflag:s31], $0x8000  }
0x4d0: {  	[sflag:s31] =	ssyncset.done $0x0  }
0x4d1: {  	[sflag:s31] =	ssyncadd.s32 $0xFFFF8000  }
0x4d2: {  	v3 =	vld [tilespmem:$0x680];
	_ =	sdelay $0x4  }
0x4d3: {  	v40 =	vshll.u32 v3, $0x1  }
0x4d4: {  	v3 =	vand.u32 $0x7, v3;
	v4 =	vand.u32 $0xFFFFFFF0, v40  }
0x4d5: {  	v3 =	vor.u32 v3, v4  }
0x4d6: {  	v4 =	vperm.xlane v3, v0;
	_ =	sdelay $0x1  }
0x4d7: {  	v3 =	vperm.xlane v3, v2;
	v4 =	vadd.s32 v1, v4;
	_ =	sdelay $0x1  }
0x4d8: {  	v3 =	vadd.s32 v1, v3;
	_ =	sdelay $0x2  }
0x4d9: {  	[tilespmem:s19], [sflag:$0x2] =	stream.indirect_vreg.gather [hbm4b:s1+s3], $0x80, v4, vm0, $0xb8;
	[tilespmem:$0x18800] =	vst v63  }
0x4da: {  	s22 =	simm.s32 $0x9000  }
0x4db: {  	[tilespmem:s22], [sflag:$0x2] =	stream.indirect_vreg.gather [hbm4b:s1+s3], $0x80, v3, vm0, $0xb8;
	[tilespmem:$0x18800] =	vst v63  }
0x4dc: {  	v3 =	vld [tilespmem:$0x690];
	_ =	sdelay $0x4  }
0x4dd: {  	v41 =	vshll.u32 v3, $0x1  }
0x4de: {  	v3 =	vand.u32 $0x7, v3;
	v4 =	vand.u32 $0xFFFFFFF0, v41  }
0x4df: {  	v3 =	vor.u32 v3, v4  }
0x4e0: {  	v4 =	vperm.xlane v3, v0;
	_ =	sdelay $0x1  }
0x4e1: {  	v3 =	vperm.xlane v3, v2;
	v4 =	vadd.s32 v1, v4;
	_ =	sdelay $0x1  }
0x4e2: {  	v3 =	vadd.s32 v1, v3;
	_ =	sdelay $0x1  }
0x4e3: {  	s21 =	simm.s32 $0x9800  }
0x4e4: {  	[tilespmem:s21], [sflag:$0x2] =	stream.indirect_vreg.gather [hbm4b:s1+s3], $0x80, v4, vm0, $0xb8;
	[tilespmem:$0x18800] =	vst v63  }
0x4e5: {  	s21 =	simm.s32 $0xA000  }
0x4e6: {  	[tilespmem:s21], [sflag:$0x2] =	stream.indirect_vreg.gather [hbm4b:s1+s3], $0x80, v3, vm0, $0xb8;
	[tilespmem:$0x18800] =	vst v63  }
0x4e7: {  	v3 =	vld [tilespmem:$0x6A0];
	_ =	sdelay $0x4  }
0x4e8: {  	v42 =	vshll.u32 v3, $0x1  }
0x4e9: {  	v3 =	vand.u32 $0x7, v3;
	v4 =	vand.u32 $0xFFFFFFF0, v42  }
0x4ea: {  	v3 =	vor.u32 v3, v4  }
0x4eb: {  	v4 =	vperm.xlane v3, v0;
	_ =	sdelay $0x1  }
0x4ec: {  	v3 =	vperm.xlane v3, v2;
	v4 =	vadd.s32 v1, v4;
	_ =	sdelay $0x1  }
0x4ed: {  	v3 =	vadd.s32 v1, v3;
	_ =	sdelay $0x1  }
0x4ee: {  	s22 =	simm.s32 $0xA800  }
0x4ef: {  	[tilespmem:s22], [sflag:$0x2] =	stream.indirect_vreg.gather [hbm4b:s1+s3], $0x80, v4, vm0, $0xb8;
	[tilespmem:$0x18800] =	vst v63  }
0x4f0: {  	_ = 	snop  }
0x4f1: {  	[tilespmem:s0], [sflag:$0x2] =	stream.indirect_vreg.gather [hbm4b:s1+s3], $0x80, v3, vm0, $0xb8;
	[tilespmem:$0x18800] =	vst v63  }
0x4f2: {  	v3 =	vld [tilespmem:$0x6B0];
	_ =	sdelay $0x4  }
0x4f3: {  	v43 =	vshll.u32 v3, $0x1  }
0x4f4: {  	v3 =	vand.u32 $0x7, v3;
	v4 =	vand.u32 $0xFFFFFFF0, v43  }
0x4f5: {  	v3 =	vor.u32 v3, v4  }
0x4f6: {  	v4 =	vperm.xlane v3, v0;
	_ =	sdelay $0x1  }
0x4f7: {  	v3 =	vperm.xlane v3, v2;
	v4 =	vadd.s32 v1, v4;
	_ =	sdelay $0x1  }
0x4f8: {  	v3 =	vadd.s32 v1, v3;
	_ =	sdelay $0x1  }
0x4f9: {  	s23 =	simm.s32 $0xB800  }
0x4fa: {  	[tilespmem:s23], [sflag:$0x2] =	stream.indirect_vreg.gather [hbm4b:s1+s3], $0x80, v4, vm0, $0xb8;
	[tilespmem:$0x18800] =	vst v63  }
0x4fb: {  	s21 =	simm.s32 $0xC000  }
0x4fc: {  	[tilespmem:s21], [sflag:$0x2] =	stream.indirect_vreg.gather [hbm4b:s1+s3], $0x80, v3, vm0, $0xb8;
	[tilespmem:$0x18800] =	vst v63  }
0x4fd: {  	v3 =	vld [tilespmem:$0x6C0];
	_ =	sdelay $0x4  }
0x4fe: {  	v44 =	vshll.u32 v3, $0x1  }
0x4ff: {  	v3 =	vand.u32 $0x7, v3;
	v4 =	vand.u32 $0xFFFFFFF0, v44  }
0x500: {  	v3 =	vor.u32 v3, v4  }
0x501: {  	v4 =	vperm.xlane v3, v0;
	_ =	sdelay $0x1  }
0x502: {  	v3 =	vperm.xlane v3, v2;
	v4 =	vadd.s32 v1, v4;
	_ =	sdelay $0x1  }
0x503: {  	v3 =	vadd.s32 v1, v3;
	_ =	sdelay $0x1  }
0x504: {  	s22 =	simm.s32 $0xC800  }
0x505: {  	[tilespmem:s22], [sflag:$0x2] =	stream.indirect_vreg.gather [hbm4b:s1+s3], $0x80, v4, vm0, $0xb8;
	[tilespmem:$0x18800] =	vst v63  }
0x506: {  	s23 =	simm.s32 $0xD000  }
0x507: {  	[tilespmem:s23], [sflag:$0x2] =	stream.indirect_vreg.gather [hbm4b:s1+s3], $0x80, v3, vm0, $0xb8;
	[tilespmem:$0x18800] =	vst v63  }
0x508: {  	v3 =	vld [tilespmem:$0x6D0];
	_ =	sdelay $0x4  }
0x509: {  	v45 =	vshll.u32 v3, $0x1  }
0x50a: {  	v3 =	vand.u32 $0x7, v3;
	v4 =	vand.u32 $0xFFFFFFF0, v45  }
0x50b: {  	v3 =	vor.u32 v3, v4  }
0x50c: {  	v4 =	vperm.xlane v3, v0;
	_ =	sdelay $0x1  }
0x50d: {  	v3 =	vperm.xlane v3, v2;
	v4 =	vadd.s32 v1, v4;
	_ =	sdelay $0x1  }
0x50e: {  	v3 =	vadd.s32 v1, v3;
	_ =	sdelay $0x1  }
0x50f: {  	s20 =	simm.s32 $0xD800  }
0x510: {  	[tilespmem:s20], [sflag:$0x2] =	stream.indirect_vreg.gather [hbm4b:s1+s3], $0x80, v4, vm0, $0xb8;
	[tilespmem:$0x18800] =	vst v63  }
0x511: {  	s20 =	simm.s32 $0xE000  }
0x512: {  	[tilespmem:s20], [sflag:$0x2] =	stream.indirect_vreg.gather [hbm4b:s1+s3], $0x80, v3, vm0, $0xb8;
	[tilespmem:$0x18800] =	vst v63  }
0x513: {  	v3 =	vld [tilespmem:$0x6E0];
	_ =	sdelay $0x4  }
0x514: {  	v46 =	vshll.u32 v3, $0x1  }
0x515: {  	v3 =	vand.u32 $0x7, v3;
	v4 =	vand.u32 $0xFFFFFFF0, v46  }
0x516: {  	v3 =	vor.u32 v3, v4  }
0x517: {  	v4 =	vperm.xlane v3, v0;
	_ =	sdelay $0x1  }
0x518: {  	v3 =	vperm.xlane v3, v2;
	v4 =	vadd.s32 v1, v4;
	_ =	sdelay $0x1  }
0x519: {  	v3 =	vadd.s32 v1, v3;
	_ =	sdelay $0x1  }
0x51a: {  	s21 =	simm.s32 $0xE800  }
0x51b: {  	[tilespmem:s21], [sflag:$0x2] =	stream.indirect_vreg.gather [hbm4b:s1+s3], $0x80, v4, vm0, $0xb8;
	[tilespmem:$0x18800] =	vst v63  }
0x51c: {  	s22 =	simm.s32 $0xF000  }
0x51d: {  	[tilespmem:s22], [sflag:$0x2] =	stream.indirect_vreg.gather [hbm4b:s1+s3], $0x80, v3, vm0, $0xb8;
	[tilespmem:$0x18800] =	vst v63  }
0x51e: {  	v3 =	vld [tilespmem:$0x6F0];
	_ =	sdelay $0x4  }
0x51f: {  	v47 =	vshll.u32 v3, $0x1  }
0x520: {  	v3 =	vand.u32 $0x7, v3;
	v4 =	vand.u32 $0xFFFFFFF0, v47  }
0x521: {  	v3 =	vor.u32 v3, v4  }
0x522: {  	v4 =	vperm.xlane v3, v0;
	_ =	sdelay $0x1  }
0x523: {  	v3 =	vperm.xlane v3, v2;
	v4 =	vadd.s32 v1, v4;
	_ =	sdelay $0x1  }
0x524: {  	v3 =	vadd.s32 v1, v3;
	_ =	sdelay $0x1  }
0x525: {  	s23 =	simm.s32 $0xF800  }
0x526: {  	[tilespmem:s23], [sflag:$0x2] =	stream.indirect_vreg.gather [hbm4b:s1+s3], $0x80, v4, vm0, $0xb8;
	[tilespmem:$0x18800] =	vst v63  }
0x527: {  	s20 =	simm.s32 $0x10000  }
0x528: {  	[tilespmem:s20], [sflag:$0x2] =	stream.indirect_vreg.gather [hbm4b:s1+s3], $0x80, v3, vm0, $0xb8;
	[tilespmem:$0x18800] =	vst v63  }
0x529: {  	s0 =	rddreg [dreg:$0x15];
	_ =	swait.ge [sflag:s28], $0x8000  }
0x52a: {  	[sflag:s28] =	ssyncset.done $0x0  }
0x52b: {  	s21 =	rddreg [dreg:$0x11];
	[sflag:s28] =	ssyncadd.s32 $0xFFFF8000  }
0x52c: {  	[hbm4b:s21+s3] =	stream.linear.scatter [tilespmem:s24], [sflag:$0x4], $0x8000, $0x38;
	[tilespmem:$0x18800] =	vst v63  }
0x52d: {  	_ =	swait.ge [sflag:s29], $0x8000  }
0x52e: {  	[sflag:s29] =	ssyncset.done $0x0  }
0x52f: {  	[sflag:s29] =	ssyncadd.s32 $0xFFFF8000  }
0x530: {  	v3 =	vld [tilespmem:$0x700];
	_ =	sdelay $0x4  }
0x531: {  	v48 =	vshll.u32 v3, $0x1  }
0x532: {  	v3 =	vand.u32 $0x7, v3;
	v4 =	vand.u32 $0xFFFFFFF0, v48  }
0x533: {  	v3 =	vor.u32 v3, v4  }
0x534: {  	v4 =	vperm.xlane v3, v0;
	_ =	sdelay $0x1  }
0x535: {  	v3 =	vperm.xlane v3, v2;
	v4 =	vadd.s32 v1, v4;
	_ =	sdelay $0x1  }
0x536: {  	v3 =	vadd.s32 v1, v3;
	_ =	sdelay $0x2  }
0x537: {  	[tilespmem:s13], [sflag:$0x3] =	stream.indirect_vreg.gather [hbm4b:s1+s3], $0x80, v4, vm0, $0xb8;
	[tilespmem:$0x18800] =	vst v63  }
0x538: {  	s11 =	simm.s32 $0x11000  }
0x539: {  	[tilespmem:s11], [sflag:$0x3] =	stream.indirect_vreg.gather [hbm4b:s1+s3], $0x80, v3, vm0, $0xb8;
	[tilespmem:$0x18800] =	vst v63  }
0x53a: {  	v3 =	vld [tilespmem:$0x710];
	_ =	sdelay $0x4  }
0x53b: {  	v49 =	vshll.u32 v3, $0x1  }
0x53c: {  	v3 =	vand.u32 $0x7, v3;
	v4 =	vand.u32 $0xFFFFFFF0, v49  }
0x53d: {  	v3 =	vor.u32 v3, v4  }
0x53e: {  	v4 =	vperm.xlane v3, v0;
	_ =	sdelay $0x1  }
0x53f: {  	v3 =	vperm.xlane v3, v2;
	v4 =	vadd.s32 v1, v4;
	_ =	sdelay $0x1  }
0x540: {  	v3 =	vadd.s32 v1, v3;
	_ =	sdelay $0x1  }
0x541: {  	s16 =	simm.s32 $0x11800  }
0x542: {  	[tilespmem:s16], [sflag:$0x3] =	stream.indirect_vreg.gather [hbm4b:s1+s3], $0x80, v4, vm0, $0xb8;
	[tilespmem:$0x18800] =	vst v63  }
0x543: {  	s14 =	simm.s32 $0x12000  }
0x544: {  	[tilespmem:s14], [sflag:$0x3] =	stream.indirect_vreg.gather [hbm4b:s1+s3], $0x80, v3, vm0, $0xb8;
	[tilespmem:$0x18800] =	vst v63  }
0x545: {  	v3 =	vld [tilespmem:$0x720];
	_ =	sdelay $0x4  }
0x546: {  	v50 =	vshll.u32 v3, $0x1  }
0x547: {  	v3 =	vand.u32 $0x7, v3;
	v4 =	vand.u32 $0xFFFFFFF0, v50  }
0x548: {  	v3 =	vor.u32 v3, v4  }
0x549: {  	v4 =	vperm.xlane v3, v0;
	_ =	sdelay $0x1  }
0x54a: {  	v3 =	vperm.xlane v3, v2;
	v4 =	vadd.s32 v1, v4;
	_ =	sdelay $0x1  }
0x54b: {  	v3 =	vadd.s32 v1, v3;
	_ =	sdelay $0x1  }
0x54c: {  	s10 =	simm.s32 $0x12800  }
0x54d: {  	[tilespmem:s10], [sflag:$0x3] =	stream.indirect_vreg.gather [hbm4b:s1+s3], $0x80, v4, vm0, $0xb8;
	[tilespmem:$0x18800] =	vst v63  }
0x54e: {  	s15 =	simm.s32 $0x13000  }
0x54f: {  	[tilespmem:s15], [sflag:$0x3] =	stream.indirect_vreg.gather [hbm4b:s1+s3], $0x80, v3, vm0, $0xb8;
	[tilespmem:$0x18800] =	vst v63  }
0x550: {  	v3 =	vld [tilespmem:$0x730];
	_ =	sdelay $0x4  }
0x551: {  	v51 =	vshll.u32 v3, $0x1  }
0x552: {  	v3 =	vand.u32 $0x7, v3;
	v4 =	vand.u32 $0xFFFFFFF0, v51  }
0x553: {  	v3 =	vor.u32 v3, v4  }
0x554: {  	v4 =	vperm.xlane v3, v0;
	_ =	sdelay $0x1  }
0x555: {  	v3 =	vperm.xlane v3, v2;
	v4 =	vadd.s32 v1, v4;
	_ =	sdelay $0x1  }
0x556: {  	v3 =	vadd.s32 v1, v3;
	_ =	sdelay $0x1  }
0x557: {  	s17 =	simm.s32 $0x13800  }
0x558: {  	[tilespmem:s17], [sflag:$0x3] =	stream.indirect_vreg.gather [hbm4b:s1+s3], $0x80, v4, vm0, $0xb8;
	[tilespmem:$0x18800] =	vst v63  }
0x559: {  	s6 =	simm.s32 $0x14000  }
0x55a: {  	[tilespmem:s6], [sflag:$0x3] =	stream.indirect_vreg.gather [hbm4b:s1+s3], $0x80, v3, vm0, $0xb8;
	[tilespmem:$0x18800] =	vst v63  }
0x55b: {  	v3 =	vld [tilespmem:$0x740];
	_ =	sdelay $0x4  }
0x55c: {  	v52 =	vshll.u32 v3, $0x1  }
0x55d: {  	v3 =	vand.u32 $0x7, v3;
	v4 =	vand.u32 $0xFFFFFFF0, v52  }
0x55e: {  	v3 =	vor.u32 v3, v4  }
0x55f: {  	v4 =	vperm.xlane v3, v0;
	_ =	sdelay $0x1  }
0x560: {  	v3 =	vperm.xlane v3, v2;
	v4 =	vadd.s32 v1, v4;
	_ =	sdelay $0x1  }
0x561: {  	v3 =	vadd.s32 v1, v3;
	_ =	sdelay $0x1  }
0x562: {  	s22 =	simm.s32 $0x14800  }
0x563: {  	[tilespmem:s22], [sflag:$0x3] =	stream.indirect_vreg.gather [hbm4b:s1+s3], $0x80, v4, vm0, $0xb8;
	[tilespmem:$0x18800] =	vst v63  }
0x564: {  	s7 =	simm.s32 $0x15000  }
0x565: {  	[tilespmem:s7], [sflag:$0x3] =	stream.indirect_vreg.gather [hbm4b:s1+s3], $0x80, v3, vm0, $0xb8;
	[tilespmem:$0x18800] =	vst v63  }
0x566: {  	v3 =	vld [tilespmem:$0x750];
	_ =	sdelay $0x4  }
0x567: {  	v53 =	vshll.u32 v3, $0x1  }
0x568: {  	v3 =	vand.u32 $0x7, v3;
	v4 =	vand.u32 $0xFFFFFFF0, v53  }
0x569: {  	v3 =	vor.u32 v3, v4  }
0x56a: {  	v4 =	vperm.xlane v3, v0;
	_ =	sdelay $0x1  }
0x56b: {  	v3 =	vperm.xlane v3, v2;
	v4 =	vadd.s32 v1, v4;
	_ =	sdelay $0x1  }
0x56c: {  	v3 =	vadd.s32 v1, v3;
	_ =	sdelay $0x1  }
0x56d: {  	s23 =	simm.s32 $0x15800  }
0x56e: {  	[tilespmem:s23], [sflag:$0x3] =	stream.indirect_vreg.gather [hbm4b:s1+s3], $0x80, v4, vm0, $0xb8;
	[tilespmem:$0x18800] =	vst v63  }
0x56f: {  	s8 =	simm.s32 $0x16000  }
0x570: {  	[tilespmem:s8], [sflag:$0x3] =	stream.indirect_vreg.gather [hbm4b:s1+s3], $0x80, v3, vm0, $0xb8;
	[tilespmem:$0x18800] =	vst v63  }
0x571: {  	v3 =	vld [tilespmem:$0x760];
	_ =	sdelay $0x4  }
0x572: {  	v54 =	vshll.u32 v3, $0x1  }
0x573: {  	v3 =	vand.u32 $0x7, v3;
	v4 =	vand.u32 $0xFFFFFFF0, v54  }
0x574: {  	v3 =	vor.u32 v3, v4  }
0x575: {  	v4 =	vperm.xlane v3, v0;
	_ =	sdelay $0x1  }
0x576: {  	v3 =	vperm.xlane v3, v2;
	v4 =	vadd.s32 v1, v4;
	_ =	sdelay $0x1  }
0x577: {  	v3 =	vadd.s32 v1, v3;
	_ =	sdelay $0x1  }
0x578: {  	s6 =	simm.s32 $0x16800  }
0x579: {  	[tilespmem:s6], [sflag:$0x3] =	stream.indirect_vreg.gather [hbm4b:s1+s3], $0x80, v4, vm0, $0xb8;
	[tilespmem:$0x18800] =	vst v63  }
0x57a: {  	s7 =	simm.s32 $0x17000  }
0x57b: {  	[tilespmem:s7], [sflag:$0x3] =	stream.indirect_vreg.gather [hbm4b:s1+s3], $0x80, v3, vm0, $0xb8;
	[tilespmem:$0x18800] =	vst v63  }
0x57c: {  	v3 =	vld [tilespmem:$0x770];
	_ =	sdelay $0x4  }
0x57d: {  	v55 =	vshll.u32 v3, $0x1  }
0x57e: {  	v3 =	vand.u32 $0x7, v3;
	v4 =	vand.u32 $0xFFFFFFF0, v55  }
0x57f: {  	v3 =	vor.u32 v3, v4  }
0x580: {  	v4 =	vperm.xlane v3, v0;
	_ =	sdelay $0x1  }
0x581: {  	v3 =	vperm.xlane v3, v2;
	v4 =	vadd.s32 v1, v4;
	_ =	sdelay $0x1  }
0x582: {  	v3 =	vadd.s32 v1, v3;
	_ =	sdelay $0x1  }
0x583: {  	s8 =	simm.s32 $0x17800  }
0x584: {  	[tilespmem:s8], [sflag:$0x3] =	stream.indirect_vreg.gather [hbm4b:s1+s3], $0x80, v4, vm0, $0xb8;
	[tilespmem:$0x18800] =	vst v63  }
0x585: {  	s9 =	simm.s32 $0x18000  }
0x586: {  	[tilespmem:s9], [sflag:$0x3] =	stream.indirect_vreg.gather [hbm4b:s1+s3], $0x80, v3, vm0, $0xb8;
	[tilespmem:$0x18800] =	vst v63  }
0x587: {  	_ =	swait.ge [sflag:s26], $0x8000  }
0x588: {  	[sflag:s26] =	ssyncset.done $0x0  }
0x589: {  	s9 =	rddreg [dreg:$0x12];
	[sflag:s26] =	ssyncadd.s32 $0xFFFF8000  }
0x58a: {  	[hbm4b:s9+s3] =	stream.linear.scatter [tilespmem:s19], [sflag:$0x5], $0x8000, $0x38;
	[tilespmem:$0x18800] =	vst v63  }
0x58b: {  	_ =	swait.ge [sflag:s25], $0x8000  }
0x58c: {  	[sflag:s25] =	ssyncset.done $0x0  }
0x58d: {  	[sflag:s25] =	ssyncadd.s32 $0xFFFF8000  }
0x58e: {  	v3 =	vld [tilespmem:$0x780];
	_ =	sdelay $0x4  }
0x58f: {  	v56 =	vshll.u32 v3, $0x1  }
0x590: {  	v3 =	vand.u32 $0x7, v3;
	v4 =	vand.u32 $0xFFFFFFF0, v56  }
0x591: {  	v3 =	vor.u32 v3, v4  }
0x592: {  	v4 =	vperm.xlane v3, v0;
	_ =	sdelay $0x1  }
0x593: {  	v3 =	vperm.xlane v3, v2;
	v4 =	vadd.s32 v1, v4;
	_ =	sdelay $0x1  }
0x594: {  	v3 =	vadd.s32 v1, v3;
	_ =	sdelay $0x2  }
0x595: {  	[tilespmem:s24], [sflag:$0x1] =	stream.indirect_vreg.gather [hbm4b:s1+s3], $0x80, v4, vm0, $0xb8;
	[tilespmem:$0x18800] =	vst v63  }
0x596: {  	s4 =	simm.s32 $0x1000  }
0x597: {  	[tilespmem:s4], [sflag:$0x1] =	stream.indirect_vreg.gather [hbm4b:s1+s3], $0x80, v3, vm0, $0xb8;
	[tilespmem:$0x18800] =	vst v63  }
0x598: {  	v3 =	vld [tilespmem:$0x790];
	_ =	sdelay $0x4  }
0x599: {  	v57 =	vshll.u32 v3, $0x1  }
0x59a: {  	v3 =	vand.u32 $0x7, v3;
	v4 =	vand.u32 $0xFFFFFFF0, v57  }
0x59b: {  	v3 =	vor.u32 v3, v4  }
0x59c: {  	v4 =	vperm.xlane v3, v0;
	_ =	sdelay $0x1  }
0x59d: {  	v3 =	vperm.xlane v3, v2;
	v4 =	vadd.s32 v1, v4;
	_ =	sdelay $0x1  }
0x59e: {  	v3 =	vadd.s32 v1, v3;
	_ =	sdelay $0x1  }
0x59f: {  	s5 =	simm.s32 $0x1800  }
0x5a0: {  	[tilespmem:s5], [sflag:$0x1] =	stream.indirect_vreg.gather [hbm4b:s1+s3], $0x80, v4, vm0, $0xb8;
	[tilespmem:$0x18800] =	vst v63  }
0x5a1: {  	s18 =	simm.s32 $0x2000  }
0x5a2: {  	[tilespmem:s18], [sflag:$0x1] =	stream.indirect_vreg.gather [hbm4b:s1+s3], $0x80, v3, vm0, $0xb8;
	[tilespmem:$0x18800] =	vst v63  }
0x5a3: {  	v3 =	vld [tilespmem:$0x7A0];
	_ =	sdelay $0x4  }
0x5a4: {  	v58 =	vshll.u32 v3, $0x1  }
0x5a5: {  	v3 =	vand.u32 $0x7, v3;
	v4 =	vand.u32 $0xFFFFFFF0, v58  }
0x5a6: {  	v3 =	vor.u32 v3, v4  }
0x5a7: {  	v4 =	vperm.xlane v3, v0;
	_ =	sdelay $0x1  }
0x5a8: {  	v3 =	vperm.xlane v3, v2;
	v4 =	vadd.s32 v1, v4;
	_ =	sdelay $0x1  }
0x5a9: {  	v3 =	vadd.s32 v1, v3;
	_ =	sdelay $0x1  }
0x5aa: {  	s12 =	simm.s32 $0x2800  }
0x5ab: {  	[tilespmem:s12], [sflag:$0x1] =	stream.indirect_vreg.gather [hbm4b:s1+s3], $0x80, v4, vm0, $0xb8;
	[tilespmem:$0x18800] =	vst v63  }
0x5ac: {  	s10 =	simm.s32 $0x3000  }
0x5ad: {  	[tilespmem:s10], [sflag:$0x1] =	stream.indirect_vreg.gather [hbm4b:s1+s3], $0x80, v3, vm0, $0xb8;
	[tilespmem:$0x18800] =	vst v63  }
0x5ae: {  	v3 =	vld [tilespmem:$0x7B0];
	_ =	sdelay $0x4  }
0x5af: {  	v59 =	vshll.u32 v3, $0x1  }
0x5b0: {  	v3 =	vand.u32 $0x7, v3;
	v4 =	vand.u32 $0xFFFFFFF0, v59  }
0x5b1: {  	v3 =	vor.u32 v3, v4  }
0x5b2: {  	v4 =	vperm.xlane v3, v0;
	_ =	sdelay $0x1  }
0x5b3: {  	v3 =	vperm.xlane v3, v2;
	v4 =	vadd.s32 v1, v4;
	_ =	sdelay $0x1  }
0x5b4: {  	v3 =	vadd.s32 v1, v3;
	_ =	sdelay $0x1  }
0x5b5: {  	s11 =	simm.s32 $0x3800  }
0x5b6: {  	[tilespmem:s11], [sflag:$0x1] =	stream.indirect_vreg.gather [hbm4b:s1+s3], $0x80, v4, vm0, $0xb8;
	[tilespmem:$0x18800] =	vst v63  }
0x5b7: {  	s12 =	simm.s32 $0x4000  }
0x5b8: {  	[tilespmem:s12], [sflag:$0x1] =	stream.indirect_vreg.gather [hbm4b:s1+s3], $0x80, v3, vm0, $0xb8;
	[tilespmem:$0x18800] =	vst v63  }
0x5b9: {  	v3 =	vld [tilespmem:$0x7C0];
	_ =	sdelay $0x4  }
0x5ba: {  	v60 =	vshll.u32 v3, $0x1  }
0x5bb: {  	v3 =	vand.u32 $0x7, v3;
	v4 =	vand.u32 $0xFFFFFFF0, v60  }
0x5bc: {  	v3 =	vor.u32 v3, v4  }
0x5bd: {  	v4 =	vperm.xlane v3, v0;
	_ =	sdelay $0x1  }
0x5be: {  	v3 =	vperm.xlane v3, v2;
	v4 =	vadd.s32 v1, v4;
	_ =	sdelay $0x1  }
0x5bf: {  	v3 =	vadd.s32 v1, v3;
	_ =	sdelay $0x1  }
0x5c0: {  	s14 =	simm.s32 $0x4800  }
0x5c1: {  	[tilespmem:s14], [sflag:$0x1] =	stream.indirect_vreg.gather [hbm4b:s1+s3], $0x80, v4, vm0, $0xb8;
	[tilespmem:$0x18800] =	vst v63  }
0x5c2: {  	s15 =	simm.s32 $0x5000  }
0x5c3: {  	[tilespmem:s15], [sflag:$0x1] =	stream.indirect_vreg.gather [hbm4b:s1+s3], $0x80, v3, vm0, $0xb8;
	[tilespmem:$0x18800] =	vst v63  }
0x5c4: {  	v3 =	vld [tilespmem:$0x7D0];
	_ =	sdelay $0x4  }
0x5c5: {  	v61 =	vshll.u32 v3, $0x1  }
0x5c6: {  	v3 =	vand.u32 $0x7, v3;
	v4 =	vand.u32 $0xFFFFFFF0, v61  }
0x5c7: {  	v3 =	vor.u32 v3, v4  }
0x5c8: {  	v4 =	vperm.xlane v3, v0;
	_ =	sdelay $0x1  }
0x5c9: {  	v3 =	vperm.xlane v3, v2;
	v4 =	vadd.s32 v1, v4;
	_ =	sdelay $0x1  }
0x5ca: {  	v3 =	vadd.s32 v1, v3;
	_ =	sdelay $0x1  }
0x5cb: {  	s16 =	simm.s32 $0x5800  }
0x5cc: {  	[tilespmem:s16], [sflag:$0x1] =	stream.indirect_vreg.gather [hbm4b:s1+s3], $0x80, v4, vm0, $0xb8;
	[tilespmem:$0x18800] =	vst v63  }
0x5cd: {  	s17 =	simm.s32 $0x6000  }
0x5ce: {  	[tilespmem:s17], [sflag:$0x1] =	stream.indirect_vreg.gather [hbm4b:s1+s3], $0x80, v3, vm0, $0xb8;
	[tilespmem:$0x18800] =	vst v63  }
0x5cf: {  	v3 =	vld [tilespmem:$0x7E0];
	_ =	sdelay $0x4  }
0x5d0: {  	v62 =	vshll.u32 v3, $0x1  }
0x5d1: {  	v3 =	vand.u32 $0x7, v3;
	v4 =	vand.u32 $0xFFFFFFF0, v62  }
0x5d2: {  	v3 =	vor.u32 v3, v4  }
0x5d3: {  	v4 =	vperm.xlane v3, v0;
	_ =	sdelay $0x1  }
0x5d4: {  	v3 =	vperm.xlane v3, v2;
	v4 =	vadd.s32 v1, v4;
	_ =	sdelay $0x1  }
0x5d5: {  	v3 =	vadd.s32 v1, v3;
	_ =	sdelay $0x1  }
0x5d6: {  	s18 =	simm.s32 $0x6800  }
0x5d7: {  	[tilespmem:s18], [sflag:$0x1] =	stream.indirect_vreg.gather [hbm4b:s1+s3], $0x80, v4, vm0, $0xb8;
	[tilespmem:$0x18800] =	vst v63  }
0x5d8: {  	s19 =	simm.s32 $0x7000  }
0x5d9: {  	[tilespmem:s19], [sflag:$0x1] =	stream.indirect_vreg.gather [hbm4b:s1+s3], $0x80, v3, vm0, $0xb8;
	[tilespmem:$0x18800] =	vst v63  }
0x5da: {  	v3 =	vld [tilespmem:$0x7F0];
	_ =	sdelay $0x4  }
0x5db: {  	v63 =	vshll.u32 v3, $0x1  }
0x5dc: {  	v3 =	vand.u32 $0x7, v3;
	v4 =	vand.u32 $0xFFFFFFF0, v63  }
0x5dd: {  	v3 =	vor.u32 v3, v4  }
0x5de: {  	v4 =	vperm.xlane v3, v0;
	_ =	sdelay $0x1  }
0x5df: {  	v3 =	vperm.xlane v3, v2;
	v4 =	vadd.s32 v1, v4;
	_ =	sdelay $0x1  }
0x5e0: {  	v3 =	vadd.s32 v1, v3;
	_ =	sdelay $0x1  }
0x5e1: {  	s20 =	simm.s32 $0x7800  }
0x5e2: {  	[tilespmem:s20], [sflag:$0x1] =	stream.indirect_vreg.gather [hbm4b:s1+s3], $0x80, v4, vm0, $0xb8;
	[tilespmem:$0x18800] =	vst v63  }
0x5e3: {  	s21 =	simm.s32 $0x8000  }
0x5e4: {  	[tilespmem:s21], [sflag:$0x1] =	stream.indirect_vreg.gather [hbm4b:s1+s3], $0x80, v3, vm0, $0xb8;
	[tilespmem:$0x18800] =	vst v63  }
0x5e5: {  	_ =	swait.ge [sflag:s30], $0x8000  }
0x5e6: {  	[sflag:s30] =	ssyncset.done $0x0  }
0x5e7: {  	s22 =	rddreg [dreg:$0x13];
	[sflag:s30] =	ssyncadd.s32 $0xFFFF8000  }
0x5e8: {  	[hbm4b:s22+s3] =	stream.linear.scatter [tilespmem:s13], [sflag:$0x6], $0x8000, $0x38;
	[tilespmem:$0x18800] =	vst v63  }
0x5e9: {  	_ =	swait.ge [sflag:s28], $0x8000  }
0x5ea: {  	[sflag:s28] =	ssyncset.done $0x0  }
0x5eb: {  	s23 =	rddreg [dreg:$0x14];
	[sflag:s28] =	ssyncadd.s32 $0xFFFF8000  }
0x5ec: {  	[hbm4b:s23+s3] =	stream.linear.scatter [tilespmem:s24], [sflag:$0x4], $0x8000, $0x38;
	[tilespmem:$0x18800] =	vst v63  }
0x5ed: {  	_ =	swait.ge [sflag:s31], $0x8000  }
0x5ee: {  	[sflag:s31] =	ssyncset.done $0x0  }
0x5ef: {  	[sflag:s31] =	ssyncadd.s32 $0xFFFF8000  }
0x5f0: {  	p0 =	sne.s32 s0, $0x1;
	_ =	swait.ge [sflag:s29], $0x8000  }
.Ltmp0:
0x5f1: {  	[sflag:s29] =	ssyncset.done $0x0;
	(pc) =	sbr.rel @p0 .LBB2_1-.Ltmp0, $4  }
0x5f2: {  	[sflag:s29] =	ssyncadd.s32 $0xFFFF8000  }
0x5f3: {  	_ =	swait.ge [sflag:s25], $0x8000  }
0x5f4: {  	[sflag:s25] =	ssyncset.done $0x0  }
0x5f5: {  	s0 =	sadd.s32 $0xFFFFFFFF, s0;
	[sflag:s25] =	ssyncadd.s32 $0xFFFF8000  }
0x5f6: {  	_ =	sfence.sel $0x180000  }
0x5f7: {  	[bflag:$0x0] =	sbarrier.arrive $0xFFFF  }
0x5f8: {  	_ =	strace $0x90000047  }
0x5f9: {  	s0 =	stileid.u32;
	[bflag:$0x2] =	sbarrier.arrive $0xFFFF  }
0x5fa: {  	p0 =	sne.s32 s0, $0x0;
	s0 =	rddreg [dreg:$0x3]  }
0x5fb: {  	s0 =	sadd.s32 @!p0 $0x100000, s0  }
0x5fc: {  	[sflag:s0] =	ssyncadd.tile.s32 @!p0 $0x1;
	_ =	shalt  }
.Lfunc_end2:
_tile_overlayer_lowered:
.L_overlay_start_2:
0x5fd: {  	(tag) =	ssettag $0x2  }
0x5fe: {  	s0 =	rddreg [dreg:$0x0];
	s2 =	stileid.u32  }
0x5ff: {  	s1 =	rddreg [dreg:$0x1];
	p0 =	sne.s32 s2, $0x0  }
0x600: {  	s3 =	rddreg [dreg:$0x2];
	[bflag:$0x3] =	sbarrier.arrive $0xFFFF;
	s2 =	simm.s32 @!p0 $0x1C07  }
0x601: {  	[timem:s3], [sflag:s2] =	dma.local @!p0 [hbm:s0], s1  }
0x602: {  	s0 =	simm.s32 @!p0 $0x7  }
0x603: {  	_ =	swait.ge @!p0 [sflag:s0], s1  }
0x604: {  	s1 =	ssub.s32 @!p0 $0x0, s1;
	[sflag:s0] =	ssyncset.done @!p0 $0x0  }
0x605: {  	[sflag:s0] =	ssyncadd.s32 @!p0 s1  }
0x606: {  	[bflag:$0x3] =	sbarrier.arrive $0xFFFF  }
0x607: {  	_ =	shalt  }

</sc_bundles>
